<compile_context>
chip_gen: v7x
topology: tpu7x:2x2x1
jax: 0.10.2.dev20260603
libtpu: 0.0.44.dev20260713+nightly
codegen_flags: <defaults>
</compile_context>

<pallas_src>
import functools
import math

import jax
import jax.numpy as jnp
from jax import lax
from jax.experimental import pallas as pl
from jax.experimental.pallas import tpu as pltpu
from jax.experimental.pallas import tpu_sc as plsc

D_MODEL = 64
SCALE = math.sqrt(D_MODEL)
NC = 2
NS = 16
NW = NC * NS
L = 16
NBLK = 128
NB = 4


def _embed(xt, table, n_tokens, seq):
    n_blocks = n_tokens // NBLK
    assert n_blocks == NW and seq % NB == 0

    mesh = plsc.VectorSubcoreMesh(core_axis_name="c", subcore_axis_name="s")

    @functools.partial(
        pl.kernel,
        mesh=mesh,
        out_type=jax.ShapeDtypeStruct(
            (seq, D_MODEL // 8, n_blocks, 8, NBLK), jnp.float32
        ),
        compiler_params=pltpu.CompilerParams(
            use_tc_tiling_on_sc=False, needs_layout_passes=False
        ),
        scratch_types=[
            pltpu.VMEM((seq, NBLK), jnp.int32),
            pltpu.VMEM((NB, NBLK, D_MODEL), jnp.float32),
            pltpu.VMEM((NB, D_MODEL // 8, 8, NBLK + 1), jnp.float32),
            [pltpu.SemaphoreType.DMA] * NB,
            [pltpu.SemaphoreType.DMA] * NB,
        ],
    )
    def k(x_hbm, tab_hbm, out_hbm, idx_v, gbufs, obufs, gsems, ssems):
        wid = lax.axis_index("s") * NC + lax.axis_index("c")
        pltpu.sync_copy(x_hbm.at[:, pl.ds(wid * NBLK, NBLK)], idx_v)

        def gather_start(s, p):
            pltpu.async_copy(
                tab_hbm.at[idx_v.at[s]], gbufs.at[p], gsems[p]
            )

        def gather_wait(p):
            pltpu.make_async_copy(
                tab_hbm.at[idx_v.at[0]], gbufs.at[p], gsems[p]
            ).wait()

        def store_start(s, p):
            pltpu.async_copy(
                obufs.at[p, :, :, pl.ds(0, NBLK)],
                out_hbm.at[s, :, wid],
                ssems[p],
            )

        def store_wait(p):
            pltpu.make_async_copy(
                obufs.at[p, :, :, pl.ds(0, NBLK)],
                out_hbm.at[0, :, wid],
                ssems[p],
            ).wait()

        gather_start(0, 0)
        gather_start(1, 1)
        gather_start(2, 2)

        iota = jax.lax.iota(jnp.int32, L)
        dts = [(iota + q * L) >> 3 for q in range(D_MODEL // L)]
        dbs = [(iota + q * L) & 7 for q in range(D_MODEL // L)]

        @pl.loop(0, seq, step=NB)
        def superstep(s0):
            for p in range(NB):
                s = s0 + p
                gather_wait(p)

                @pl.when(s >= NB)
                def _():
                    store_wait(p)

                @plsc.parallel_loop(0, NBLK, unroll=8)
                def tok(t):
                    colt = jnp.full((L,), t, jnp.int32)
                    for q in range(D_MODEL // L):
                        v = gbufs[p, t, pl.ds(q * L, L)]
                        plsc.store_scatter(
                            obufs.at[p], [dts[q], dbs[q], colt], v * SCALE
                        )

                @pl.when(s + 3 < seq)
                def _():
                    gather_start(s + 3, (p + 3) % NB)

                store_start(s, p)

        for p in range(NB):
            store_wait(p)

    return k(xt, table)


def kernel(x, table):
    n, seq = x.shape
    out5 = _embed(x.T, table, n, seq)
    return out5.transpose(2, 4, 0, 1, 3).reshape(n, seq, D_MODEL)

# --- scband reference (transcript-rebuilt; emitter-appended) ---
"""Pipeline reference for scband-embedding-2430951489947 (READ-ONLY COPY).

The authoritative reference and input builder live on the scoring server;
editing this copy changes nothing except your own understanding.
"""

import jax, jax.numpy as jnp
import numpy as np
import math

D_MODEL = 64
VOCAB_SIZE = 1000000

def setup_inputs(seed: int = 0) -> dict:
    key = jax.random.key(seed)
    k1, k2 = jax.random.split(key)
    x = jax.random.randint(k1, (4096, 200), 0, VOCAB_SIZE, dtype=jnp.int64 if jax.config.jax_enable_x64 else jnp.int32)
    table = jax.random.normal(k2, (VOCAB_SIZE, D_MODEL), dtype=jnp.float32)
    return {"x": x, "table": table}

def reference(x, table):
    # Faithful to: self.embedding(x) * math.sqrt(self.d_model)
    emb = jnp.take(table, x, axis=0)
    return emb * math.sqrt(D_MODEL)

if __name__ == "__main__":
    import jax
    _d = setup_inputs()
    print(jax.jit(kernel)(*tuple(_d.values())))

</pallas_src>

<mosaic_0001>
#map = affine_map<(d0, d1) -> (0, 0)>
#map1 = affine_map<(d0, d1) -> (0, 0, 0, 0, 0)>
module attributes {stable_mosaic.version = 14 : i64} {
  func.func @k(%arg0: i32, %arg1: i32, %arg2: memref<200x4096xi32, #tpu.memory_space<hbm>>, %arg3: memref<1000000x64xf32, #tpu.memory_space<hbm>>, %arg4: memref<200x8x32x8x128xf32, #tpu.memory_space<hbm>>, %arg5: memref<200x128xi32, #tpu.memory_space<vmem>>, %arg6: memref<4x128x64xf32, #tpu.memory_space<vmem>>, %arg7: memref<4x8x8x129xf32, #tpu.memory_space<vmem>>, %arg8: memref<!tpu.dma_semaphore, #tpu.memory_space<semaphore_mem>>, %arg9: memref<!tpu.dma_semaphore, #tpu.memory_space<semaphore_mem>>, %arg10: memref<!tpu.dma_semaphore, #tpu.memory_space<semaphore_mem>>, %arg11: memref<!tpu.dma_semaphore, #tpu.memory_space<semaphore_mem>>, %arg12: memref<!tpu.dma_semaphore, #tpu.memory_space<semaphore_mem>>, %arg13: memref<!tpu.dma_semaphore, #tpu.memory_space<semaphore_mem>>, %arg14: memref<!tpu.dma_semaphore, #tpu.memory_space<semaphore_mem>>, %arg15: memref<!tpu.dma_semaphore, #tpu.memory_space<semaphore_mem>>) attributes {dimension_semantics = [#tpu.dimension_semantics<core_parallel>, #tpu.dimension_semantics<subcore_parallel>], iteration_bounds = array<i64: 2, 16>, scalar_prefetch = 0 : i64, scratch_operands = 11 : i64, tpu.core_type = #tpu.core_type<sc_vector_subcore>, window_params = [{transform_indices = #map}, {transform_indices = #map}, {transform_indices = #map1}]} {
    %mul3A = arith.constant 2 : i32
    %mul3A_0 = arith.muli %arg1, %mul3A : i32
    %add3A = arith.addi %mul3A_0, %arg0 : i32
    %mul3A_1 = arith.constant 128 : i32
    %mul3A_2 = arith.muli %add3A, %mul3A_1 : i32
    "tpu.region"() ({
      %run_scoped3A = tpu.sem_alloc : memref<!tpu.dma_semaphore, #tpu.memory_space<semaphore_mem>>
      %dma_start3A_175 = arith.constant 0 : i32
      %dma_start3A_176 = tpu.memref_slice %arg2[%dma_start3A_175, %mul3A_2] : memref<200x4096xi32, #tpu.memory_space<hbm>> -> memref<200x128xi32, #tpu.memory_space<hbm>>
      %dma_start3A_177 = arith.constant 0 : i32
      %dma_start3A_178 = tpu.memref_slice %arg2[%dma_start3A_177, %mul3A_2] : memref<200x4096xi32, #tpu.memory_space<hbm>> -> memref<200x128xi32, #tpu.memory_space<hbm>>
      tpu.enqueue_dma source(%dma_start3A_178 : memref<200x128xi32, #tpu.memory_space<hbm>>) target(%arg5 : memref<200x128xi32, #tpu.memory_space<vmem>>) target_semaphore(%run_scoped3A : memref<!tpu.dma_semaphore, #tpu.memory_space<semaphore_mem>>)
      %dma_wait3A_179 = arith.constant 0 : i32
      %dma_wait3A_180 = tpu.memref_slice %arg2[%dma_wait3A_179, %mul3A_2] : memref<200x4096xi32, #tpu.memory_space<hbm>> -> memref<200x128xi32, #tpu.memory_space<hbm>>
      %dma_wait3A_181 = arith.constant 0 : i32
      %dma_wait3A_182 = tpu.memref_slice %arg2[%dma_wait3A_181, %mul3A_2] : memref<200x4096xi32, #tpu.memory_space<hbm>> -> memref<200x128xi32, #tpu.memory_space<hbm>>
      tpu.wait_dma2 semaphore(%run_scoped3A : memref<!tpu.dma_semaphore, #tpu.memory_space<semaphore_mem>>) src(%dma_wait3A_182 : memref<200x128xi32, #tpu.memory_space<hbm>>) dst(%arg5 : memref<200x128xi32, #tpu.memory_space<vmem>>)
      tpu.yield
    }) : () -> ()
    %dma_start3A = arith.constant 0 : i32
    %dma_start3A_3 = arith.constant 0 : i32
    %dma_start3A_4 = arith.constant 0 : i32
    %dma_start3A_5 = arith.constant 0 : i32
    %dma_start3A_6 = tpu.memref_slice %arg6[%dma_start3A_3, %dma_start3A_4, %dma_start3A_5] : memref<4x128x64xf32, #tpu.memory_space<vmem>> -> memref<1x128x64xf32, #tpu.memory_space<vmem>>
    %dma_start3A_7 = tpu.memref_squeeze %dma_start3A_6 : memref<1x128x64xf32, #tpu.memory_space<vmem>> -> memref<128x64xf32, #tpu.memory_space<vmem>>
    %dma_start3A_8 = arith.constant 0 : i32
    %dma_start3A_9 = tpu.memref_slice %arg5[%dma_start3A, %dma_start3A_8] : memref<200x128xi32, #tpu.memory_space<vmem>> -> memref<1x128xi32, #tpu.memory_space<vmem>>
    %dma_start3A_10 = tpu.memref_squeeze %dma_start3A_9 : memref<1x128xi32, #tpu.memory_space<vmem>> -> memref<128xi32, #tpu.memory_space<vmem>>
    %dma_start3A_11 = arith.constant 0 : i32
    %dma_start3A_12 = arith.constant 0 : i32
    %dma_start3A_13 = tpu.memref_slice %arg3[%dma_start3A_11, %dma_start3A_12] : memref<1000000x64xf32, #tpu.memory_space<hbm>> -> memref<1000000x64xf32, #tpu.memory_space<hbm>>
    tpu.enqueue_indirect_dma source(%dma_start3A_13 : memref<1000000x64xf32, #tpu.memory_space<hbm>>) target(%dma_start3A_7 : memref<128x64xf32, #tpu.memory_space<vmem>>) offsets(%dma_start3A_10 : memref<128xi32, #tpu.memory_space<vmem>>) semaphore(%arg8 : memref<!tpu.dma_semaphore, #tpu.memory_space<semaphore_mem>>)
    %dma_start3A_14 = arith.constant 1 : i32
    %dma_start3A_15 = arith.constant 1 : i32
    %dma_start3A_16 = arith.constant 0 : i32
    %dma_start3A_17 = arith.constant 0 : i32
    %dma_start3A_18 = tpu.memref_slice %arg6[%dma_start3A_15, %dma_start3A_16, %dma_start3A_17] : memref<4x128x64xf32, #tpu.memory_space<vmem>> -> memref<1x128x64xf32, #tpu.memory_space<vmem>>
    %dma_start3A_19 = tpu.memref_squeeze %dma_start3A_18 : memref<1x128x64xf32, #tpu.memory_space<vmem>> -> memref<128x64xf32, #tpu.memory_space<vmem>>
    %dma_start3A_20 = arith.constant 0 : i32
    %dma_start3A_21 = tpu.memref_slice %arg5[%dma_start3A_14, %dma_start3A_20] : memref<200x128xi32, #tpu.memory_space<vmem>> -> memref<1x128xi32, #tpu.memory_space<vmem>>
    %dma_start3A_22 = tpu.memref_squeeze %dma_start3A_21 : memref<1x128xi32, #tpu.memory_space<vmem>> -> memref<128xi32, #tpu.memory_space<vmem>>
    %dma_start3A_23 = arith.constant 0 : i32
    %dma_start3A_24 = arith.constant 0 : i32
    %dma_start3A_25 = tpu.memref_slice %arg3[%dma_start3A_23, %dma_start3A_24] : memref<1000000x64xf32, #tpu.memory_space<hbm>> -> memref<1000000x64xf32, #tpu.memory_space<hbm>>
    tpu.enqueue_indirect_dma source(%dma_start3A_25 : memref<1000000x64xf32, #tpu.memory_space<hbm>>) target(%dma_start3A_19 : memref<128x64xf32, #tpu.memory_space<vmem>>) offsets(%dma_start3A_22 : memref<128xi32, #tpu.memory_space<vmem>>) semaphore(%arg9 : memref<!tpu.dma_semaphore, #tpu.memory_space<semaphore_mem>>)
    %dma_start3A_26 = arith.constant 2 : i32
    %dma_start3A_27 = arith.constant 2 : i32
    %dma_start3A_28 = arith.constant 0 : i32
    %dma_start3A_29 = arith.constant 0 : i32
    %dma_start3A_30 = tpu.memref_slice %arg6[%dma_start3A_27, %dma_start3A_28, %dma_start3A_29] : memref<4x128x64xf32, #tpu.memory_space<vmem>> -> memref<1x128x64xf32, #tpu.memory_space<vmem>>
    %dma_start3A_31 = tpu.memref_squeeze %dma_start3A_30 : memref<1x128x64xf32, #tpu.memory_space<vmem>> -> memref<128x64xf32, #tpu.memory_space<vmem>>
    %dma_start3A_32 = arith.constant 0 : i32
    %dma_start3A_33 = tpu.memref_slice %arg5[%dma_start3A_26, %dma_start3A_32] : memref<200x128xi32, #tpu.memory_space<vmem>> -> memref<1x128xi32, #tpu.memory_space<vmem>>
    %dma_start3A_34 = tpu.memref_squeeze %dma_start3A_33 : memref<1x128xi32, #tpu.memory_space<vmem>> -> memref<128xi32, #tpu.memory_space<vmem>>
    %dma_start3A_35 = arith.constant 0 : i32
    %dma_start3A_36 = arith.constant 0 : i32
    %dma_start3A_37 = tpu.memref_slice %arg3[%dma_start3A_35, %dma_start3A_36] : memref<1000000x64xf32, #tpu.memory_space<hbm>> -> memref<1000000x64xf32, #tpu.memory_space<hbm>>
    tpu.enqueue_indirect_dma source(%dma_start3A_37 : memref<1000000x64xf32, #tpu.memory_space<hbm>>) target(%dma_start3A_31 : memref<128x64xf32, #tpu.memory_space<vmem>>) offsets(%dma_start3A_34 : memref<128xi32, #tpu.memory_space<vmem>>) semaphore(%arg10 : memref<!tpu.dma_semaphore, #tpu.memory_space<semaphore_mem>>)
    %iota3A = tpu.iota {dimensions = array<i32: 0>} : vector<16xi32>
    %add3A_38 = arith.constant 0 : i32
    %add3A_39 = vector.broadcast %add3A_38 : i32 to vector<16xi32>
    %add3A_40 = arith.addi %iota3A, %add3A_39 : vector<16xi32>
    %shift_right_arithmetic3A = arith.constant 3 : i32
    %shift_right_arithmetic3A_41 = vector.broadcast %shift_right_arithmetic3A : i32 to vector<16xi32>
    %shift_right_arithmetic3A_42 = arith.shrsi %add3A_40, %shift_right_arithmetic3A_41 : vector<16xi32>
    %add3A_43 = arith.constant 16 : i32
    %add3A_44 = vector.broadcast %add3A_43 : i32 to vector<16xi32>
    %add3A_45 = arith.addi %iota3A, %add3A_44 : vector<16xi32>
    %shift_right_arithmetic3A_46 = arith.constant 3 : i32
    %shift_right_arithmetic3A_47 = vector.broadcast %shift_right_arithmetic3A_46 : i32 to vector<16xi32>
    %shift_right_arithmetic3A_48 = arith.shrsi %add3A_45, %shift_right_arithmetic3A_47 : vector<16xi32>
    %add3A_49 = arith.constant 32 : i32
    %add3A_50 = vector.broadcast %add3A_49 : i32 to vector<16xi32>
    %add3A_51 = arith.addi %iota3A, %add3A_50 : vector<16xi32>
    %shift_right_arithmetic3A_52 = arith.constant 3 : i32
    %shift_right_arithmetic3A_53 = vector.broadcast %shift_right_arithmetic3A_52 : i32 to vector<16xi32>
    %shift_right_arithmetic3A_54 = arith.shrsi %add3A_51, %shift_right_arithmetic3A_53 : vector<16xi32>
    %add3A_55 = arith.constant 48 : i32
    %add3A_56 = vector.broadcast %add3A_55 : i32 to vector<16xi32>
    %add3A_57 = arith.addi %iota3A, %add3A_56 : vector<16xi32>
    %shift_right_arithmetic3A_58 = arith.constant 3 : i32
    %shift_right_arithmetic3A_59 = vector.broadcast %shift_right_arithmetic3A_58 : i32 to vector<16xi32>
    %shift_right_arithmetic3A_60 = arith.shrsi %add3A_57, %shift_right_arithmetic3A_59 : vector<16xi32>
    %add3A_61 = arith.constant 0 : i32
    %add3A_62 = vector.broadcast %add3A_61 : i32 to vector<16xi32>
    %add3A_63 = arith.addi %iota3A, %add3A_62 : vector<16xi32>
    %and3A = arith.constant 7 : i32
    %and3A_64 = vector.broadcast %and3A : i32 to vector<16xi32>
    %and3A_65 = arith.andi %add3A_63, %and3A_64 : vector<16xi32>
    %add3A_66 = arith.constant 16 : i32
    %add3A_67 = vector.broadcast %add3A_66 : i32 to vector<16xi32>
    %add3A_68 = arith.addi %iota3A, %add3A_67 : vector<16xi32>
    %and3A_69 = arith.constant 7 : i32
    %and3A_70 = vector.broadcast %and3A_69 : i32 to vector<16xi32>
    %and3A_71 = arith.andi %add3A_68, %and3A_70 : vector<16xi32>
    %add3A_72 = arith.constant 32 : i32
    %add3A_73 = vector.broadcast %add3A_72 : i32 to vector<16xi32>
    %add3A_74 = arith.addi %iota3A, %add3A_73 : vector<16xi32>
    %and3A_75 = arith.constant 7 : i32
    %and3A_76 = vector.broadcast %and3A_75 : i32 to vector<16xi32>
    %and3A_77 = arith.andi %add3A_74, %and3A_76 : vector<16xi32>
    %add3A_78 = arith.constant 48 : i32
    %add3A_79 = vector.broadcast %add3A_78 : i32 to vector<16xi32>
    %add3A_80 = arith.addi %iota3A, %add3A_79 : vector<16xi32>
    %and3A_81 = arith.constant 7 : i32
    %and3A_82 = vector.broadcast %and3A_81 : i32 to vector<16xi32>
    %and3A_83 = arith.andi %add3A_80, %and3A_82 : vector<16xi32>
    %scan3A = arith.constant 0 : i32
    %scan3A_84 = arith.constant 50 : i32
    %scan3A_85 = arith.addi %scan3A, %scan3A_84 : i32
    %scan3A_86 = arith.constant 1 : i32
    scf.for %scan3A_175 = %scan3A to %scan3A_85 step %scan3A_86  : i32 {
      %mul3A_176 = arith.constant 4 : i32
      %mul3A_177 = arith.muli %scan3A_175, %mul3A_176 : i32
      %add3A_178 = arith.constant 0 : i32
      %add3A_179 = arith.addi %add3A_178, %mul3A_177 : i32
      %add3A_180 = arith.constant 0 : i32
      %add3A_181 = arith.addi %add3A_179, %add3A_180 : i32
      %dma_wait3A_182 = arith.constant 0 : i32
      %dma_wait3A_183 = arith.constant 0 : i32
      %dma_wait3A_184 = arith.constant 0 : i32
      %dma_wait3A_185 = arith.constant 0 : i32
      %dma_wait3A_186 = tpu.memref_slice %arg6[%dma_wait3A_183, %dma_wait3A_184, %dma_wait3A_185] : memref<4x128x64xf32, #tpu.memory_space<vmem>> -> memref<1x128x64xf32, #tpu.memory_space<vmem>>
      %dma_wait3A_187 = tpu.memref_squeeze %dma_wait3A_186 : memref<1x128x64xf32, #tpu.memory_space<vmem>> -> memref<128x64xf32, #tpu.memory_space<vmem>>
      %dma_wait3A_188 = arith.constant 0 : i32
      %dma_wait3A_189 = tpu.memref_slice %arg5[%dma_wait3A_182, %dma_wait3A_188] : memref<200x128xi32, #tpu.memory_space<vmem>> -> memref<1x128xi32, #tpu.memory_space<vmem>>
      %dma_wait3A_190 = tpu.memref_squeeze %dma_wait3A_189 : memref<1x128xi32, #tpu.memory_space<vmem>> -> memref<128xi32, #tpu.memory_space<vmem>>
      %dma_wait3A_191 = arith.constant 0 : i32
      %dma_wait3A_192 = arith.constant 0 : i32
      %dma_wait3A_193 = tpu.memref_slice %arg3[%dma_wait3A_191, %dma_wait3A_192] : memref<1000000x64xf32, #tpu.memory_space<hbm>> -> memref<1000000x64xf32, #tpu.memory_space<hbm>>
      tpu.wait_indirect_dma semaphore(%arg8 : memref<!tpu.dma_semaphore, #tpu.memory_space<semaphore_mem>>) src(%dma_wait3A_193 : memref<1000000x64xf32, #tpu.memory_space<hbm>>) dst(%dma_wait3A_187 : memref<128x64xf32, #tpu.memory_space<vmem>>)
      %ge3A = arith.constant 4 : i32
      %ge3A_194 = arith.cmpi sge, %add3A_181, %ge3A : i32
      %convert_element_type3A = arith.extui %ge3A_194 : i1 to i32
      %cond3A = arith.constant 0 : i32
      %cond3A_195 = arith.cmpi ne, %convert_element_type3A, %cond3A : i32
      scf.if %cond3A_195 {
        %dma_wait3A_375 = arith.constant 0 : i32
        %dma_wait3A_376 = arith.constant 0 : i32
        %dma_wait3A_377 = arith.constant 0 : i32
        %dma_wait3A_378 = arith.constant 0 : i32
        %dma_wait3A_379 = arith.constant 0 : i32
        %dma_wait3A_380 = tpu.memref_slice %arg7[%dma_wait3A_375, %dma_wait3A_377, %dma_wait3A_378, %dma_wait3A_379] : memref<4x8x8x129xf32, #tpu.memory_space<vmem>> -> memref<1x8x8x128xf32, #tpu.memory_space<vmem>>
        %dma_wait3A_381 = tpu.memref_squeeze %dma_wait3A_380 : memref<1x8x8x128xf32, #tpu.memory_space<vmem>> -> memref<8x8x128xf32, #tpu.memory_space<vmem>>
        %dma_wait3A_382 = arith.constant 0 : i32
        %dma_wait3A_383 = arith.constant 0 : i32
        %dma_wait3A_384 = arith.constant 0 : i32
        %dma_wait3A_385 = tpu.memref_slice %arg4[%dma_wait3A_376, %dma_wait3A_382, %add3A, %dma_wait3A_383, %dma_wait3A_384] : memref<200x8x32x8x128xf32, #tpu.memory_space<hbm>> -> memref<1x8x1x8x128xf32, #tpu.memory_space<hbm>>
        %dma_wait3A_386 = tpu.memref_squeeze %dma_wait3A_385 : memref<1x8x1x8x128xf32, #tpu.memory_space<hbm>> -> memref<8x8x128xf32, #tpu.memory_space<hbm>>
        %dma_wait3A_387 = arith.constant 0 : i32
        %dma_wait3A_388 = arith.constant 0 : i32
        %dma_wait3A_389 = arith.constant 0 : i32
        %dma_wait3A_390 = tpu.memref_slice %arg4[%dma_wait3A_376, %dma_wait3A_387, %add3A, %dma_wait3A_388, %dma_wait3A_389] : memref<200x8x32x8x128xf32, #tpu.memory_space<hbm>> -> memref<1x8x1x8x128xf32, #tpu.memory_space<hbm>>
        %dma_wait3A_391 = tpu.memref_squeeze %dma_wait3A_390 : memref<1x8x1x8x128xf32, #tpu.memory_space<hbm>> -> memref<8x8x128xf32, #tpu.memory_space<hbm>>
        %dma_wait3A_392 = arith.constant 0 : i32
        %dma_wait3A_393 = arith.constant 0 : i32
        %dma_wait3A_394 = arith.constant 0 : i32
        %dma_wait3A_395 = tpu.memref_slice %arg7[%dma_wait3A_375, %dma_wait3A_392, %dma_wait3A_393, %dma_wait3A_394] : memref<4x8x8x129xf32, #tpu.memory_space<vmem>> -> memref<1x8x8x128xf32, #tpu.memory_space<vmem>>
        %dma_wait3A_396 = tpu.memref_squeeze %dma_wait3A_395 : memref<1x8x8x128xf32, #tpu.memory_space<vmem>> -> memref<8x8x128xf32, #tpu.memory_space<vmem>>
        tpu.wait_dma2 semaphore(%arg12 : memref<!tpu.dma_semaphore, #tpu.memory_space<semaphore_mem>>) src(%dma_wait3A_396 : memref<8x8x128xf32, #tpu.memory_space<vmem>>) dst(%dma_wait3A_391 : memref<8x8x128xf32, #tpu.memory_space<hbm>>)
      } else {
      }
      %parallel_loop3A = arith.constant 0 : i32
      %parallel_loop3A_196 = arith.constant 128 : i32
      %parallel_loop3A_197 = arith.constant 1 : i32
      scf.for %parallel_loop3A_375 = %parallel_loop3A to %parallel_loop3A_196 step %parallel_loop3A_197  : i32 {
        %parallel_loop3A_376 = vector.broadcast %parallel_loop3A_375 : i32 to vector<16xi32>
        %parallel_loop3A_377 = arith.constant 0 : i32
        %parallel_loop3A_378 = arith.index_cast %parallel_loop3A_377 : i32 to index
        %parallel_loop3A_379 = arith.index_cast %parallel_loop3A_375 : i32 to index
        %parallel_loop3A_380 = arith.constant 0 : index
        %parallel_loop3A_381 = tpu.vector_load %arg6[%parallel_loop3A_378, %parallel_loop3A_379, %parallel_loop3A_380] {strides = array<i32>} : memref<4x128x64xf32, #tpu.memory_space<vmem>>, vector<16xf32>,
        %parallel_loop3A_382 = arith.constant 8.000000e+00 : f32
        %parallel_loop3A_383 = vector.broadcast %parallel_loop3A_382 : f32 to vector<16xf32>
        %parallel_loop3A_384 = arith.mulf %parallel_loop3A_381, %parallel_loop3A_383 : vector<16xf32>
        %parallel_loop3A_385 = arith.constant 0 : i32
        %parallel_loop3A_386 = arith.constant 0 : i32
        %parallel_loop3A_387 = arith.constant 0 : i32
        %parallel_loop3A_388 = arith.constant 0 : i32
        %parallel_loop3A_389 = tpu.memref_slice %arg7[%parallel_loop3A_385, %parallel_loop3A_386, %parallel_loop3A_387, %parallel_loop3A_388] : memref<4x8x8x129xf32, #tpu.memory_space<vmem>> -> memref<1x8x8x129xf32, #tpu.memory_space<vmem>>
        %parallel_loop3A_390 = tpu.memref_squeeze %parallel_loop3A_389 : memref<1x8x8x129xf32, #tpu.memory_space<vmem>> -> memref<8x8x129xf32, #tpu.memory_space<vmem>>
        tpu.vector_store_idx %parallel_loop3A_390[%shift_right_arithmetic3A_42, %and3A_65, %parallel_loop3A_376], %parallel_loop3A_384 : memref<8x8x129xf32, #tpu.memory_space<vmem>>[vector<16xi32>, vector<16xi32>, vector<16xi32>], vector<16xf32>,
        %parallel_loop3A_391 = arith.constant 0 : i32
        %parallel_loop3A_392 = arith.index_cast %parallel_loop3A_391 : i32 to index
        %parallel_loop3A_393 = arith.index_cast %parallel_loop3A_375 : i32 to index
        %parallel_loop3A_394 = arith.constant 16 : index
        %parallel_loop3A_395 = tpu.vector_load %arg6[%parallel_loop3A_392, %parallel_loop3A_393, %parallel_loop3A_394] {strides = array<i32>} : memref<4x128x64xf32, #tpu.memory_space<vmem>>, vector<16xf32>,
        %parallel_loop3A_396 = arith.constant 8.000000e+00 : f32
        %parallel_loop3A_397 = vector.broadcast %parallel_loop3A_396 : f32 to vector<16xf32>
        %parallel_loop3A_398 = arith.mulf %parallel_loop3A_395, %parallel_loop3A_397 : vector<16xf32>
        %parallel_loop3A_399 = arith.constant 0 : i32
        %parallel_loop3A_400 = arith.constant 0 : i32
        %parallel_loop3A_401 = arith.constant 0 : i32
        %parallel_loop3A_402 = arith.constant 0 : i32
        %parallel_loop3A_403 = tpu.memref_slice %arg7[%parallel_loop3A_399, %parallel_loop3A_400, %parallel_loop3A_401, %parallel_loop3A_402] : memref<4x8x8x129xf32, #tpu.memory_space<vmem>> -> memref<1x8x8x129xf32, #tpu.memory_space<vmem>>
        %parallel_loop3A_404 = tpu.memref_squeeze %parallel_loop3A_403 : memref<1x8x8x129xf32, #tpu.memory_space<vmem>> -> memref<8x8x129xf32, #tpu.memory_space<vmem>>
        tpu.vector_store_idx %parallel_loop3A_404[%shift_right_arithmetic3A_48, %and3A_71, %parallel_loop3A_376], %parallel_loop3A_398 : memref<8x8x129xf32, #tpu.memory_space<vmem>>[vector<16xi32>, vector<16xi32>, vector<16xi32>], vector<16xf32>,
        %parallel_loop3A_405 = arith.constant 0 : i32
        %parallel_loop3A_406 = arith.index_cast %parallel_loop3A_405 : i32 to index
        %parallel_loop3A_407 = arith.index_cast %parallel_loop3A_375 : i32 to index
        %parallel_loop3A_408 = arith.constant 32 : index
        %parallel_loop3A_409 = tpu.vector_load %arg6[%parallel_loop3A_406, %parallel_loop3A_407, %parallel_loop3A_408] {strides = array<i32>} : memref<4x128x64xf32, #tpu.memory_space<vmem>>, vector<16xf32>,
        %parallel_loop3A_410 = arith.constant 8.000000e+00 : f32
        %parallel_loop3A_411 = vector.broadcast %parallel_loop3A_410 : f32 to vector<16xf32>
        %parallel_loop3A_412 = arith.mulf %parallel_loop3A_409, %parallel_loop3A_411 : vector<16xf32>
        %parallel_loop3A_413 = arith.constant 0 : i32
        %parallel_loop3A_414 = arith.constant 0 : i32
        %parallel_loop3A_415 = arith.constant 0 : i32
        %parallel_loop3A_416 = arith.constant 0 : i32
        %parallel_loop3A_417 = tpu.memref_slice %arg7[%parallel_loop3A_413, %parallel_loop3A_414, %parallel_loop3A_415, %parallel_loop3A_416] : memref<4x8x8x129xf32, #tpu.memory_space<vmem>> -> memref<1x8x8x129xf32, #tpu.memory_space<vmem>>
        %parallel_loop3A_418 = tpu.memref_squeeze %parallel_loop3A_417 : memref<1x8x8x129xf32, #tpu.memory_space<vmem>> -> memref<8x8x129xf32, #tpu.memory_space<vmem>>
        tpu.vector_store_idx %parallel_loop3A_418[%shift_right_arithmetic3A_54, %and3A_77, %parallel_loop3A_376], %parallel_loop3A_412 : memref<8x8x129xf32, #tpu.memory_space<vmem>>[vector<16xi32>, vector<16xi32>, vector<16xi32>], vector<16xf32>,
        %parallel_loop3A_419 = arith.constant 0 : i32
        %parallel_loop3A_420 = arith.index_cast %parallel_loop3A_419 : i32 to index
        %parallel_loop3A_421 = arith.index_cast %parallel_loop3A_375 : i32 to index
        %parallel_loop3A_422 = arith.constant 48 : index
        %parallel_loop3A_423 = tpu.vector_load %arg6[%parallel_loop3A_420, %parallel_loop3A_421, %parallel_loop3A_422] {strides = array<i32>} : memref<4x128x64xf32, #tpu.memory_space<vmem>>, vector<16xf32>,
        %parallel_loop3A_424 = arith.constant 8.000000e+00 : f32
        %parallel_loop3A_425 = vector.broadcast %parallel_loop3A_424 : f32 to vector<16xf32>
        %parallel_loop3A_426 = arith.mulf %parallel_loop3A_423, %parallel_loop3A_425 : vector<16xf32>
        %parallel_loop3A_427 = arith.constant 0 : i32
        %parallel_loop3A_428 = arith.constant 0 : i32
        %parallel_loop3A_429 = arith.constant 0 : i32
        %parallel_loop3A_430 = arith.constant 0 : i32
        %parallel_loop3A_431 = tpu.memref_slice %arg7[%parallel_loop3A_427, %parallel_loop3A_428, %parallel_loop3A_429, %parallel_loop3A_430] : memref<4x8x8x129xf32, #tpu.memory_space<vmem>> -> memref<1x8x8x129xf32, #tpu.memory_space<vmem>>
        %parallel_loop3A_432 = tpu.memref_squeeze %parallel_loop3A_431 : memref<1x8x8x129xf32, #tpu.memory_space<vmem>> -> memref<8x8x129xf32, #tpu.memory_space<vmem>>
        tpu.vector_store_idx %parallel_loop3A_432[%shift_right_arithmetic3A_60, %and3A_83, %parallel_loop3A_376], %parallel_loop3A_426 : memref<8x8x129xf32, #tpu.memory_space<vmem>>[vector<16xi32>, vector<16xi32>, vector<16xi32>], vector<16xf32>,
      } {sc.loop_unroll_factor = 8 : i64, sc.parallel_access}
      %add3A_198 = arith.constant 3 : i32
      %add3A_199 = arith.addi %add3A_181, %add3A_198 : i32
      %lt3A = arith.constant 200 : i32
      %lt3A_200 = arith.cmpi slt, %add3A_199, %lt3A : i32
      %convert_element_type3A_201 = arith.extui %lt3A_200 : i1 to i32
      %cond3A_202 = arith.constant 0 : i32
      %cond3A_203 = arith.cmpi ne, %convert_element_type3A_201, %cond3A_202 : i32
      scf.if %cond3A_203 {
        %add3A_375 = arith.constant 3 : i32
        %add3A_376 = arith.addi %add3A_181, %add3A_375 : i32
        %dma_start3A_377 = arith.constant 3 : i32
        %dma_start3A_378 = arith.constant 0 : i32
        %dma_start3A_379 = arith.constant 0 : i32
        %dma_start3A_380 = tpu.memref_slice %arg6[%dma_start3A_377, %dma_start3A_378, %dma_start3A_379] : memref<4x128x64xf32, #tpu.memory_space<vmem>> -> memref<1x128x64xf32, #tpu.memory_space<vmem>>
        %dma_start3A_381 = tpu.memref_squeeze %dma_start3A_380 : memref<1x128x64xf32, #tpu.memory_space<vmem>> -> memref<128x64xf32, #tpu.memory_space<vmem>>
        %dma_start3A_382 = arith.constant 0 : i32
        %dma_start3A_383 = tpu.memref_slice %arg5[%add3A_376, %dma_start3A_382] : memref<200x128xi32, #tpu.memory_space<vmem>> -> memref<1x128xi32, #tpu.memory_space<vmem>>
        %dma_start3A_384 = tpu.memref_squeeze %dma_start3A_383 : memref<1x128xi32, #tpu.memory_space<vmem>> -> memref<128xi32, #tpu.memory_space<vmem>>
        %dma_start3A_385 = arith.constant 0 : i32
        %dma_start3A_386 = arith.constant 0 : i32
        %dma_start3A_387 = tpu.memref_slice %arg3[%dma_start3A_385, %dma_start3A_386] : memref<1000000x64xf32, #tpu.memory_space<hbm>> -> memref<1000000x64xf32, #tpu.memory_space<hbm>>
        tpu.enqueue_indirect_dma source(%dma_start3A_387 : memref<1000000x64xf32, #tpu.memory_space<hbm>>) target(%dma_start3A_381 : memref<128x64xf32, #tpu.memory_space<vmem>>) offsets(%dma_start3A_384 : memref<128xi32, #tpu.memory_space<vmem>>) semaphore(%arg11 : memref<!tpu.dma_semaphore, #tpu.memory_space<semaphore_mem>>)
      } else {
      }
      %dma_start3A_204 = arith.constant 0 : i32
      %dma_start3A_205 = arith.constant 0 : i32
      %dma_start3A_206 = arith.constant 0 : i32
      %dma_start3A_207 = arith.constant 0 : i32
      %dma_start3A_208 = tpu.memref_slice %arg7[%dma_start3A_204, %dma_start3A_205, %dma_start3A_206, %dma_start3A_207] : memref<4x8x8x129xf32, #tpu.memory_space<vmem>> -> memref<1x8x8x128xf32, #tpu.memory_space<vmem>>
      %dma_start3A_209 = tpu.memref_squeeze %dma_start3A_208 : memref<1x8x8x128xf32, #tpu.memory_space<vmem>> -> memref<8x8x128xf32, #tpu.memory_space<vmem>>
      %dma_start3A_210 = arith.constant 0 : i32
      %dma_start3A_211 = arith.constant 0 : i32
      %dma_start3A_212 = arith.constant 0 : i32
      %dma_start3A_213 = tpu.memref_slice %arg4[%add3A_181, %dma_start3A_210, %add3A, %dma_start3A_211, %dma_start3A_212] : memref<200x8x32x8x128xf32, #tpu.memory_space<hbm>> -> memref<1x8x1x8x128xf32, #tpu.memory_space<hbm>>
      %dma_start3A_214 = tpu.memref_squeeze %dma_start3A_213 : memref<1x8x1x8x128xf32, #tpu.memory_space<hbm>> -> memref<8x8x128xf32, #tpu.memory_space<hbm>>
      %dma_start3A_215 = arith.constant 0 : i32
      %dma_start3A_216 = arith.constant 0 : i32
      %dma_start3A_217 = arith.constant 0 : i32
      %dma_start3A_218 = tpu.memref_slice %arg4[%add3A_181, %dma_start3A_215, %add3A, %dma_start3A_216, %dma_start3A_217] : memref<200x8x32x8x128xf32, #tpu.memory_space<hbm>> -> memref<1x8x1x8x128xf32, #tpu.memory_space<hbm>>
      %dma_start3A_219 = tpu.memref_squeeze %dma_start3A_218 : memref<1x8x1x8x128xf32, #tpu.memory_space<hbm>> -> memref<8x8x128xf32, #tpu.memory_space<hbm>>
      %dma_start3A_220 = arith.constant 0 : i32
      %dma_start3A_221 = arith.constant 0 : i32
      %dma_start3A_222 = arith.constant 0 : i32
      %dma_start3A_223 = tpu.memref_slice %arg7[%dma_start3A_204, %dma_start3A_220, %dma_start3A_221, %dma_start3A_222] : memref<4x8x8x129xf32, #tpu.memory_space<vmem>> -> memref<1x8x8x128xf32, #tpu.memory_space<vmem>>
      %dma_start3A_224 = tpu.memref_squeeze %dma_start3A_223 : memref<1x8x8x128xf32, #tpu.memory_space<vmem>> -> memref<8x8x128xf32, #tpu.memory_space<vmem>>
      tpu.enqueue_dma source(%dma_start3A_224 : memref<8x8x128xf32, #tpu.memory_space<vmem>>) target(%dma_start3A_219 : memref<8x8x128xf32, #tpu.memory_space<hbm>>) target_semaphore(%arg12 : memref<!tpu.dma_semaphore, #tpu.memory_space<semaphore_mem>>)
      %add3A_225 = arith.constant 1 : i32
      %add3A_226 = arith.addi %add3A_179, %add3A_225 : i32
      %dma_wait3A_227 = arith.constant 0 : i32
      %dma_wait3A_228 = arith.constant 1 : i32
      %dma_wait3A_229 = arith.constant 0 : i32
      %dma_wait3A_230 = arith.constant 0 : i32
      %dma_wait3A_231 = tpu.memref_slice %arg6[%dma_wait3A_228, %dma_wait3A_229, %dma_wait3A_230] : memref<4x128x64xf32, #tpu.memory_space<vmem>> -> memref<1x128x64xf32, #tpu.memory_space<vmem>>
      %dma_wait3A_232 = tpu.memref_squeeze %dma_wait3A_231 : memref<1x128x64xf32, #tpu.memory_space<vmem>> -> memref<128x64xf32, #tpu.memory_space<vmem>>
      %dma_wait3A_233 = arith.constant 0 : i32
      %dma_wait3A_234 = tpu.memref_slice %arg5[%dma_wait3A_227, %dma_wait3A_233] : memref<200x128xi32, #tpu.memory_space<vmem>> -> memref<1x128xi32, #tpu.memory_space<vmem>>
      %dma_wait3A_235 = tpu.memref_squeeze %dma_wait3A_234 : memref<1x128xi32, #tpu.memory_space<vmem>> -> memref<128xi32, #tpu.memory_space<vmem>>
      %dma_wait3A_236 = arith.constant 0 : i32
      %dma_wait3A_237 = arith.constant 0 : i32
      %dma_wait3A_238 = tpu.memref_slice %arg3[%dma_wait3A_236, %dma_wait3A_237] : memref<1000000x64xf32, #tpu.memory_space<hbm>> -> memref<1000000x64xf32, #tpu.memory_space<hbm>>
      tpu.wait_indirect_dma semaphore(%arg9 : memref<!tpu.dma_semaphore, #tpu.memory_space<semaphore_mem>>) src(%dma_wait3A_238 : memref<1000000x64xf32, #tpu.memory_space<hbm>>) dst(%dma_wait3A_232 : memref<128x64xf32, #tpu.memory_space<vmem>>)
      %ge3A_239 = arith.constant 4 : i32
      %ge3A_240 = arith.cmpi sge, %add3A_226, %ge3A_239 : i32
      %convert_element_type3A_241 = arith.extui %ge3A_240 : i1 to i32
      %cond3A_242 = arith.constant 0 : i32
      %cond3A_243 = arith.cmpi ne, %convert_element_type3A_241, %cond3A_242 : i32
      scf.if %cond3A_243 {
        %dma_wait3A_375 = arith.constant 1 : i32
        %dma_wait3A_376 = arith.constant 0 : i32
        %dma_wait3A_377 = arith.constant 0 : i32
        %dma_wait3A_378 = arith.constant 0 : i32
        %dma_wait3A_379 = arith.constant 0 : i32
        %dma_wait3A_380 = tpu.memref_slice %arg7[%dma_wait3A_375, %dma_wait3A_377, %dma_wait3A_378, %dma_wait3A_379] : memref<4x8x8x129xf32, #tpu.memory_space<vmem>> -> memref<1x8x8x128xf32, #tpu.memory_space<vmem>>
        %dma_wait3A_381 = tpu.memref_squeeze %dma_wait3A_380 : memref<1x8x8x128xf32, #tpu.memory_space<vmem>> -> memref<8x8x128xf32, #tpu.memory_space<vmem>>
        %dma_wait3A_382 = arith.constant 0 : i32
        %dma_wait3A_383 = arith.constant 0 : i32
        %dma_wait3A_384 = arith.constant 0 : i32
        %dma_wait3A_385 = tpu.memref_slice %arg4[%dma_wait3A_376, %dma_wait3A_382, %add3A, %dma_wait3A_383, %dma_wait3A_384] : memref<200x8x32x8x128xf32, #tpu.memory_space<hbm>> -> memref<1x8x1x8x128xf32, #tpu.memory_space<hbm>>
        %dma_wait3A_386 = tpu.memref_squeeze %dma_wait3A_385 : memref<1x8x1x8x128xf32, #tpu.memory_space<hbm>> -> memref<8x8x128xf32, #tpu.memory_space<hbm>>
        %dma_wait3A_387 = arith.constant 0 : i32
        %dma_wait3A_388 = arith.constant 0 : i32
        %dma_wait3A_389 = arith.constant 0 : i32
        %dma_wait3A_390 = tpu.memref_slice %arg4[%dma_wait3A_376, %dma_wait3A_387, %add3A, %dma_wait3A_388, %dma_wait3A_389] : memref<200x8x32x8x128xf32, #tpu.memory_space<hbm>> -> memref<1x8x1x8x128xf32, #tpu.memory_space<hbm>>
        %dma_wait3A_391 = tpu.memref_squeeze %dma_wait3A_390 : memref<1x8x1x8x128xf32, #tpu.memory_space<hbm>> -> memref<8x8x128xf32, #tpu.memory_space<hbm>>
        %dma_wait3A_392 = arith.constant 0 : i32
        %dma_wait3A_393 = arith.constant 0 : i32
        %dma_wait3A_394 = arith.constant 0 : i32
        %dma_wait3A_395 = tpu.memref_slice %arg7[%dma_wait3A_375, %dma_wait3A_392, %dma_wait3A_393, %dma_wait3A_394] : memref<4x8x8x129xf32, #tpu.memory_space<vmem>> -> memref<1x8x8x128xf32, #tpu.memory_space<vmem>>
        %dma_wait3A_396 = tpu.memref_squeeze %dma_wait3A_395 : memref<1x8x8x128xf32, #tpu.memory_space<vmem>> -> memref<8x8x128xf32, #tpu.memory_space<vmem>>
        tpu.wait_dma2 semaphore(%arg13 : memref<!tpu.dma_semaphore, #tpu.memory_space<semaphore_mem>>) src(%dma_wait3A_396 : memref<8x8x128xf32, #tpu.memory_space<vmem>>) dst(%dma_wait3A_391 : memref<8x8x128xf32, #tpu.memory_space<hbm>>)
      } else {
      }
      %parallel_loop3A_244 = arith.constant 0 : i32
      %parallel_loop3A_245 = arith.constant 128 : i32
      %parallel_loop3A_246 = arith.constant 1 : i32
      scf.for %parallel_loop3A_375 = %parallel_loop3A_244 to %parallel_loop3A_245 step %parallel_loop3A_246  : i32 {
        %parallel_loop3A_376 = vector.broadcast %parallel_loop3A_375 : i32 to vector<16xi32>
        %parallel_loop3A_377 = arith.constant 1 : i32
        %parallel_loop3A_378 = arith.index_cast %parallel_loop3A_377 : i32 to index
        %parallel_loop3A_379 = arith.index_cast %parallel_loop3A_375 : i32 to index
        %parallel_loop3A_380 = arith.constant 0 : index
        %parallel_loop3A_381 = tpu.vector_load %arg6[%parallel_loop3A_378, %parallel_loop3A_379, %parallel_loop3A_380] {strides = array<i32>} : memref<4x128x64xf32, #tpu.memory_space<vmem>>, vector<16xf32>,
        %parallel_loop3A_382 = arith.constant 8.000000e+00 : f32
        %parallel_loop3A_383 = vector.broadcast %parallel_loop3A_382 : f32 to vector<16xf32>
        %parallel_loop3A_384 = arith.mulf %parallel_loop3A_381, %parallel_loop3A_383 : vector<16xf32>
        %parallel_loop3A_385 = arith.constant 1 : i32
        %parallel_loop3A_386 = arith.constant 0 : i32
        %parallel_loop3A_387 = arith.constant 0 : i32
        %parallel_loop3A_388 = arith.constant 0 : i32
        %parallel_loop3A_389 = tpu.memref_slice %arg7[%parallel_loop3A_385, %parallel_loop3A_386, %parallel_loop3A_387, %parallel_loop3A_388] : memref<4x8x8x129xf32, #tpu.memory_space<vmem>> -> memref<1x8x8x129xf32, #tpu.memory_space<vmem>>
        %parallel_loop3A_390 = tpu.memref_squeeze %parallel_loop3A_389 : memref<1x8x8x129xf32, #tpu.memory_space<vmem>> -> memref<8x8x129xf32, #tpu.memory_space<vmem>>
        tpu.vector_store_idx %parallel_loop3A_390[%shift_right_arithmetic3A_42, %and3A_65, %parallel_loop3A_376], %parallel_loop3A_384 : memref<8x8x129xf32, #tpu.memory_space<vmem>>[vector<16xi32>, vector<16xi32>, vector<16xi32>], vector<16xf32>,
        %parallel_loop3A_391 = arith.constant 1 : i32
        %parallel_loop3A_392 = arith.index_cast %parallel_loop3A_391 : i32 to index
        %parallel_loop3A_393 = arith.index_cast %parallel_loop3A_375 : i32 to index
        %parallel_loop3A_394 = arith.constant 16 : index
        %parallel_loop3A_395 = tpu.vector_load %arg6[%parallel_loop3A_392, %parallel_loop3A_393, %parallel_loop3A_394] {strides = array<i32>} : memref<4x128x64xf32, #tpu.memory_space<vmem>>, vector<16xf32>,
        %parallel_loop3A_396 = arith.constant 8.000000e+00 : f32
        %parallel_loop3A_397 = vector.broadcast %parallel_loop3A_396 : f32 to vector<16xf32>
        %parallel_loop3A_398 = arith.mulf %parallel_loop3A_395, %parallel_loop3A_397 : vector<16xf32>
        %parallel_loop3A_399 = arith.constant 1 : i32
        %parallel_loop3A_400 = arith.constant 0 : i32
        %parallel_loop3A_401 = arith.constant 0 : i32
        %parallel_loop3A_402 = arith.constant 0 : i32
        %parallel_loop3A_403 = tpu.memref_slice %arg7[%parallel_loop3A_399, %parallel_loop3A_400, %parallel_loop3A_401, %parallel_loop3A_402] : memref<4x8x8x129xf32, #tpu.memory_space<vmem>> -> memref<1x8x8x129xf32, #tpu.memory_space<vmem>>
        %parallel_loop3A_404 = tpu.memref_squeeze %parallel_loop3A_403 : memref<1x8x8x129xf32, #tpu.memory_space<vmem>> -> memref<8x8x129xf32, #tpu.memory_space<vmem>>
        tpu.vector_store_idx %parallel_loop3A_404[%shift_right_arithmetic3A_48, %and3A_71, %parallel_loop3A_376], %parallel_loop3A_398 : memref<8x8x129xf32, #tpu.memory_space<vmem>>[vector<16xi32>, vector<16xi32>, vector<16xi32>], vector<16xf32>,
        %parallel_loop3A_405 = arith.constant 1 : i32
        %parallel_loop3A_406 = arith.index_cast %parallel_loop3A_405 : i32 to index
        %parallel_loop3A_407 = arith.index_cast %parallel_loop3A_375 : i32 to index
        %parallel_loop3A_408 = arith.constant 32 : index
        %parallel_loop3A_409 = tpu.vector_load %arg6[%parallel_loop3A_406, %parallel_loop3A_407, %parallel_loop3A_408] {strides = array<i32>} : memref<4x128x64xf32, #tpu.memory_space<vmem>>, vector<16xf32>,
        %parallel_loop3A_410 = arith.constant 8.000000e+00 : f32
        %parallel_loop3A_411 = vector.broadcast %parallel_loop3A_410 : f32 to vector<16xf32>
        %parallel_loop3A_412 = arith.mulf %parallel_loop3A_409, %parallel_loop3A_411 : vector<16xf32>
        %parallel_loop3A_413 = arith.constant 1 : i32
        %parallel_loop3A_414 = arith.constant 0 : i32
        %parallel_loop3A_415 = arith.constant 0 : i32
        %parallel_loop3A_416 = arith.constant 0 : i32
        %parallel_loop3A_417 = tpu.memref_slice %arg7[%parallel_loop3A_413, %parallel_loop3A_414, %parallel_loop3A_415, %parallel_loop3A_416] : memref<4x8x8x129xf32, #tpu.memory_space<vmem>> -> memref<1x8x8x129xf32, #tpu.memory_space<vmem>>
        %parallel_loop3A_418 = tpu.memref_squeeze %parallel_loop3A_417 : memref<1x8x8x129xf32, #tpu.memory_space<vmem>> -> memref<8x8x129xf32, #tpu.memory_space<vmem>>
        tpu.vector_store_idx %parallel_loop3A_418[%shift_right_arithmetic3A_54, %and3A_77, %parallel_loop3A_376], %parallel_loop3A_412 : memref<8x8x129xf32, #tpu.memory_space<vmem>>[vector<16xi32>, vector<16xi32>, vector<16xi32>], vector<16xf32>,
        %parallel_loop3A_419 = arith.constant 1 : i32
        %parallel_loop3A_420 = arith.index_cast %parallel_loop3A_419 : i32 to index
        %parallel_loop3A_421 = arith.index_cast %parallel_loop3A_375 : i32 to index
        %parallel_loop3A_422 = arith.constant 48 : index
        %parallel_loop3A_423 = tpu.vector_load %arg6[%parallel_loop3A_420, %parallel_loop3A_421, %parallel_loop3A_422] {strides = array<i32>} : memref<4x128x64xf32, #tpu.memory_space<vmem>>, vector<16xf32>,
        %parallel_loop3A_424 = arith.constant 8.000000e+00 : f32
        %parallel_loop3A_425 = vector.broadcast %parallel_loop3A_424 : f32 to vector<16xf32>
        %parallel_loop3A_426 = arith.mulf %parallel_loop3A_423, %parallel_loop3A_425 : vector<16xf32>
        %parallel_loop3A_427 = arith.constant 1 : i32
        %parallel_loop3A_428 = arith.constant 0 : i32
        %parallel_loop3A_429 = arith.constant 0 : i32
        %parallel_loop3A_430 = arith.constant 0 : i32
        %parallel_loop3A_431 = tpu.memref_slice %arg7[%parallel_loop3A_427, %parallel_loop3A_428, %parallel_loop3A_429, %parallel_loop3A_430] : memref<4x8x8x129xf32, #tpu.memory_space<vmem>> -> memref<1x8x8x129xf32, #tpu.memory_space<vmem>>
        %parallel_loop3A_432 = tpu.memref_squeeze %parallel_loop3A_431 : memref<1x8x8x129xf32, #tpu.memory_space<vmem>> -> memref<8x8x129xf32, #tpu.memory_space<vmem>>
        tpu.vector_store_idx %parallel_loop3A_432[%shift_right_arithmetic3A_60, %and3A_83, %parallel_loop3A_376], %parallel_loop3A_426 : memref<8x8x129xf32, #tpu.memory_space<vmem>>[vector<16xi32>, vector<16xi32>, vector<16xi32>], vector<16xf32>,
      } {sc.loop_unroll_factor = 8 : i64, sc.parallel_access}
      %add3A_247 = arith.constant 3 : i32
      %add3A_248 = arith.addi %add3A_226, %add3A_247 : i32
      %lt3A_249 = arith.constant 200 : i32
      %lt3A_250 = arith.cmpi slt, %add3A_248, %lt3A_249 : i32
      %convert_element_type3A_251 = arith.extui %lt3A_250 : i1 to i32
      %cond3A_252 = arith.constant 0 : i32
      %cond3A_253 = arith.cmpi ne, %convert_element_type3A_251, %cond3A_252 : i32
      scf.if %cond3A_253 {
        %add3A_375 = arith.constant 3 : i32
        %add3A_376 = arith.addi %add3A_226, %add3A_375 : i32
        %dma_start3A_377 = arith.constant 0 : i32
        %dma_start3A_378 = arith.constant 0 : i32
        %dma_start3A_379 = arith.constant 0 : i32
        %dma_start3A_380 = tpu.memref_slice %arg6[%dma_start3A_377, %dma_start3A_378, %dma_start3A_379] : memref<4x128x64xf32, #tpu.memory_space<vmem>> -> memref<1x128x64xf32, #tpu.memory_space<vmem>>
        %dma_start3A_381 = tpu.memref_squeeze %dma_start3A_380 : memref<1x128x64xf32, #tpu.memory_space<vmem>> -> memref<128x64xf32, #tpu.memory_space<vmem>>
        %dma_start3A_382 = arith.constant 0 : i32
        %dma_start3A_383 = tpu.memref_slice %arg5[%add3A_376, %dma_start3A_382] : memref<200x128xi32, #tpu.memory_space<vmem>> -> memref<1x128xi32, #tpu.memory_space<vmem>>
        %dma_start3A_384 = tpu.memref_squeeze %dma_start3A_383 : memref<1x128xi32, #tpu.memory_space<vmem>> -> memref<128xi32, #tpu.memory_space<vmem>>
        %dma_start3A_385 = arith.constant 0 : i32
        %dma_start3A_386 = arith.constant 0 : i32
        %dma_start3A_387 = tpu.memref_slice %arg3[%dma_start3A_385, %dma_start3A_386] : memref<1000000x64xf32, #tpu.memory_space<hbm>> -> memref<1000000x64xf32, #tpu.memory_space<hbm>>
        tpu.enqueue_indirect_dma source(%dma_start3A_387 : memref<1000000x64xf32, #tpu.memory_space<hbm>>) target(%dma_start3A_381 : memref<128x64xf32, #tpu.memory_space<vmem>>) offsets(%dma_start3A_384 : memref<128xi32, #tpu.memory_space<vmem>>) semaphore(%arg8 : memref<!tpu.dma_semaphore, #tpu.memory_space<semaphore_mem>>)
      } else {
      }
      %dma_start3A_254 = arith.constant 1 : i32
      %dma_start3A_255 = arith.constant 0 : i32
      %dma_start3A_256 = arith.constant 0 : i32
      %dma_start3A_257 = arith.constant 0 : i32
      %dma_start3A_258 = tpu.memref_slice %arg7[%dma_start3A_254, %dma_start3A_255, %dma_start3A_256, %dma_start3A_257] : memref<4x8x8x129xf32, #tpu.memory_space<vmem>> -> memref<1x8x8x128xf32, #tpu.memory_space<vmem>>
      %dma_start3A_259 = tpu.memref_squeeze %dma_start3A_258 : memref<1x8x8x128xf32, #tpu.memory_space<vmem>> -> memref<8x8x128xf32, #tpu.memory_space<vmem>>
      %dma_start3A_260 = arith.constant 0 : i32
      %dma_start3A_261 = arith.constant 0 : i32
      %dma_start3A_262 = arith.constant 0 : i32
      %dma_start3A_263 = tpu.memref_slice %arg4[%add3A_226, %dma_start3A_260, %add3A, %dma_start3A_261, %dma_start3A_262] : memref<200x8x32x8x128xf32, #tpu.memory_space<hbm>> -> memref<1x8x1x8x128xf32, #tpu.memory_space<hbm>>
      %dma_start3A_264 = tpu.memref_squeeze %dma_start3A_263 : memref<1x8x1x8x128xf32, #tpu.memory_space<hbm>> -> memref<8x8x128xf32, #tpu.memory_space<hbm>>
      %dma_start3A_265 = arith.constant 0 : i32
      %dma_start3A_266 = arith.constant 0 : i32
      %dma_start3A_267 = arith.constant 0 : i32
      %dma_start3A_268 = tpu.memref_slice %arg4[%add3A_226, %dma_start3A_265, %add3A, %dma_start3A_266, %dma_start3A_267] : memref<200x8x32x8x128xf32, #tpu.memory_space<hbm>> -> memref<1x8x1x8x128xf32, #tpu.memory_space<hbm>>
      %dma_start3A_269 = tpu.memref_squeeze %dma_start3A_268 : memref<1x8x1x8x128xf32, #tpu.memory_space<hbm>> -> memref<8x8x128xf32, #tpu.memory_space<hbm>>
      %dma_start3A_270 = arith.constant 0 : i32
      %dma_start3A_271 = arith.constant 0 : i32
      %dma_start3A_272 = arith.constant 0 : i32
      %dma_start3A_273 = tpu.memref_slice %arg7[%dma_start3A_254, %dma_start3A_270, %dma_start3A_271, %dma_start3A_272] : memref<4x8x8x129xf32, #tpu.memory_space<vmem>> -> memref<1x8x8x128xf32, #tpu.memory_space<vmem>>
      %dma_start3A_274 = tpu.memref_squeeze %dma_start3A_273 : memref<1x8x8x128xf32, #tpu.memory_space<vmem>> -> memref<8x8x128xf32, #tpu.memory_space<vmem>>
      tpu.enqueue_dma source(%dma_start3A_274 : memref<8x8x128xf32, #tpu.memory_space<vmem>>) target(%dma_start3A_269 : memref<8x8x128xf32, #tpu.memory_space<hbm>>) target_semaphore(%arg13 : memref<!tpu.dma_semaphore, #tpu.memory_space<semaphore_mem>>)
      %add3A_275 = arith.constant 2 : i32
      %add3A_276 = arith.addi %add3A_179, %add3A_275 : i32
      %dma_wait3A_277 = arith.constant 0 : i32
      %dma_wait3A_278 = arith.constant 2 : i32
      %dma_wait3A_279 = arith.constant 0 : i32
      %dma_wait3A_280 = arith.constant 0 : i32
      %dma_wait3A_281 = tpu.memref_slice %arg6[%dma_wait3A_278, %dma_wait3A_279, %dma_wait3A_280] : memref<4x128x64xf32, #tpu.memory_space<vmem>> -> memref<1x128x64xf32, #tpu.memory_space<vmem>>
      %dma_wait3A_282 = tpu.memref_squeeze %dma_wait3A_281 : memref<1x128x64xf32, #tpu.memory_space<vmem>> -> memref<128x64xf32, #tpu.memory_space<vmem>>
      %dma_wait3A_283 = arith.constant 0 : i32
      %dma_wait3A_284 = tpu.memref_slice %arg5[%dma_wait3A_277, %dma_wait3A_283] : memref<200x128xi32, #tpu.memory_space<vmem>> -> memref<1x128xi32, #tpu.memory_space<vmem>>
      %dma_wait3A_285 = tpu.memref_squeeze %dma_wait3A_284 : memref<1x128xi32, #tpu.memory_space<vmem>> -> memref<128xi32, #tpu.memory_space<vmem>>
      %dma_wait3A_286 = arith.constant 0 : i32
      %dma_wait3A_287 = arith.constant 0 : i32
      %dma_wait3A_288 = tpu.memref_slice %arg3[%dma_wait3A_286, %dma_wait3A_287] : memref<1000000x64xf32, #tpu.memory_space<hbm>> -> memref<1000000x64xf32, #tpu.memory_space<hbm>>
      tpu.wait_indirect_dma semaphore(%arg10 : memref<!tpu.dma_semaphore, #tpu.memory_space<semaphore_mem>>) src(%dma_wait3A_288 : memref<1000000x64xf32, #tpu.memory_space<hbm>>) dst(%dma_wait3A_282 : memref<128x64xf32, #tpu.memory_space<vmem>>)
      %ge3A_289 = arith.constant 4 : i32
      %ge3A_290 = arith.cmpi sge, %add3A_276, %ge3A_289 : i32
      %convert_element_type3A_291 = arith.extui %ge3A_290 : i1 to i32
      %cond3A_292 = arith.constant 0 : i32
      %cond3A_293 = arith.cmpi ne, %convert_element_type3A_291, %cond3A_292 : i32
      scf.if %cond3A_293 {
        %dma_wait3A_375 = arith.constant 2 : i32
        %dma_wait3A_376 = arith.constant 0 : i32
        %dma_wait3A_377 = arith.constant 0 : i32
        %dma_wait3A_378 = arith.constant 0 : i32
        %dma_wait3A_379 = arith.constant 0 : i32
        %dma_wait3A_380 = tpu.memref_slice %arg7[%dma_wait3A_375, %dma_wait3A_377, %dma_wait3A_378, %dma_wait3A_379] : memref<4x8x8x129xf32, #tpu.memory_space<vmem>> -> memref<1x8x8x128xf32, #tpu.memory_space<vmem>>
        %dma_wait3A_381 = tpu.memref_squeeze %dma_wait3A_380 : memref<1x8x8x128xf32, #tpu.memory_space<vmem>> -> memref<8x8x128xf32, #tpu.memory_space<vmem>>
        %dma_wait3A_382 = arith.constant 0 : i32
        %dma_wait3A_383 = arith.constant 0 : i32
        %dma_wait3A_384 = arith.constant 0 : i32
        %dma_wait3A_385 = tpu.memref_slice %arg4[%dma_wait3A_376, %dma_wait3A_382, %add3A, %dma_wait3A_383, %dma_wait3A_384] : memref<200x8x32x8x128xf32, #tpu.memory_space<hbm>> -> memref<1x8x1x8x128xf32, #tpu.memory_space<hbm>>
        %dma_wait3A_386 = tpu.memref_squeeze %dma_wait3A_385 : memref<1x8x1x8x128xf32, #tpu.memory_space<hbm>> -> memref<8x8x128xf32, #tpu.memory_space<hbm>>
        %dma_wait3A_387 = arith.constant 0 : i32
        %dma_wait3A_388 = arith.constant 0 : i32
        %dma_wait3A_389 = arith.constant 0 : i32
        %dma_wait3A_390 = tpu.memref_slice %arg4[%dma_wait3A_376, %dma_wait3A_387, %add3A, %dma_wait3A_388, %dma_wait3A_389] : memref<200x8x32x8x128xf32, #tpu.memory_space<hbm>> -> memref<1x8x1x8x128xf32, #tpu.memory_space<hbm>>
        %dma_wait3A_391 = tpu.memref_squeeze %dma_wait3A_390 : memref<1x8x1x8x128xf32, #tpu.memory_space<hbm>> -> memref<8x8x128xf32, #tpu.memory_space<hbm>>
        %dma_wait3A_392 = arith.constant 0 : i32
        %dma_wait3A_393 = arith.constant 0 : i32
        %dma_wait3A_394 = arith.constant 0 : i32
        %dma_wait3A_395 = tpu.memref_slice %arg7[%dma_wait3A_375, %dma_wait3A_392, %dma_wait3A_393, %dma_wait3A_394] : memref<4x8x8x129xf32, #tpu.memory_space<vmem>> -> memref<1x8x8x128xf32, #tpu.memory_space<vmem>>
        %dma_wait3A_396 = tpu.memref_squeeze %dma_wait3A_395 : memref<1x8x8x128xf32, #tpu.memory_space<vmem>> -> memref<8x8x128xf32, #tpu.memory_space<vmem>>
        tpu.wait_dma2 semaphore(%arg14 : memref<!tpu.dma_semaphore, #tpu.memory_space<semaphore_mem>>) src(%dma_wait3A_396 : memref<8x8x128xf32, #tpu.memory_space<vmem>>) dst(%dma_wait3A_391 : memref<8x8x128xf32, #tpu.memory_space<hbm>>)
      } else {
      }
      %parallel_loop3A_294 = arith.constant 0 : i32
      %parallel_loop3A_295 = arith.constant 128 : i32
      %parallel_loop3A_296 = arith.constant 1 : i32
      scf.for %parallel_loop3A_375 = %parallel_loop3A_294 to %parallel_loop3A_295 step %parallel_loop3A_296  : i32 {
        %parallel_loop3A_376 = vector.broadcast %parallel_loop3A_375 : i32 to vector<16xi32>
        %parallel_loop3A_377 = arith.constant 2 : i32
        %parallel_loop3A_378 = arith.index_cast %parallel_loop3A_377 : i32 to index
        %parallel_loop3A_379 = arith.index_cast %parallel_loop3A_375 : i32 to index
        %parallel_loop3A_380 = arith.constant 0 : index
        %parallel_loop3A_381 = tpu.vector_load %arg6[%parallel_loop3A_378, %parallel_loop3A_379, %parallel_loop3A_380] {strides = array<i32>} : memref<4x128x64xf32, #tpu.memory_space<vmem>>, vector<16xf32>,
        %parallel_loop3A_382 = arith.constant 8.000000e+00 : f32
        %parallel_loop3A_383 = vector.broadcast %parallel_loop3A_382 : f32 to vector<16xf32>
        %parallel_loop3A_384 = arith.mulf %parallel_loop3A_381, %parallel_loop3A_383 : vector<16xf32>
        %parallel_loop3A_385 = arith.constant 2 : i32
        %parallel_loop3A_386 = arith.constant 0 : i32
        %parallel_loop3A_387 = arith.constant 0 : i32
        %parallel_loop3A_388 = arith.constant 0 : i32
        %parallel_loop3A_389 = tpu.memref_slice %arg7[%parallel_loop3A_385, %parallel_loop3A_386, %parallel_loop3A_387, %parallel_loop3A_388] : memref<4x8x8x129xf32, #tpu.memory_space<vmem>> -> memref<1x8x8x129xf32, #tpu.memory_space<vmem>>
        %parallel_loop3A_390 = tpu.memref_squeeze %parallel_loop3A_389 : memref<1x8x8x129xf32, #tpu.memory_space<vmem>> -> memref<8x8x129xf32, #tpu.memory_space<vmem>>
        tpu.vector_store_idx %parallel_loop3A_390[%shift_right_arithmetic3A_42, %and3A_65, %parallel_loop3A_376], %parallel_loop3A_384 : memref<8x8x129xf32, #tpu.memory_space<vmem>>[vector<16xi32>, vector<16xi32>, vector<16xi32>], vector<16xf32>,
        %parallel_loop3A_391 = arith.constant 2 : i32
        %parallel_loop3A_392 = arith.index_cast %parallel_loop3A_391 : i32 to index
        %parallel_loop3A_393 = arith.index_cast %parallel_loop3A_375 : i32 to index
        %parallel_loop3A_394 = arith.constant 16 : index
        %parallel_loop3A_395 = tpu.vector_load %arg6[%parallel_loop3A_392, %parallel_loop3A_393, %parallel_loop3A_394] {strides = array<i32>} : memref<4x128x64xf32, #tpu.memory_space<vmem>>, vector<16xf32>,
        %parallel_loop3A_396 = arith.constant 8.000000e+00 : f32
        %parallel_loop3A_397 = vector.broadcast %parallel_loop3A_396 : f32 to vector<16xf32>
        %parallel_loop3A_398 = arith.mulf %parallel_loop3A_395, %parallel_loop3A_397 : vector<16xf32>
        %parallel_loop3A_399 = arith.constant 2 : i32
        %parallel_loop3A_400 = arith.constant 0 : i32
        %parallel_loop3A_401 = arith.constant 0 : i32
        %parallel_loop3A_402 = arith.constant 0 : i32
        %parallel_loop3A_403 = tpu.memref_slice %arg7[%parallel_loop3A_399, %parallel_loop3A_400, %parallel_loop3A_401, %parallel_loop3A_402] : memref<4x8x8x129xf32, #tpu.memory_space<vmem>> -> memref<1x8x8x129xf32, #tpu.memory_space<vmem>>
        %parallel_loop3A_404 = tpu.memref_squeeze %parallel_loop3A_403 : memref<1x8x8x129xf32, #tpu.memory_space<vmem>> -> memref<8x8x129xf32, #tpu.memory_space<vmem>>
        tpu.vector_store_idx %parallel_loop3A_404[%shift_right_arithmetic3A_48, %and3A_71, %parallel_loop3A_376], %parallel_loop3A_398 : memref<8x8x129xf32, #tpu.memory_space<vmem>>[vector<16xi32>, vector<16xi32>, vector<16xi32>], vector<16xf32>,
        %parallel_loop3A_405 = arith.constant 2 : i32
        %parallel_loop3A_406 = arith.index_cast %parallel_loop3A_405 : i32 to index
        %parallel_loop3A_407 = arith.index_cast %parallel_loop3A_375 : i32 to index
        %parallel_loop3A_408 = arith.constant 32 : index
        %parallel_loop3A_409 = tpu.vector_load %arg6[%parallel_loop3A_406, %parallel_loop3A_407, %parallel_loop3A_408] {strides = array<i32>} : memref<4x128x64xf32, #tpu.memory_space<vmem>>, vector<16xf32>,
        %parallel_loop3A_410 = arith.constant 8.000000e+00 : f32
        %parallel_loop3A_411 = vector.broadcast %parallel_loop3A_410 : f32 to vector<16xf32>
        %parallel_loop3A_412 = arith.mulf %parallel_loop3A_409, %parallel_loop3A_411 : vector<16xf32>
        %parallel_loop3A_413 = arith.constant 2 : i32
        %parallel_loop3A_414 = arith.constant 0 : i32
        %parallel_loop3A_415 = arith.constant 0 : i32
        %parallel_loop3A_416 = arith.constant 0 : i32
        %parallel_loop3A_417 = tpu.memref_slice %arg7[%parallel_loop3A_413, %parallel_loop3A_414, %parallel_loop3A_415, %parallel_loop3A_416] : memref<4x8x8x129xf32, #tpu.memory_space<vmem>> -> memref<1x8x8x129xf32, #tpu.memory_space<vmem>>
        %parallel_loop3A_418 = tpu.memref_squeeze %parallel_loop3A_417 : memref<1x8x8x129xf32, #tpu.memory_space<vmem>> -> memref<8x8x129xf32, #tpu.memory_space<vmem>>
        tpu.vector_store_idx %parallel_loop3A_418[%shift_right_arithmetic3A_54, %and3A_77, %parallel_loop3A_376], %parallel_loop3A_412 : memref<8x8x129xf32, #tpu.memory_space<vmem>>[vector<16xi32>, vector<16xi32>, vector<16xi32>], vector<16xf32>,
        %parallel_loop3A_419 = arith.constant 2 : i32
        %parallel_loop3A_420 = arith.index_cast %parallel_loop3A_419 : i32 to index
        %parallel_loop3A_421 = arith.index_cast %parallel_loop3A_375 : i32 to index
        %parallel_loop3A_422 = arith.constant 48 : index
        %parallel_loop3A_423 = tpu.vector_load %arg6[%parallel_loop3A_420, %parallel_loop3A_421, %parallel_loop3A_422] {strides = array<i32>} : memref<4x128x64xf32, #tpu.memory_space<vmem>>, vector<16xf32>,
        %parallel_loop3A_424 = arith.constant 8.000000e+00 : f32
        %parallel_loop3A_425 = vector.broadcast %parallel_loop3A_424 : f32 to vector<16xf32>
        %parallel_loop3A_426 = arith.mulf %parallel_loop3A_423, %parallel_loop3A_425 : vector<16xf32>
        %parallel_loop3A_427 = arith.constant 2 : i32
        %parallel_loop3A_428 = arith.constant 0 : i32
        %parallel_loop3A_429 = arith.constant 0 : i32
        %parallel_loop3A_430 = arith.constant 0 : i32
        %parallel_loop3A_431 = tpu.memref_slice %arg7[%parallel_loop3A_427, %parallel_loop3A_428, %parallel_loop3A_429, %parallel_loop3A_430] : memref<4x8x8x129xf32, #tpu.memory_space<vmem>> -> memref<1x8x8x129xf32, #tpu.memory_space<vmem>>
        %parallel_loop3A_432 = tpu.memref_squeeze %parallel_loop3A_431 : memref<1x8x8x129xf32, #tpu.memory_space<vmem>> -> memref<8x8x129xf32, #tpu.memory_space<vmem>>
        tpu.vector_store_idx %parallel_loop3A_432[%shift_right_arithmetic3A_60, %and3A_83, %parallel_loop3A_376], %parallel_loop3A_426 : memref<8x8x129xf32, #tpu.memory_space<vmem>>[vector<16xi32>, vector<16xi32>, vector<16xi32>], vector<16xf32>,
      } {sc.loop_unroll_factor = 8 : i64, sc.parallel_access}
      %add3A_297 = arith.constant 3 : i32
      %add3A_298 = arith.addi %add3A_276, %add3A_297 : i32
      %lt3A_299 = arith.constant 200 : i32
      %lt3A_300 = arith.cmpi slt, %add3A_298, %lt3A_299 : i32
      %convert_element_type3A_301 = arith.extui %lt3A_300 : i1 to i32
      %cond3A_302 = arith.constant 0 : i32
      %cond3A_303 = arith.cmpi ne, %convert_element_type3A_301, %cond3A_302 : i32
      scf.if %cond3A_303 {
        %add3A_375 = arith.constant 3 : i32
        %add3A_376 = arith.addi %add3A_276, %add3A_375 : i32
        %dma_start3A_377 = arith.constant 1 : i32
        %dma_start3A_378 = arith.constant 0 : i32
        %dma_start3A_379 = arith.constant 0 : i32
        %dma_start3A_380 = tpu.memref_slice %arg6[%dma_start3A_377, %dma_start3A_378, %dma_start3A_379] : memref<4x128x64xf32, #tpu.memory_space<vmem>> -> memref<1x128x64xf32, #tpu.memory_space<vmem>>
        %dma_start3A_381 = tpu.memref_squeeze %dma_start3A_380 : memref<1x128x64xf32, #tpu.memory_space<vmem>> -> memref<128x64xf32, #tpu.memory_space<vmem>>
        %dma_start3A_382 = arith.constant 0 : i32
        %dma_start3A_383 = tpu.memref_slice %arg5[%add3A_376, %dma_start3A_382] : memref<200x128xi32, #tpu.memory_space<vmem>> -> memref<1x128xi32, #tpu.memory_space<vmem>>
        %dma_start3A_384 = tpu.memref_squeeze %dma_start3A_383 : memref<1x128xi32, #tpu.memory_space<vmem>> -> memref<128xi32, #tpu.memory_space<vmem>>
        %dma_start3A_385 = arith.constant 0 : i32
        %dma_start3A_386 = arith.constant 0 : i32
        %dma_start3A_387 = tpu.memref_slice %arg3[%dma_start3A_385, %dma_start3A_386] : memref<1000000x64xf32, #tpu.memory_space<hbm>> -> memref<1000000x64xf32, #tpu.memory_space<hbm>>
        tpu.enqueue_indirect_dma source(%dma_start3A_387 : memref<1000000x64xf32, #tpu.memory_space<hbm>>) target(%dma_start3A_381 : memref<128x64xf32, #tpu.memory_space<vmem>>) offsets(%dma_start3A_384 : memref<128xi32, #tpu.memory_space<vmem>>) semaphore(%arg9 : memref<!tpu.dma_semaphore, #tpu.memory_space<semaphore_mem>>)
      } else {
      }
      %dma_start3A_304 = arith.constant 2 : i32
      %dma_start3A_305 = arith.constant 0 : i32
      %dma_start3A_306 = arith.constant 0 : i32
      %dma_start3A_307 = arith.constant 0 : i32
      %dma_start3A_308 = tpu.memref_slice %arg7[%dma_start3A_304, %dma_start3A_305, %dma_start3A_306, %dma_start3A_307] : memref<4x8x8x129xf32, #tpu.memory_space<vmem>> -> memref<1x8x8x128xf32, #tpu.memory_space<vmem>>
      %dma_start3A_309 = tpu.memref_squeeze %dma_start3A_308 : memref<1x8x8x128xf32, #tpu.memory_space<vmem>> -> memref<8x8x128xf32, #tpu.memory_space<vmem>>
      %dma_start3A_310 = arith.constant 0 : i32
      %dma_start3A_311 = arith.constant 0 : i32
      %dma_start3A_312 = arith.constant 0 : i32
      %dma_start3A_313 = tpu.memref_slice %arg4[%add3A_276, %dma_start3A_310, %add3A, %dma_start3A_311, %dma_start3A_312] : memref<200x8x32x8x128xf32, #tpu.memory_space<hbm>> -> memref<1x8x1x8x128xf32, #tpu.memory_space<hbm>>
      %dma_start3A_314 = tpu.memref_squeeze %dma_start3A_313 : memref<1x8x1x8x128xf32, #tpu.memory_space<hbm>> -> memref<8x8x128xf32, #tpu.memory_space<hbm>>
      %dma_start3A_315 = arith.constant 0 : i32
      %dma_start3A_316 = arith.constant 0 : i32
      %dma_start3A_317 = arith.constant 0 : i32
      %dma_start3A_318 = tpu.memref_slice %arg4[%add3A_276, %dma_start3A_315, %add3A, %dma_start3A_316, %dma_start3A_317] : memref<200x8x32x8x128xf32, #tpu.memory_space<hbm>> -> memref<1x8x1x8x128xf32, #tpu.memory_space<hbm>>
      %dma_start3A_319 = tpu.memref_squeeze %dma_start3A_318 : memref<1x8x1x8x128xf32, #tpu.memory_space<hbm>> -> memref<8x8x128xf32, #tpu.memory_space<hbm>>
      %dma_start3A_320 = arith.constant 0 : i32
      %dma_start3A_321 = arith.constant 0 : i32
      %dma_start3A_322 = arith.constant 0 : i32
      %dma_start3A_323 = tpu.memref_slice %arg7[%dma_start3A_304, %dma_start3A_320, %dma_start3A_321, %dma_start3A_322] : memref<4x8x8x129xf32, #tpu.memory_space<vmem>> -> memref<1x8x8x128xf32, #tpu.memory_space<vmem>>
      %dma_start3A_324 = tpu.memref_squeeze %dma_start3A_323 : memref<1x8x8x128xf32, #tpu.memory_space<vmem>> -> memref<8x8x128xf32, #tpu.memory_space<vmem>>
      tpu.enqueue_dma source(%dma_start3A_324 : memref<8x8x128xf32, #tpu.memory_space<vmem>>) target(%dma_start3A_319 : memref<8x8x128xf32, #tpu.memory_space<hbm>>) target_semaphore(%arg14 : memref<!tpu.dma_semaphore, #tpu.memory_space<semaphore_mem>>)
      %add3A_325 = arith.constant 3 : i32
      %add3A_326 = arith.addi %add3A_179, %add3A_325 : i32
      %dma_wait3A_327 = arith.constant 0 : i32
      %dma_wait3A_328 = arith.constant 3 : i32
      %dma_wait3A_329 = arith.constant 0 : i32
      %dma_wait3A_330 = arith.constant 0 : i32
      %dma_wait3A_331 = tpu.memref_slice %arg6[%dma_wait3A_328, %dma_wait3A_329, %dma_wait3A_330] : memref<4x128x64xf32, #tpu.memory_space<vmem>> -> memref<1x128x64xf32, #tpu.memory_space<vmem>>
      %dma_wait3A_332 = tpu.memref_squeeze %dma_wait3A_331 : memref<1x128x64xf32, #tpu.memory_space<vmem>> -> memref<128x64xf32, #tpu.memory_space<vmem>>
      %dma_wait3A_333 = arith.constant 0 : i32
      %dma_wait3A_334 = tpu.memref_slice %arg5[%dma_wait3A_327, %dma_wait3A_333] : memref<200x128xi32, #tpu.memory_space<vmem>> -> memref<1x128xi32, #tpu.memory_space<vmem>>
      %dma_wait3A_335 = tpu.memref_squeeze %dma_wait3A_334 : memref<1x128xi32, #tpu.memory_space<vmem>> -> memref<128xi32, #tpu.memory_space<vmem>>
      %dma_wait3A_336 = arith.constant 0 : i32
      %dma_wait3A_337 = arith.constant 0 : i32
      %dma_wait3A_338 = tpu.memref_slice %arg3[%dma_wait3A_336, %dma_wait3A_337] : memref<1000000x64xf32, #tpu.memory_space<hbm>> -> memref<1000000x64xf32, #tpu.memory_space<hbm>>
      tpu.wait_indirect_dma semaphore(%arg11 : memref<!tpu.dma_semaphore, #tpu.memory_space<semaphore_mem>>) src(%dma_wait3A_338 : memref<1000000x64xf32, #tpu.memory_space<hbm>>) dst(%dma_wait3A_332 : memref<128x64xf32, #tpu.memory_space<vmem>>)
      %ge3A_339 = arith.constant 4 : i32
      %ge3A_340 = arith.cmpi sge, %add3A_326, %ge3A_339 : i32
      %convert_element_type3A_341 = arith.extui %ge3A_340 : i1 to i32
      %cond3A_342 = arith.constant 0 : i32
      %cond3A_343 = arith.cmpi ne, %convert_element_type3A_341, %cond3A_342 : i32
      scf.if %cond3A_343 {
        %dma_wait3A_375 = arith.constant 3 : i32
        %dma_wait3A_376 = arith.constant 0 : i32
        %dma_wait3A_377 = arith.constant 0 : i32
        %dma_wait3A_378 = arith.constant 0 : i32
        %dma_wait3A_379 = arith.constant 0 : i32
        %dma_wait3A_380 = tpu.memref_slice %arg7[%dma_wait3A_375, %dma_wait3A_377, %dma_wait3A_378, %dma_wait3A_379] : memref<4x8x8x129xf32, #tpu.memory_space<vmem>> -> memref<1x8x8x128xf32, #tpu.memory_space<vmem>>
        %dma_wait3A_381 = tpu.memref_squeeze %dma_wait3A_380 : memref<1x8x8x128xf32, #tpu.memory_space<vmem>> -> memref<8x8x128xf32, #tpu.memory_space<vmem>>
        %dma_wait3A_382 = arith.constant 0 : i32
        %dma_wait3A_383 = arith.constant 0 : i32
        %dma_wait3A_384 = arith.constant 0 : i32
        %dma_wait3A_385 = tpu.memref_slice %arg4[%dma_wait3A_376, %dma_wait3A_382, %add3A, %dma_wait3A_383, %dma_wait3A_384] : memref<200x8x32x8x128xf32, #tpu.memory_space<hbm>> -> memref<1x8x1x8x128xf32, #tpu.memory_space<hbm>>
        %dma_wait3A_386 = tpu.memref_squeeze %dma_wait3A_385 : memref<1x8x1x8x128xf32, #tpu.memory_space<hbm>> -> memref<8x8x128xf32, #tpu.memory_space<hbm>>
        %dma_wait3A_387 = arith.constant 0 : i32
        %dma_wait3A_388 = arith.constant 0 : i32
        %dma_wait3A_389 = arith.constant 0 : i32
        %dma_wait3A_390 = tpu.memref_slice %arg4[%dma_wait3A_376, %dma_wait3A_387, %add3A, %dma_wait3A_388, %dma_wait3A_389] : memref<200x8x32x8x128xf32, #tpu.memory_space<hbm>> -> memref<1x8x1x8x128xf32, #tpu.memory_space<hbm>>
        %dma_wait3A_391 = tpu.memref_squeeze %dma_wait3A_390 : memref<1x8x1x8x128xf32, #tpu.memory_space<hbm>> -> memref<8x8x128xf32, #tpu.memory_space<hbm>>
        %dma_wait3A_392 = arith.constant 0 : i32
        %dma_wait3A_393 = arith.constant 0 : i32
        %dma_wait3A_394 = arith.constant 0 : i32
        %dma_wait3A_395 = tpu.memref_slice %arg7[%dma_wait3A_375, %dma_wait3A_392, %dma_wait3A_393, %dma_wait3A_394] : memref<4x8x8x129xf32, #tpu.memory_space<vmem>> -> memref<1x8x8x128xf32, #tpu.memory_space<vmem>>
        %dma_wait3A_396 = tpu.memref_squeeze %dma_wait3A_395 : memref<1x8x8x128xf32, #tpu.memory_space<vmem>> -> memref<8x8x128xf32, #tpu.memory_space<vmem>>
        tpu.wait_dma2 semaphore(%arg15 : memref<!tpu.dma_semaphore, #tpu.memory_space<semaphore_mem>>) src(%dma_wait3A_396 : memref<8x8x128xf32, #tpu.memory_space<vmem>>) dst(%dma_wait3A_391 : memref<8x8x128xf32, #tpu.memory_space<hbm>>)
      } else {
      }
      %parallel_loop3A_344 = arith.constant 0 : i32
      %parallel_loop3A_345 = arith.constant 128 : i32
      %parallel_loop3A_346 = arith.constant 1 : i32
      scf.for %parallel_loop3A_375 = %parallel_loop3A_344 to %parallel_loop3A_345 step %parallel_loop3A_346  : i32 {
        %parallel_loop3A_376 = vector.broadcast %parallel_loop3A_375 : i32 to vector<16xi32>
        %parallel_loop3A_377 = arith.constant 3 : i32
        %parallel_loop3A_378 = arith.index_cast %parallel_loop3A_377 : i32 to index
        %parallel_loop3A_379 = arith.index_cast %parallel_loop3A_375 : i32 to index
        %parallel_loop3A_380 = arith.constant 0 : index
        %parallel_loop3A_381 = tpu.vector_load %arg6[%parallel_loop3A_378, %parallel_loop3A_379, %parallel_loop3A_380] {strides = array<i32>} : memref<4x128x64xf32, #tpu.memory_space<vmem>>, vector<16xf32>,
        %parallel_loop3A_382 = arith.constant 8.000000e+00 : f32
        %parallel_loop3A_383 = vector.broadcast %parallel_loop3A_382 : f32 to vector<16xf32>
        %parallel_loop3A_384 = arith.mulf %parallel_loop3A_381, %parallel_loop3A_383 : vector<16xf32>
        %parallel_loop3A_385 = arith.constant 3 : i32
        %parallel_loop3A_386 = arith.constant 0 : i32
        %parallel_loop3A_387 = arith.constant 0 : i32
        %parallel_loop3A_388 = arith.constant 0 : i32
        %parallel_loop3A_389 = tpu.memref_slice %arg7[%parallel_loop3A_385, %parallel_loop3A_386, %parallel_loop3A_387, %parallel_loop3A_388] : memref<4x8x8x129xf32, #tpu.memory_space<vmem>> -> memref<1x8x8x129xf32, #tpu.memory_space<vmem>>
        %parallel_loop3A_390 = tpu.memref_squeeze %parallel_loop3A_389 : memref<1x8x8x129xf32, #tpu.memory_space<vmem>> -> memref<8x8x129xf32, #tpu.memory_space<vmem>>
        tpu.vector_store_idx %parallel_loop3A_390[%shift_right_arithmetic3A_42, %and3A_65, %parallel_loop3A_376], %parallel_loop3A_384 : memref<8x8x129xf32, #tpu.memory_space<vmem>>[vector<16xi32>, vector<16xi32>, vector<16xi32>], vector<16xf32>,
        %parallel_loop3A_391 = arith.constant 3 : i32
        %parallel_loop3A_392 = arith.index_cast %parallel_loop3A_391 : i32 to index
        %parallel_loop3A_393 = arith.index_cast %parallel_loop3A_375 : i32 to index
        %parallel_loop3A_394 = arith.constant 16 : index
        %parallel_loop3A_395 = tpu.vector_load %arg6[%parallel_loop3A_392, %parallel_loop3A_393, %parallel_loop3A_394] {strides = array<i32>} : memref<4x128x64xf32, #tpu.memory_space<vmem>>, vector<16xf32>,
        %parallel_loop3A_396 = arith.constant 8.000000e+00 : f32
        %parallel_loop3A_397 = vector.broadcast %parallel_loop3A_396 : f32 to vector<16xf32>
        %parallel_loop3A_398 = arith.mulf %parallel_loop3A_395, %parallel_loop3A_397 : vector<16xf32>
        %parallel_loop3A_399 = arith.constant 3 : i32
        %parallel_loop3A_400 = arith.constant 0 : i32
        %parallel_loop3A_401 = arith.constant 0 : i32
        %parallel_loop3A_402 = arith.constant 0 : i32
        %parallel_loop3A_403 = tpu.memref_slice %arg7[%parallel_loop3A_399, %parallel_loop3A_400, %parallel_loop3A_401, %parallel_loop3A_402] : memref<4x8x8x129xf32, #tpu.memory_space<vmem>> -> memref<1x8x8x129xf32, #tpu.memory_space<vmem>>
        %parallel_loop3A_404 = tpu.memref_squeeze %parallel_loop3A_403 : memref<1x8x8x129xf32, #tpu.memory_space<vmem>> -> memref<8x8x129xf32, #tpu.memory_space<vmem>>
        tpu.vector_store_idx %parallel_loop3A_404[%shift_right_arithmetic3A_48, %and3A_71, %parallel_loop3A_376], %parallel_loop3A_398 : memref<8x8x129xf32, #tpu.memory_space<vmem>>[vector<16xi32>, vector<16xi32>, vector<16xi32>], vector<16xf32>,
        %parallel_loop3A_405 = arith.constant 3 : i32
        %parallel_loop3A_406 = arith.index_cast %parallel_loop3A_405 : i32 to index
        %parallel_loop3A_407 = arith.index_cast %parallel_loop3A_375 : i32 to index
        %parallel_loop3A_408 = arith.constant 32 : index
        %parallel_loop3A_409 = tpu.vector_load %arg6[%parallel_loop3A_406, %parallel_loop3A_407, %parallel_loop3A_408] {strides = array<i32>} : memref<4x128x64xf32, #tpu.memory_space<vmem>>, vector<16xf32>,
        %parallel_loop3A_410 = arith.constant 8.000000e+00 : f32
        %parallel_loop3A_411 = vector.broadcast %parallel_loop3A_410 : f32 to vector<16xf32>
        %parallel_loop3A_412 = arith.mulf %parallel_loop3A_409, %parallel_loop3A_411 : vector<16xf32>
        %parallel_loop3A_413 = arith.constant 3 : i32
        %parallel_loop3A_414 = arith.constant 0 : i32
        %parallel_loop3A_415 = arith.constant 0 : i32
        %parallel_loop3A_416 = arith.constant 0 : i32
        %parallel_loop3A_417 = tpu.memref_slice %arg7[%parallel_loop3A_413, %parallel_loop3A_414, %parallel_loop3A_415, %parallel_loop3A_416] : memref<4x8x8x129xf32, #tpu.memory_space<vmem>> -> memref<1x8x8x129xf32, #tpu.memory_space<vmem>>
        %parallel_loop3A_418 = tpu.memref_squeeze %parallel_loop3A_417 : memref<1x8x8x129xf32, #tpu.memory_space<vmem>> -> memref<8x8x129xf32, #tpu.memory_space<vmem>>
        tpu.vector_store_idx %parallel_loop3A_418[%shift_right_arithmetic3A_54, %and3A_77, %parallel_loop3A_376], %parallel_loop3A_412 : memref<8x8x129xf32, #tpu.memory_space<vmem>>[vector<16xi32>, vector<16xi32>, vector<16xi32>], vector<16xf32>,
        %parallel_loop3A_419 = arith.constant 3 : i32
        %parallel_loop3A_420 = arith.index_cast %parallel_loop3A_419 : i32 to index
        %parallel_loop3A_421 = arith.index_cast %parallel_loop3A_375 : i32 to index
        %parallel_loop3A_422 = arith.constant 48 : index
        %parallel_loop3A_423 = tpu.vector_load %arg6[%parallel_loop3A_420, %parallel_loop3A_421, %parallel_loop3A_422] {strides = array<i32>} : memref<4x128x64xf32, #tpu.memory_space<vmem>>, vector<16xf32>,
        %parallel_loop3A_424 = arith.constant 8.000000e+00 : f32
        %parallel_loop3A_425 = vector.broadcast %parallel_loop3A_424 : f32 to vector<16xf32>
        %parallel_loop3A_426 = arith.mulf %parallel_loop3A_423, %parallel_loop3A_425 : vector<16xf32>
        %parallel_loop3A_427 = arith.constant 3 : i32
        %parallel_loop3A_428 = arith.constant 0 : i32
        %parallel_loop3A_429 = arith.constant 0 : i32
        %parallel_loop3A_430 = arith.constant 0 : i32
        %parallel_loop3A_431 = tpu.memref_slice %arg7[%parallel_loop3A_427, %parallel_loop3A_428, %parallel_loop3A_429, %parallel_loop3A_430] : memref<4x8x8x129xf32, #tpu.memory_space<vmem>> -> memref<1x8x8x129xf32, #tpu.memory_space<vmem>>
        %parallel_loop3A_432 = tpu.memref_squeeze %parallel_loop3A_431 : memref<1x8x8x129xf32, #tpu.memory_space<vmem>> -> memref<8x8x129xf32, #tpu.memory_space<vmem>>
        tpu.vector_store_idx %parallel_loop3A_432[%shift_right_arithmetic3A_60, %and3A_83, %parallel_loop3A_376], %parallel_loop3A_426 : memref<8x8x129xf32, #tpu.memory_space<vmem>>[vector<16xi32>, vector<16xi32>, vector<16xi32>], vector<16xf32>,
      } {sc.loop_unroll_factor = 8 : i64, sc.parallel_access}
      %add3A_347 = arith.constant 3 : i32
      %add3A_348 = arith.addi %add3A_326, %add3A_347 : i32
      %lt3A_349 = arith.constant 200 : i32
      %lt3A_350 = arith.cmpi slt, %add3A_348, %lt3A_349 : i32
      %convert_element_type3A_351 = arith.extui %lt3A_350 : i1 to i32
      %cond3A_352 = arith.constant 0 : i32
      %cond3A_353 = arith.cmpi ne, %convert_element_type3A_351, %cond3A_352 : i32
      scf.if %cond3A_353 {
        %add3A_375 = arith.constant 3 : i32
        %add3A_376 = arith.addi %add3A_326, %add3A_375 : i32
        %dma_start3A_377 = arith.constant 2 : i32
        %dma_start3A_378 = arith.constant 0 : i32
        %dma_start3A_379 = arith.constant 0 : i32
        %dma_start3A_380 = tpu.memref_slice %arg6[%dma_start3A_377, %dma_start3A_378, %dma_start3A_379] : memref<4x128x64xf32, #tpu.memory_space<vmem>> -> memref<1x128x64xf32, #tpu.memory_space<vmem>>
        %dma_start3A_381 = tpu.memref_squeeze %dma_start3A_380 : memref<1x128x64xf32, #tpu.memory_space<vmem>> -> memref<128x64xf32, #tpu.memory_space<vmem>>
        %dma_start3A_382 = arith.constant 0 : i32
        %dma_start3A_383 = tpu.memref_slice %arg5[%add3A_376, %dma_start3A_382] : memref<200x128xi32, #tpu.memory_space<vmem>> -> memref<1x128xi32, #tpu.memory_space<vmem>>
        %dma_start3A_384 = tpu.memref_squeeze %dma_start3A_383 : memref<1x128xi32, #tpu.memory_space<vmem>> -> memref<128xi32, #tpu.memory_space<vmem>>
        %dma_start3A_385 = arith.constant 0 : i32
        %dma_start3A_386 = arith.constant 0 : i32
        %dma_start3A_387 = tpu.memref_slice %arg3[%dma_start3A_385, %dma_start3A_386] : memref<1000000x64xf32, #tpu.memory_space<hbm>> -> memref<1000000x64xf32, #tpu.memory_space<hbm>>
        tpu.enqueue_indirect_dma source(%dma_start3A_387 : memref<1000000x64xf32, #tpu.memory_space<hbm>>) target(%dma_start3A_381 : memref<128x64xf32, #tpu.memory_space<vmem>>) offsets(%dma_start3A_384 : memref<128xi32, #tpu.memory_space<vmem>>) semaphore(%arg10 : memref<!tpu.dma_semaphore, #tpu.memory_space<semaphore_mem>>)
      } else {
      }
      %dma_start3A_354 = arith.constant 3 : i32
      %dma_start3A_355 = arith.constant 0 : i32
      %dma_start3A_356 = arith.constant 0 : i32
      %dma_start3A_357 = arith.constant 0 : i32
      %dma_start3A_358 = tpu.memref_slice %arg7[%dma_start3A_354, %dma_start3A_355, %dma_start3A_356, %dma_start3A_357] : memref<4x8x8x129xf32, #tpu.memory_space<vmem>> -> memref<1x8x8x128xf32, #tpu.memory_space<vmem>>
      %dma_start3A_359 = tpu.memref_squeeze %dma_start3A_358 : memref<1x8x8x128xf32, #tpu.memory_space<vmem>> -> memref<8x8x128xf32, #tpu.memory_space<vmem>>
      %dma_start3A_360 = arith.constant 0 : i32
      %dma_start3A_361 = arith.constant 0 : i32
      %dma_start3A_362 = arith.constant 0 : i32
      %dma_start3A_363 = tpu.memref_slice %arg4[%add3A_326, %dma_start3A_360, %add3A, %dma_start3A_361, %dma_start3A_362] : memref<200x8x32x8x128xf32, #tpu.memory_space<hbm>> -> memref<1x8x1x8x128xf32, #tpu.memory_space<hbm>>
      %dma_start3A_364 = tpu.memref_squeeze %dma_start3A_363 : memref<1x8x1x8x128xf32, #tpu.memory_space<hbm>> -> memref<8x8x128xf32, #tpu.memory_space<hbm>>
      %dma_start3A_365 = arith.constant 0 : i32
      %dma_start3A_366 = arith.constant 0 : i32
      %dma_start3A_367 = arith.constant 0 : i32
      %dma_start3A_368 = tpu.memref_slice %arg4[%add3A_326, %dma_start3A_365, %add3A, %dma_start3A_366, %dma_start3A_367] : memref<200x8x32x8x128xf32, #tpu.memory_space<hbm>> -> memref<1x8x1x8x128xf32, #tpu.memory_space<hbm>>
      %dma_start3A_369 = tpu.memref_squeeze %dma_start3A_368 : memref<1x8x1x8x128xf32, #tpu.memory_space<hbm>> -> memref<8x8x128xf32, #tpu.memory_space<hbm>>
      %dma_start3A_370 = arith.constant 0 : i32
      %dma_start3A_371 = arith.constant 0 : i32
      %dma_start3A_372 = arith.constant 0 : i32
      %dma_start3A_373 = tpu.memref_slice %arg7[%dma_start3A_354, %dma_start3A_370, %dma_start3A_371, %dma_start3A_372] : memref<4x8x8x129xf32, #tpu.memory_space<vmem>> -> memref<1x8x8x128xf32, #tpu.memory_space<vmem>>
      %dma_start3A_374 = tpu.memref_squeeze %dma_start3A_373 : memref<1x8x8x128xf32, #tpu.memory_space<vmem>> -> memref<8x8x128xf32, #tpu.memory_space<vmem>>
      tpu.enqueue_dma source(%dma_start3A_374 : memref<8x8x128xf32, #tpu.memory_space<vmem>>) target(%dma_start3A_369 : memref<8x8x128xf32, #tpu.memory_space<hbm>>) target_semaphore(%arg15 : memref<!tpu.dma_semaphore, #tpu.memory_space<semaphore_mem>>)
    }
    %scan3A_87 = arith.constant 50 : i32
    %dma_wait3A = arith.constant 0 : i32
    %dma_wait3A_88 = arith.constant 0 : i32
    %dma_wait3A_89 = arith.constant 0 : i32
    %dma_wait3A_90 = arith.constant 0 : i32
    %dma_wait3A_91 = arith.constant 0 : i32
    %dma_wait3A_92 = tpu.memref_slice %arg7[%dma_wait3A, %dma_wait3A_89, %dma_wait3A_90, %dma_wait3A_91] : memref<4x8x8x129xf32, #tpu.memory_space<vmem>> -> memref<1x8x8x128xf32, #tpu.memory_space<vmem>>
    %dma_wait3A_93 = tpu.memref_squeeze %dma_wait3A_92 : memref<1x8x8x128xf32, #tpu.memory_space<vmem>> -> memref<8x8x128xf32, #tpu.memory_space<vmem>>
    %dma_wait3A_94 = arith.constant 0 : i32
    %dma_wait3A_95 = arith.constant 0 : i32
    %dma_wait3A_96 = arith.constant 0 : i32
    %dma_wait3A_97 = tpu.memref_slice %arg4[%dma_wait3A_88, %dma_wait3A_94, %add3A, %dma_wait3A_95, %dma_wait3A_96] : memref<200x8x32x8x128xf32, #tpu.memory_space<hbm>> -> memref<1x8x1x8x128xf32, #tpu.memory_space<hbm>>
    %dma_wait3A_98 = tpu.memref_squeeze %dma_wait3A_97 : memref<1x8x1x8x128xf32, #tpu.memory_space<hbm>> -> memref<8x8x128xf32, #tpu.memory_space<hbm>>
    %dma_wait3A_99 = arith.constant 0 : i32
    %dma_wait3A_100 = arith.constant 0 : i32
    %dma_wait3A_101 = arith.constant 0 : i32
    %dma_wait3A_102 = tpu.memref_slice %arg4[%dma_wait3A_88, %dma_wait3A_99, %add3A, %dma_wait3A_100, %dma_wait3A_101] : memref<200x8x32x8x128xf32, #tpu.memory_space<hbm>> -> memref<1x8x1x8x128xf32, #tpu.memory_space<hbm>>
    %dma_wait3A_103 = tpu.memref_squeeze %dma_wait3A_102 : memref<1x8x1x8x128xf32, #tpu.memory_space<hbm>> -> memref<8x8x128xf32, #tpu.memory_space<hbm>>
    %dma_wait3A_104 = arith.constant 0 : i32
    %dma_wait3A_105 = arith.constant 0 : i32
    %dma_wait3A_106 = arith.constant 0 : i32
    %dma_wait3A_107 = tpu.memref_slice %arg7[%dma_wait3A, %dma_wait3A_104, %dma_wait3A_105, %dma_wait3A_106] : memref<4x8x8x129xf32, #tpu.memory_space<vmem>> -> memref<1x8x8x128xf32, #tpu.memory_space<vmem>>
    %dma_wait3A_108 = tpu.memref_squeeze %dma_wait3A_107 : memref<1x8x8x128xf32, #tpu.memory_space<vmem>> -> memref<8x8x128xf32, #tpu.memory_space<vmem>>
    tpu.wait_dma2 semaphore(%arg12 : memref<!tpu.dma_semaphore, #tpu.memory_space<semaphore_mem>>) src(%dma_wait3A_108 : memref<8x8x128xf32, #tpu.memory_space<vmem>>) dst(%dma_wait3A_103 : memref<8x8x128xf32, #tpu.memory_space<hbm>>)
    %dma_wait3A_109 = arith.constant 1 : i32
    %dma_wait3A_110 = arith.constant 0 : i32
    %dma_wait3A_111 = arith.constant 0 : i32
    %dma_wait3A_112 = arith.constant 0 : i32
    %dma_wait3A_113 = arith.constant 0 : i32
    %dma_wait3A_114 = tpu.memref_slice %arg7[%dma_wait3A_109, %dma_wait3A_111, %dma_wait3A_112, %dma_wait3A_113] : memref<4x8x8x129xf32, #tpu.memory_space<vmem>> -> memref<1x8x8x128xf32, #tpu.memory_space<vmem>>
    %dma_wait3A_115 = tpu.memref_squeeze %dma_wait3A_114 : memref<1x8x8x128xf32, #tpu.memory_space<vmem>> -> memref<8x8x128xf32, #tpu.memory_space<vmem>>
    %dma_wait3A_116 = arith.constant 0 : i32
    %dma_wait3A_117 = arith.constant 0 : i32
    %dma_wait3A_118 = arith.constant 0 : i32
    %dma_wait3A_119 = tpu.memref_slice %arg4[%dma_wait3A_110, %dma_wait3A_116, %add3A, %dma_wait3A_117, %dma_wait3A_118] : memref<200x8x32x8x128xf32, #tpu.memory_space<hbm>> -> memref<1x8x1x8x128xf32, #tpu.memory_space<hbm>>
    %dma_wait3A_120 = tpu.memref_squeeze %dma_wait3A_119 : memref<1x8x1x8x128xf32, #tpu.memory_space<hbm>> -> memref<8x8x128xf32, #tpu.memory_space<hbm>>
    %dma_wait3A_121 = arith.constant 0 : i32
    %dma_wait3A_122 = arith.constant 0 : i32
    %dma_wait3A_123 = arith.constant 0 : i32
    %dma_wait3A_124 = tpu.memref_slice %arg4[%dma_wait3A_110, %dma_wait3A_121, %add3A, %dma_wait3A_122, %dma_wait3A_123] : memref<200x8x32x8x128xf32, #tpu.memory_space<hbm>> -> memref<1x8x1x8x128xf32, #tpu.memory_space<hbm>>
    %dma_wait3A_125 = tpu.memref_squeeze %dma_wait3A_124 : memref<1x8x1x8x128xf32, #tpu.memory_space<hbm>> -> memref<8x8x128xf32, #tpu.memory_space<hbm>>
    %dma_wait3A_126 = arith.constant 0 : i32
    %dma_wait3A_127 = arith.constant 0 : i32
    %dma_wait3A_128 = arith.constant 0 : i32
    %dma_wait3A_129 = tpu.memref_slice %arg7[%dma_wait3A_109, %dma_wait3A_126, %dma_wait3A_127, %dma_wait3A_128] : memref<4x8x8x129xf32, #tpu.memory_space<vmem>> -> memref<1x8x8x128xf32, #tpu.memory_space<vmem>>
    %dma_wait3A_130 = tpu.memref_squeeze %dma_wait3A_129 : memref<1x8x8x128xf32, #tpu.memory_space<vmem>> -> memref<8x8x128xf32, #tpu.memory_space<vmem>>
    tpu.wait_dma2 semaphore(%arg13 : memref<!tpu.dma_semaphore, #tpu.memory_space<semaphore_mem>>) src(%dma_wait3A_130 : memref<8x8x128xf32, #tpu.memory_space<vmem>>) dst(%dma_wait3A_125 : memref<8x8x128xf32, #tpu.memory_space<hbm>>)
    %dma_wait3A_131 = arith.constant 2 : i32
    %dma_wait3A_132 = arith.constant 0 : i32
    %dma_wait3A_133 = arith.constant 0 : i32
    %dma_wait3A_134 = arith.constant 0 : i32
    %dma_wait3A_135 = arith.constant 0 : i32
    %dma_wait3A_136 = tpu.memref_slice %arg7[%dma_wait3A_131, %dma_wait3A_133, %dma_wait3A_134, %dma_wait3A_135] : memref<4x8x8x129xf32, #tpu.memory_space<vmem>> -> memref<1x8x8x128xf32, #tpu.memory_space<vmem>>
    %dma_wait3A_137 = tpu.memref_squeeze %dma_wait3A_136 : memref<1x8x8x128xf32, #tpu.memory_space<vmem>> -> memref<8x8x128xf32, #tpu.memory_space<vmem>>
    %dma_wait3A_138 = arith.constant 0 : i32
    %dma_wait3A_139 = arith.constant 0 : i32
    %dma_wait3A_140 = arith.constant 0 : i32
    %dma_wait3A_141 = tpu.memref_slice %arg4[%dma_wait3A_132, %dma_wait3A_138, %add3A, %dma_wait3A_139, %dma_wait3A_140] : memref<200x8x32x8x128xf32, #tpu.memory_space<hbm>> -> memref<1x8x1x8x128xf32, #tpu.memory_space<hbm>>
    %dma_wait3A_142 = tpu.memref_squeeze %dma_wait3A_141 : memref<1x8x1x8x128xf32, #tpu.memory_space<hbm>> -> memref<8x8x128xf32, #tpu.memory_space<hbm>>
    %dma_wait3A_143 = arith.constant 0 : i32
    %dma_wait3A_144 = arith.constant 0 : i32
    %dma_wait3A_145 = arith.constant 0 : i32
    %dma_wait3A_146 = tpu.memref_slice %arg4[%dma_wait3A_132, %dma_wait3A_143, %add3A, %dma_wait3A_144, %dma_wait3A_145] : memref<200x8x32x8x128xf32, #tpu.memory_space<hbm>> -> memref<1x8x1x8x128xf32, #tpu.memory_space<hbm>>
    %dma_wait3A_147 = tpu.memref_squeeze %dma_wait3A_146 : memref<1x8x1x8x128xf32, #tpu.memory_space<hbm>> -> memref<8x8x128xf32, #tpu.memory_space<hbm>>
    %dma_wait3A_148 = arith.constant 0 : i32
    %dma_wait3A_149 = arith.constant 0 : i32
    %dma_wait3A_150 = arith.constant 0 : i32
    %dma_wait3A_151 = tpu.memref_slice %arg7[%dma_wait3A_131, %dma_wait3A_148, %dma_wait3A_149, %dma_wait3A_150] : memref<4x8x8x129xf32, #tpu.memory_space<vmem>> -> memref<1x8x8x128xf32, #tpu.memory_space<vmem>>
    %dma_wait3A_152 = tpu.memref_squeeze %dma_wait3A_151 : memref<1x8x8x128xf32, #tpu.memory_space<vmem>> -> memref<8x8x128xf32, #tpu.memory_space<vmem>>
    tpu.wait_dma2 semaphore(%arg14 : memref<!tpu.dma_semaphore, #tpu.memory_space<semaphore_mem>>) src(%dma_wait3A_152 : memref<8x8x128xf32, #tpu.memory_space<vmem>>) dst(%dma_wait3A_147 : memref<8x8x128xf32, #tpu.memory_space<hbm>>)
    %dma_wait3A_153 = arith.constant 3 : i32
    %dma_wait3A_154 = arith.constant 0 : i32
    %dma_wait3A_155 = arith.constant 0 : i32
    %dma_wait3A_156 = arith.constant 0 : i32
    %dma_wait3A_157 = arith.constant 0 : i32
    %dma_wait3A_158 = tpu.memref_slice %arg7[%dma_wait3A_153, %dma_wait3A_155, %dma_wait3A_156, %dma_wait3A_157] : memref<4x8x8x129xf32, #tpu.memory_space<vmem>> -> memref<1x8x8x128xf32, #tpu.memory_space<vmem>>
    %dma_wait3A_159 = tpu.memref_squeeze %dma_wait3A_158 : memref<1x8x8x128xf32, #tpu.memory_space<vmem>> -> memref<8x8x128xf32, #tpu.memory_space<vmem>>
    %dma_wait3A_160 = arith.constant 0 : i32
    %dma_wait3A_161 = arith.constant 0 : i32
    %dma_wait3A_162 = arith.constant 0 : i32
    %dma_wait3A_163 = tpu.memref_slice %arg4[%dma_wait3A_154, %dma_wait3A_160, %add3A, %dma_wait3A_161, %dma_wait3A_162] : memref<200x8x32x8x128xf32, #tpu.memory_space<hbm>> -> memref<1x8x1x8x128xf32, #tpu.memory_space<hbm>>
    %dma_wait3A_164 = tpu.memref_squeeze %dma_wait3A_163 : memref<1x8x1x8x128xf32, #tpu.memory_space<hbm>> -> memref<8x8x128xf32, #tpu.memory_space<hbm>>
    %dma_wait3A_165 = arith.constant 0 : i32
    %dma_wait3A_166 = arith.constant 0 : i32
    %dma_wait3A_167 = arith.constant 0 : i32
    %dma_wait3A_168 = tpu.memref_slice %arg4[%dma_wait3A_154, %dma_wait3A_165, %add3A, %dma_wait3A_166, %dma_wait3A_167] : memref<200x8x32x8x128xf32, #tpu.memory_space<hbm>> -> memref<1x8x1x8x128xf32, #tpu.memory_space<hbm>>
    %dma_wait3A_169 = tpu.memref_squeeze %dma_wait3A_168 : memref<1x8x1x8x128xf32, #tpu.memory_space<hbm>> -> memref<8x8x128xf32, #tpu.memory_space<hbm>>
    %dma_wait3A_170 = arith.constant 0 : i32
    %dma_wait3A_171 = arith.constant 0 : i32
    %dma_wait3A_172 = arith.constant 0 : i32
    %dma_wait3A_173 = tpu.memref_slice %arg7[%dma_wait3A_153, %dma_wait3A_170, %dma_wait3A_171, %dma_wait3A_172] : memref<4x8x8x129xf32, #tpu.memory_space<vmem>> -> memref<1x8x8x128xf32, #tpu.memory_space<vmem>>
    %dma_wait3A_174 = tpu.memref_squeeze %dma_wait3A_173 : memref<1x8x8x128xf32, #tpu.memory_space<vmem>> -> memref<8x8x128xf32, #tpu.memory_space<vmem>>
    tpu.wait_dma2 semaphore(%arg15 : memref<!tpu.dma_semaphore, #tpu.memory_space<semaphore_mem>>) src(%dma_wait3A_174 : memref<8x8x128xf32, #tpu.memory_space<vmem>>) dst(%dma_wait3A_169 : memref<8x8x128xf32, #tpu.memory_space<hbm>>)
    return
  }
}

</mosaic_0001>

<sc_bundles>
// kernel: kernel.3.cloned.1.call-start
scs
__scs_entry_jumppad:
0x0: {  	(pc) =	sbr.rel $0x88, $3  }
0x1: {  	(tag) =	ssettag $0x0;
	lr =	simm.s32 $0x1  }
0x2: {  	[smem:$0x3F9F] =	sst lr;
	_ =	strace $0xD0000000  }
0x3: {  	_ = 	snop  }
0x4: {  	_ = 	snop  }
0x5: {  	_ = 	snop  }
0x6: {  	_ = 	snop  }
0x7: {  	_ = 	snop  }
__scs_overlays_trampoline_lowered:
0x8: {  	[smem:$0x3FAE] =	sst s0  }
0x9: {  	[smem:$0x3FAF] =	sst s1  }
0xa: {  	[smem:$0x3FB0] =	sst s2  }
0xb: {  	[smem:$0x3FB1] =	sst s3  }
0xc: {  	[smem:$0x3FB2] =	sst s4  }
0xd: {  	[smem:$0x3FB3] =	sst s5  }
0xe: {  	[smem:$0x3FB4] =	sst s6  }
0xf: {  	[smem:$0x3FB5] =	sst s7  }
0x10: {  	[smem:$0x3FB6] =	sst s8  }
0x11: {  	[smem:$0x3FB7] =	sst s9;
	s0 =	simm.s32 @!p0 $0x0  }
0x12: {  	s1 =	sld [smem:$0x3F9D];
	s0 =	simm.s32 @p0 $0x1  }
0x13: {  	[smem:$0x3FB8] =	sst s0;
	s0 =	simm.s32 @!p1 $0x0  }
0x14: {  	s2 =	sld [smem:$0x3F9C];
	s0 =	simm.s32 @p1 $0x1  }
0x15: {  	[smem:$0x3FB9] =	sst s0;
	s0 =	simm.s32 @!p2 $0x0  }
0x16: {  	s3 =	sld [smem:$0x3FDB];
	s0 =	simm.s32 @p2 $0x1  }
0x17: {  	s4 =	simm.s32 $0x1BF5;
	[smem:$0x3FBB] =	sst s0  }
0x18: {  	s0 =	sld [smem:$0x3F9E];
	_ =	swait.ge [sflag:s4], $0x0  }
0x19: {  	s7 =	sld [smem:$0x3F9F]  }
0x1a: {  	s8 =	sadd.s32 $0xFFFFE003, lr  }
0x1b: {  	s9 =	sadd.s32 $0xFFFFFEF7, lr;
	s5 =	simm.s32 $0xFFFFFFFF;
	p2 =	slt.u32 s8, $0xFFFFF086  }
0x1c: {  	p1 =	slt.u32 s9, $0xF7A;
	s5 =	simm.s32 @!p2 $0x0  }
0x1d: {  	s5 =	simm.s32 @p1 $0x1;
	p0 =	seq.s32 s7, s2  }
0x1e: {  	s7 =	smul.u32 @!p0 $0xF7A, s2;
	p2 =	seq.s32 @!p0 s5, $0x0  }
0x1f: {  	s9 =	smul.u32 $0xF7A, s1;
	s8 =	simm.s32 @!p0 $0x1BF5;
	p2 =	por !p2, p0  }
0x20: {  	[sflag:s8] =	ssyncset.s32 @!p0 $0xFFFFF086;
	s6 =	sadd.s32 @!p0 s3, s7;
	s7 =	simm.s32 @!p0 $0x108  }
0x21: {  	s3 =	sadd.s32 s3, s9;
	s6 =	sadd.s32 @!p0 $0x88, s6;
	s7 =	simm.s32 @p2 $0x1082  }
0x22: {  	[simem:s7], [sflag:s8] =	dma.local @!p0 [hbm:s6], $0xF7A  }
0x23: {  	s9 =	sor.u32 $0xD0000000, s2;
	s6 =	simm.s32 $0x108;
	_ =	swait.ge @!p0 [sflag:s8], $0x0  }
0x24: {  	s3 =	sadd.s32 $0x88, s3;
	s6 =	simm.s32 @!p1 $0x1082;
	[sflag:s4] =	ssyncset.s32 $0xFFFFF086  }
0x25: {  	[simem:s6], [sflag:s4] =	dma.local [hbm:s3], $0xF7A  }
0x26: {  	[smem:$0x3F9F] =	sst s1;
	(tag) =	ssettag s2;
	_ =	strace s9  }
0x27: {  	s1 =	sld [smem:$0x3FAF]  }
0x28: {  	s2 =	sld [smem:$0x3FB0]  }
0x29: {  	s4 =	sld [smem:$0x3FB2]  }
0x2a: {  	p0 =	seq.s32 s5, $0x0;
	s5 =	sld [smem:$0x3FB3]  }
0x2b: {  	s6 =	sld [smem:$0x3FB4]  }
0x2c: {  	s7 =	sld [smem:$0x3FB5]  }
0x2d: {  	s3 =	simm.s32 $0x108;
	s8 =	sld [smem:$0x3FB6]  }
0x2e: {  	s3 =	simm.s32 @!p0 $0x1082;
	s9 =	sld [smem:$0x3FB7]  }
0x2f: {  	lr =	sadd.s32 s0, s3;
	s0 =	sld [smem:$0x3FAE]  }
0x30: {  	s3 =	sld [smem:$0x3FB1]  }
0x31: {  	[smem:$0x3FBA] =	sst s10  }
0x32: {  	s10 =	sld [smem:$0x3FB8];
	_ =	sdelay $0x3  }
0x33: {  	p0 =	seq.s32 s10, $0x1;
	s10 =	sld [smem:$0x3FBA];
	_ =	sdelay $0x3  }
0x34: {  	[smem:$0x3FBA] =	sst s10  }
0x35: {  	s10 =	sld [smem:$0x3FB9];
	_ =	sdelay $0x3  }
0x36: {  	p1 =	seq.s32 s10, $0x1;
	s10 =	sld [smem:$0x3FBA];
	_ =	sdelay $0x3  }
0x37: {  	[smem:$0x3FBA] =	sst s10  }
0x38: {  	s10 =	sld [smem:$0x3FBB]  }
0x39: {  	_ = 	snop;
	(pc) =	sbr.ind lr, $3  }
0x3a: {  	_ = 	snop  }
0x3b: {  	_ = 	snop  }
0x3c: {  	p2 =	seq.s32 s10, $0x1;
	s10 =	sld [smem:$0x3FBA]  }
0x3d: {  	_ =	shalt  }
0x3e: {  	_ =	shalt  }
0x3f: {  	_ =	shalt  }
0x40: {  	_ =	shalt  }
0x41: {  	_ =	shalt  }
0x42: {  	_ =	shalt  }
0x43: {  	_ =	shalt  }
0x44: {  	_ =	shalt  }
0x45: {  	_ =	shalt  }
0x46: {  	_ =	shalt  }
0x47: {  	_ =	shalt  }
0x48: {  	_ =	shalt  }
0x49: {  	_ =	shalt  }
0x4a: {  	_ =	shalt  }
0x4b: {  	_ =	shalt  }
0x4c: {  	_ =	shalt  }
0x4d: {  	_ =	shalt  }
0x4e: {  	_ =	shalt  }
0x4f: {  	_ =	shalt  }
0x50: {  	_ =	shalt  }
0x51: {  	_ =	shalt  }
0x52: {  	_ =	shalt  }
0x53: {  	_ =	shalt  }
0x54: {  	_ =	shalt  }
0x55: {  	_ =	shalt  }
0x56: {  	_ =	shalt  }
0x57: {  	_ =	shalt  }
0x58: {  	_ =	shalt  }
0x59: {  	_ =	shalt  }
0x5a: {  	_ =	shalt  }
0x5b: {  	_ =	shalt  }
0x5c: {  	_ =	shalt  }
0x5d: {  	_ =	shalt  }
0x5e: {  	_ =	shalt  }
0x5f: {  	_ =	shalt  }
0x60: {  	_ =	shalt  }
0x61: {  	_ =	shalt  }
0x62: {  	_ =	shalt  }
0x63: {  	_ =	shalt  }
0x64: {  	_ =	shalt  }
0x65: {  	_ =	shalt  }
0x66: {  	_ =	shalt  }
0x67: {  	_ =	shalt  }
0x68: {  	_ =	shalt  }
0x69: {  	_ =	shalt  }
0x6a: {  	_ =	shalt  }
0x6b: {  	_ =	shalt  }
0x6c: {  	_ =	shalt  }
0x6d: {  	_ =	shalt  }
0x6e: {  	_ =	shalt  }
0x6f: {  	_ =	shalt  }
0x70: {  	_ =	shalt  }
0x71: {  	_ =	shalt  }
0x72: {  	_ =	shalt  }
0x73: {  	_ =	shalt  }
0x74: {  	_ =	shalt  }
0x75: {  	_ =	shalt  }
0x76: {  	_ =	shalt  }
0x77: {  	_ =	shalt  }
0x78: {  	_ =	shalt  }
0x79: {  	_ =	shalt  }
0x7a: {  	_ =	shalt  }
0x7b: {  	_ =	shalt  }
0x7c: {  	_ =	shalt  }
0x7d: {  	_ =	shalt  }
0x7e: {  	_ =	shalt  }
0x7f: {  	_ =	shalt  }
0x80: {  	_ =	shalt  }
0x81: {  	_ =	shalt  }
0x82: {  	_ =	shalt  }
0x83: {  	_ =	shalt  }
0x84: {  	_ =	shalt  }
0x85: {  	_ =	shalt  }
0x86: {  	_ =	shalt  }
0x87: {  	_ =	shalt  }
.Lfunc_end0:
.L_simem_size_0:
called_computation_lowered:
.L_overlay_start_0:
0x88: {  	s2 =	sld [smem:$0x3FD9]  }
0x89: {  	s3 =	sld [smem:$0x3FFE];
	_ =	sdelay $0x1  }
0x8a: {  	s1 =	srdreg.scid  }
0x8b: {  	s0 =	sand.u32 $0x1, s1  }
0x8c: {  	s17 =	sshll.u32 s0, $0xA;
	s2 =	sadd.s32 s3, s2  }
0x8d: {  	s2 =	sadd.s32 s2, s17  }
0x8e: {  	[smem:$0x3FC6] =	sst s2  }
0x8f: {  	_ = 	snop  }
0x90: {  	s2 =	sld [smem:$0x3FD0];
	(tm) =	ssettm $0x1  }
0x91: {  	s18 =	sld [smem:$0x3FFB];
	_ =	sdelay $0x3  }
0x92: {  	_ =	strace s18  }
0x93: {  	s3 =	sld [smem:$0x3FFC];
	_ =	sdelay $0x3  }
0x94: {  	_ =	strace s3  }
0x95: {  	s3 =	sld [smem:$0x3FFD];
	_ =	sdelay $0x3  }
0x96: {  	_ =	strace s3  }
0x97: {  	_ =	strace $0x8FFFFFFF  }
0x98: {  	s19 =	sld [smem:$0x3FDB];
	_ =	sdelay $0x1  }
0x99: {  	s4 =	simm.s32 $_scs_section_size  }
0x9a: {  	s5 =	simm.s32 $_size__tile_overlayer_lowered;
	s6 =	simm.s32 $_tile_overlayer_lowered  }
0x9b: {  	s22 =	simm.s32 $0x1BFF;
	s21 =	sshll.u32 s6, $0x1;
	s3 =	sadd.s32 s4, s19  }
0x9c: {  	s7 =	simm.s32 $0x0;
	s20 =	sshll.u32 s5, $0x1;
	s5 =	sadd.s32 s21, s3  }
0x9d: {  	[timem:s7], [sflag:s22] =	dma.local [hbm:s5], s20  }
0x9e: {  	_ =	swait.ge [sflag:s22], s20  }
0x9f: {  	s4 =	ssub.s32 $0x0, s20;
	[sflag:s22] =	ssyncset.done $0x0  }
0xa0: {  	[sflag:s22] =	ssyncadd.s32 s4;
	_ =	sdelay $0x1  }
0xa1: {  	s23 =	simm.s32 $0x1B8B  }
0xa2: {  	_ =	swait.ge [sflag:s23], $0x1  }
0xa3: {  	[sflag:s23] =	ssyncset.done $0x0  }
0xa4: {  	s25 =	simm.s32 $0x1B8E;
	s24 =	sld [smem:$0x3FFE];
	[sflag:s23] =	ssyncadd.s32 $0xFFFFFFFF  }
0xa5: {  	s26 =	simm.s32 $execute0_lowered;
	[smem:$0x3FD2] =	sst s25  }
0xa6: {  	s5 =	sshll.u32 s26, $0x1;
	_ =	strace $0x80000046;
	[dreg:$0x1] =	wrdreg $0xFFFFFFFF  }
0xa7: {  	s28 =	simm.s32 $_size_execute0_lowered;
	s3 =	sadd.s32 s3, s5;
	[dreg:$0x0] =	wrdreg $0x0  }
0xa8: {  	s5 =	sshll.u32 s28, $0x1;
	[dreg:$0x2] =	wrdreg s3  }
0xa9: {  	[dreg:$0x3] =	wrdreg s5  }
0xaa: {  	[dreg:$0x4] =	wrdreg $0xC0  }
0xab: {  	_ =	task [dreg:s7], $0x5FFFF  }
0xac: {  	[dreg:$0x1] =	wrdreg $0xFFFFFFFF  }
0xad: {  	[dreg:$0x0] =	wrdreg $0x60  }
0xae: {  	[dreg:$0x2] =	wrdreg s24  }
0xaf: {  	[dreg:$0x3] =	wrdreg s2  }
0xb0: {  	[dreg:$0x4] =	wrdreg $0x9  }
0xb1: {  	_ =	task.clear_ibuf [dreg:s7], $0x5FFFF;
	_ =	strace $0x90000046  }
0xb2: {  	s29 =	simm.s32 $0x9;
	_ =	strace $0x80000048  }
0xb3: {  	_ =	swait.ge [sflag:s29], $0x1  }
0xb4: {  	[sflag:s29] =	ssyncadd.s32 $0xFFFFFFFF  }
0xb5: {  	_ =	strace $0x90000048  }
0xb6: {  	_ =	sfence  }
0xb7: {  	s30 =	sld [smem:$0x0];
	_ =	sdelay $0x2  }
0xb8: {  	s31 =	sshll.u32 s1, $0xD;
	s1 =	sshrl.u32 s1, $0x2  }
0xb9: {  	s3 =	sand.u32 $0x4000, s31;
	s1 =	sadd.s32 s1, s30  }
0xba: {  	s0 =	sor.u32 s3, s0;
	s1 =	sshll.u32 s1, $0x11  }
0xbb: {  	s0 =	sor.u32 s1, s0  }
0xbc: {  	s0 =	sadd.s32 $0x8F2B, s0  }
0xbd: {  	[sflag:s0] =	ssyncadd.remote.s32 $0x1  }
0xbe: {  	_ =	sfence.sel $0xFFFF  }
0xbf: {  	[dreg:$0x0] =	wrdreg $0xFFFFFFFF;
	(pc) =	sbr.abs _section_cstart, $3  }
0xc0: {  	[dreg:$0x1] =	wrdreg $0xFFFFFFFF  }
0xc1: {  	_ =	task.clear_ibuf [dreg:s7], $0x2FFFF;
	_ =	strace $0x9FFFFFFF  }
0xc2: {  	(tm) =	ssettm $0x7FFFFFFF  }
0xc3: {  	_ =	shalt  }
tec
execute0_lowered:
.L_overlay_start_1:
0x0: {  	(tag) =	ssettag $0x1  }
0x1: {  	v0 =	vlaneseq.u32  }
0x2: {  	s0 =	rddreg [dreg:$0x0];
	s3 =	simm.s32 $0x0;
	v8 =	vmul.u32 $0x88, v0  }
0x3: {  	[smem:$0x7FF] =	sst s3  }
0x4: {  	s2 =	rddreg [dreg:$0x1];
	_ =	strace $0x80000047;
	v0 =	vadd.s32 $0x1981, v8;
	[tilespmem:$0x1FEC0] =	vst v8  }
0x5: {  	v9 =	vadd.s32 $0x1980, v8;
	[tilespmem:$0x1FE80] =	vst v0  }
0x6: {  	v12 =	vor.u32 $0x1, v8;
	[tilespmem:$0x1FED0] =	vst v9  }
0x7: {  	v13 =	vadd.s32 $0x1101, v8;
	[tilespmem:$0x1FEE0] =	vst v12  }
0x8: {  	v16 =	vor.u32 $0x2, v8;
	[tilespmem:$0x1FEF0] =	vst v13  }
0x9: {  	v20 =	vadd.s32 $0x1102, v8;
	[tilespmem:$0x1FF00] =	vst v16  }
0xa: {  	v23 =	vadd.s32 $0x1982, v8;
	[tilespmem:$0x1FF10] =	vst v20  }
0xb: {  	v24 =	vor.u32 $0x3, v8;
	[tilespmem:$0x1FF20] =	vst v23  }
0xc: {  	v27 =	vadd.s32 $0x1983, v8;
	[tilespmem:$0x1FF30] =	vst v24  }
0xd: {  	v28 =	vor.u32 $0x4, v8;
	[tilespmem:$0x1FF40] =	vst v27  }
0xe: {  	v31 =	vadd.s32 $0x1984, v8;
	[tilespmem:$0x1FF50] =	vst v28  }
0xf: {  	v32 =	vor.u32 $0x5, v8;
	[tilespmem:$0x1FF60] =	vst v31  }
0x10: {  	v10 =	vadd.s32 $0x1985, v8;
	[tilespmem:$0x1FF70] =	vst v32  }
0x11: {  	s1 =	srdreg.scid;
	s4 =	stileid.u32;
	s10 =	simm.s32 $0x80;
	v15 =	vor.u32 $0x6, v8;
	[tilespmem:$0x1FF80] =	vst v10  }
0x12: {  	s17 =	simm.s32 $0x1;
	s18 =	simm.s32 $0xE400;
	s19 =	simm.s32 $0xC400;
	v14 =	vadd.s32 $0x1986, v8;
	[tilespmem:$0x1FF90] =	vst v15  }
0x13: {  	s20 =	simm.s32 $0x2;
	s21 =	simm.s32 $0x10600;
	s22 =	simm.s32 $0x3;
	v19 =	vor.u32 $0x7, v8;
	[tilespmem:$0x1FFA0] =	vst v14  }
0x14: {  	s23 =	simm.s32 $0x12800;
	s24 =	simm.s32 $0x4;
	s28 =	simm.s32 $0x6;
	v3 =	vadd.s32 $0x887, v8;
	[tilespmem:$0x1FFB0] =	vst v19  }
0x15: {  	s29 =	simm.s32 $0x7;
	s1 =	sand.u32 $0x1, s1;
	s4 =	sshll.u32 s4, $0x1;
	v5 =	vadd.s32 $0x1107, v8;
	[tilespmem:$0x1FFC0] =	vst v3  }
0x16: {  	s30 =	simm.s32 $0x8;
	s31 =	simm.s32 $0x0;
	s5 =	sor.u32 s1, s4;
	v6 =	vadd.s32 $0x1987, v8;
	[tilespmem:$0x1FFD0] =	vst v5  }
0x17: {  	v1 =	vimm.s32 $0x0;
	vm0 =	vcmask $0x300;
	s7 =	sadd.s32 $0x8000, s2;
	s1 =	ssub.s32 $0x2, s1;
	s4 =	sshll.u32 s5, $0x4;
	v29 =	vadd.s32 $0x1105, v8;
	[tilespmem:$0x1FFE0] =	vst v6  }
0x18: {  	s8 =	sadd.s32 $0x10000, s2;
	v17 =	vadd.s32 $0x880, v8;
	s25 =	sshrl.u32 s1, $0x1;
	v11 =	vadd.s32 $0x1100, v8;
	s6 =	sadd.s32 s4, s0;
	v0 =	vadd.s32 $0x1103, v8;
	[tilespmem:$0x1FFF0] =	vst v29  }
0x19: {  	v1 =	vsel vm0, $0x3, v1;
	v18 =	vadd.s32 $0x881, v8;
	s4 =	sadd.s32 $0xF42A00, s0;
	s0 =	ssub.s32 s1, s25;
	s26 =	sadd.s32 $0x600, s6;
	[tilespmem:$0x1FE90] =	vst v0;
	v0 =	vadd.s32 $0x1104, v8  }
0x1a: {  	v22 =	vadd.s32 $0x882, v8;
	v21 =	vadd.s32 $0x883, v8;
	s25 =	simm.s32 $0x14A00;
	s0 =	smax.u32 s0, $0x1;
	[dreg:$0x3] =	wrdreg s26;
	[tilespmem:$0x1FEA0] =	vst v0;
	v0 =	vadd.s32 $0x1106, v8  }
0x1b: {  	v25 =	vadd.s32 $0x884, v8;
	v26 =	vadd.s32 $0x885, v8;
	v30 =	vadd.s32 $0x886, v8;
	s6 =	sshll.u32 s5, $0xA;
	[dreg:$0x4] =	wrdreg s0;
	s26 =	simm.s32 $0x5;
	[tilespmem:$0x1FEB0] =	vst v0  }
.LBB2_1:
0x1c: {  	s0 =	rddreg [dreg:$0x3];
	s1 =	simm.s32 $0x1000;
	s12 =	simm.s32 $0x9  }
0x1d: {  	[tilespmem:s3], [sflag:$0x9] =	stream.strided.gather [hbm4b:s0+s10], $0x6400, s1, s10, $0x38;
	[tilespmem:$0x16C00] =	vst v63  }
0x1e: {  	_ =	swait.ge [sflag:s12], $0x6400  }
0x1f: {  	[sflag:s12] =	ssyncset.done $0x0  }
0x20: {  	s13 =	simm.s32 $0x6400;
	[sflag:s12] =	ssyncadd.s32 $0xFFFF9C00  }
0x21: {  	[tilespmem:s13], [sflag:$0x1] =	stream.indirect.gather [hbm4b:s4+s10], $0x40, s3, s10, $0xb8;
	[tilespmem:$0x16C00] =	vst v63  }
0x22: {  	s14 =	simm.s32 $0x8400  }
0x23: {  	[tilespmem:s14], [sflag:$0x2] =	stream.indirect.gather [hbm4b:s4+s10], $0x40, s10, s10, $0xb8;
	[tilespmem:$0x16C00] =	vst v63  }
0x24: {  	s15 =	simm.s32 $0x100;
	s16 =	simm.s32 $0xA400;
	s0 =	simm.s32 $0x0  }
0x25: {  	[tilespmem:s16], [sflag:$0x3] =	stream.indirect.gather [hbm4b:s4+s10], $0x40, s15, s10, $0xb8;
	[tilespmem:$0x16C00] =	vst v63  }
.LBB2_2:
0x26: {  	_ =	swait.ge [sflag:s17], $0x2000;
	s1 =	simm.s32 $0x0;
	p0 =	seq.s32 s0, $0x0  }
0x27: {  	s12 =	simm.s32 $0x1;
	s5 =	simm.s32 $0x2;
	s9 =	simm.s32 $0x3  }
0x28: {  	s13 =	simm.s32 $0x4;
	s14 =	simm.s32 $0x5;
	[sflag:s17] =	ssyncset.done $0x0;
	v33 =	vmov s1  }
0x29: {  	s16 =	simm.s32 $0x7;
	v34 =	vmov s12;
	v35 =	vmov s5;
	v36 =	vmov s9;
	s11 =	simm.s32 @!p0 $0x5;
	[sflag:s17] =	ssyncadd.s32 $0xFFFFE000  }
0x2a: {  	s15 =	simm.s32 $0x6;
	v37 =	vmov s13;
	v38 =	vmov s14;
	v40 =	vmov s16;
	_ =	swait.ge @!p0 [sflag:s11], $0x2000  }
0x2b: {  	v39 =	vmov s15;
	v33 =	vshrl.u32 v33, $0x3;
	v40 =	vshrl.u32 v40, $0x3;
	[sflag:s11] =	ssyncset.done @!p0 $0x0  }
0x2c: {  	v34 =	vshrl.u32 v34, $0x3;
	v35 =	vshrl.u32 v35, $0x3;
	v40 =	vshll.u32 v40, v1;
	[sflag:s11] =	ssyncadd.s32 @!p0 $0xFFFFE000;
	s11 =	simm.s32 $0x6500  }
0x2d: {  	v36 =	vshrl.u32 v36, $0x3;
	v33 =	vshll.u32 v33, v1;
	v2 =	vbroadcast v40, $0x0;
	v61 =	vld [tilespmem:s11+$0xC0]  }
0x2e: {  	v37 =	vshrl.u32 v37, $0x3;
	v34 =	vshll.u32 v34, v1;
	v4 =	vbroadcast v33, $0x0;
	v43 =	vld [tilespmem:s11+$0xFFFFFF00]  }
0x2f: {  	v35 =	vshll.u32 v35, v1;
	v0 =	vbroadcast v34, $0x0;
	v45 =	vld [tilespmem:s11+$0xFFFFFF40];
	v46 =	vadd.s32 v19, v2  }
0x30: {  	v44 =	vshll.u32 v37, v1;
	v37 =	vbroadcast v35, $0x0;
	v63 =	vadd.s32 v8, v4;
	v47 =	vld [tilespmem:s11+$0xFFFFFF80]  }
0x31: {  	v38 =	vshrl.u32 v38, $0x3;
	v36 =	vshll.u32 v36, v1;
	v48 =	vadd.s32 v12, v0  }
0x32: {  	v36 =	vbroadcast v36, $0x0;
	v49 =	vld [tilespmem:s11+$0xFFFFFFC0];
	v50 =	vadd.s32 v16, v37;
	v57 =	vmul.f32 $8.000000000e+00, v61  }
0x33: {  	v42 =	vshrl.u32 v39, $0x3;
	v62 =	vshll.u32 v38, v1;
	v51 =	vld [tilespmem:s11+$0x0];
	v43 =	vmul.f32 $8.000000000e+00, v43  }
0x34: {  	v35 =	vbroadcast v44, $0x0;
	v52 =	vadd.s32 v24, v36;
	v53 =	vld [tilespmem:s11+$0x40];
	v45 =	vmul.f32 $8.000000000e+00, v45;
	[tilespmem:v46+s18+$0x0] =	vst.idx.msk $0xffff, v57  }
0x35: {  	v42 =	vshll.u32 v42, v1;
	v33 =	vbroadcast v62, $0x0;
	v55 =	vld [tilespmem:s11+$0x80];
	v59 =	vmul.f32 $8.000000000e+00, v47;
	[tilespmem:v63+s18+$0x0] =	vst.idx.msk $0xffff, v43  }
0x36: {  	v34 =	vbroadcast v42, $0x0;
	v54 =	vadd.s32 v28, v35;
	[tilespmem:v48+s18+$0x0] =	vst.idx.msk $0xffff, v45;
	v44 =	vld [tilespmem:s11+$0xD0]  }
0x37: {  	v61 =	vmul.f32 $8.000000000e+00, v49;
	v43 =	vadd.s32 v32, v33;
	[tilespmem:v50+s18+$0x0] =	vst.idx.msk $0xffff, v59;
	v60 =	vld [tilespmem:s11+$0xFFFFFF10]  }
0x38: {  	v47 =	vadd.s32 v15, v34;
	v49 =	vld [tilespmem:s11+$0xFFFFFF50];
	[tilespmem:$0x1FE60] =	vst v4  }
0x39: {  	s5 =	simm.s32 $0x8;
	v62 =	vmul.f32 $8.000000000e+00, v51;
	v50 =	vadd.s32 v3, v2;
	[tilespmem:v52+s18+$0x0] =	vst.idx.msk $0xffff, v61  }
0x3a: {  	v58 =	vmov s5;
	v56 =	vadd.s32 v17, v4;
	v63 =	vmul.f32 $8.000000000e+00, v53;
	v57 =	vld [tilespmem:s11+$0xFFFFFF90];
	[tilespmem:$0x1FE70] =	vst v0  }
0x3b: {  	v42 =	vshrl.u32 v58, $0x3;
	v38 =	vmul.f32 $8.000000000e+00, v55;
	v53 =	vadd.s32 v18, v0;
	v58 =	vld [tilespmem:s11+$0xFFFFFFD0];
	[tilespmem:v54+s18+$0x0] =	vst.idx.msk $0xffff, v62  }
0x3c: {  	v55 =	vadd.s32 v22, v37;
	v59 =	vld [tilespmem:s11+$0x10];
	[tilespmem:v43+s18+$0x0] =	vst.idx.msk $0xffff, v63;
	v43 =	vmul.f32 $8.000000000e+00, v44  }
0x3d: {  	v46 =	vadd.s32 v21, v36;
	[tilespmem:v47+s18+$0x0] =	vst.idx.msk $0xffff, v38;
	v45 =	vmul.f32 $8.000000000e+00, v60;
	v60 =	vld [tilespmem:s11+$0x50]  }
0x3e: {  	v61 =	vld [tilespmem:s11+$0x90];
	v39 =	vmul.f32 $8.000000000e+00, v49;
	v49 =	vadd.s32 v25, v35;
	[tilespmem:v50+s18+$0x0] =	vst.idx.msk $0xffff, v43  }
0x3f: {  	v63 =	vmul.f32 $8.000000000e+00, v57;
	[tilespmem:v56+s18+$0x0] =	vst.idx.msk $0xffff, v45;
	v45 =	vadd.s32 v26, v33;
	v50 =	vld [tilespmem:s11+$0xE0]  }
0x40: {  	[tilespmem:v53+s18+$0x0] =	vst.idx.msk $0xffff, v39;
	v53 =	vadd.s32 v30, v34;
	v56 =	vld [tilespmem:s11+$0xFFFFFF20];
	v39 =	vmul.f32 $8.000000000e+00, v58  }
0x41: {  	v43 =	vshll.u32 v42, v1;
	v57 =	vld [tilespmem:s11+$0xFFFFFF60];
	[tilespmem:v55+s18+$0x0] =	vst.idx.msk $0xffff, v63;
	v55 =	vadd.s32 v5, v2;
	v42 =	vmul.f32 $8.000000000e+00, v59  }
0x42: {  	s15 =	simm.s32 $0xD;
	v58 =	vadd.s32 v11, v4;
	[tilespmem:v46+s18+$0x0] =	vst.idx.msk $0xffff, v39;
	v46 =	vmul.f32 $8.000000000e+00, v60  }
0x43: {  	v62 =	vadd.s32 v13, v0;
	v44 =	vmov s15;
	v47 =	vmul.f32 $8.000000000e+00, v61;
	[tilespmem:v49+s18+$0x0] =	vst.idx.msk $0xffff, v42  }
0x44: {  	s16 =	simm.s32 $0xE;
	v59 =	vld [tilespmem:s11+$0xFFFFFFA0];
	v61 =	vshrl.u32 v44, $0x3;
	[tilespmem:v45+s18+$0x0] =	vst.idx.msk $0xffff, v46;
	v44 =	vmul.f32 $8.000000000e+00, v50  }
0x45: {  	v38 =	vmov s16;
	v4 =	vmovc v29;
	v29 =	vmov v26;
	v50 =	vmul.f32 $8.000000000e+00, v56;
	v26 =	vld [tilespmem:$0x1FE90];
	[tilespmem:v53+s18+$0x0] =	vst.idx.msk $0xffff, v47  }
0x46: {  	v7 =	vmovc v30;
	v42 =	vshrl.u32 v38, $0x3;
	v38 =	vbroadcast v43, $0x0;
	v43 =	vmul.f32 $8.000000000e+00, v57;
	v30 =	vld [tilespmem:$0x1FEA0];
	[tilespmem:v55+s18+$0x0] =	vst.idx.msk $0xffff, v44  }
0x47: {  	[tilespmem:v58+s18+$0x0] =	vst.idx.msk $0xffff, v50  }
0x48: {  	v49 =	vadd.s32 v20, v37;
	[tilespmem:v62+s18+$0x0] =	vst.idx.msk $0xffff, v43  }
0x49: {  	v0 =	vld [tilespmem:$0x1FEB0]  }
0x4a: {  	v63 =	vld [tilespmem:s11+$0xFFFFFFE0]  }
0x4b: {  	s12 =	simm.s32 $0xA;
	v59 =	vmul.f32 $8.000000000e+00, v59  }
0x4c: {  	v51 =	vmov s12;
	v56 =	vadd.s32 v26, v36  }
0x4d: {  	v51 =	vshrl.u32 v51, $0x3;
	[tilespmem:v49+s18+$0x0] =	vst.idx.msk $0xffff, v59  }
0x4e: {  	v44 =	vshll.u32 v51, v1;
	v51 =	vadd.s32 v0, v34;
	v0 =	vld [tilespmem:$0x1FE60]  }
0x4f: {  	v39 =	vld [tilespmem:s11+$0x20];
	v62 =	vmul.f32 $8.000000000e+00, v63  }
0x50: {  	s9 =	simm.s32 $0x9;
	v40 =	vld [tilespmem:s11+$0x60]  }
0x51: {  	v48 =	vmov s9;
	v60 =	vld [tilespmem:s11+$0xA0];
	[tilespmem:v56+s18+$0x0] =	vst.idx.msk $0xffff, v62  }
0x52: {  	v48 =	vshrl.u32 v48, $0x3;
	v53 =	vadd.s32 v6, v2;
	v2 =	vld [tilespmem:$0x1FE70]  }
0x53: {  	s13 =	simm.s32 $0xB;
	v47 =	vshll.u32 v48, v1;
	v57 =	vadd.s32 v30, v35;
	v48 =	vadd.s32 v9, v0;
	v0 =	vld [tilespmem:$0x1FE80]  }
0x54: {  	s14 =	simm.s32 $0xC;
	v52 =	vmov s13;
	v55 =	vld [tilespmem:s11+$0xF0]  }
0x55: {  	v52 =	vshrl.u32 v52, $0x3;
	v54 =	vmov s14;
	v50 =	vld [tilespmem:s11+$0xFFFFFF30]  }
0x56: {  	v41 =	vshrl.u32 v54, $0x3;
	v45 =	vshll.u32 v52, v1;
	v52 =	vld [tilespmem:s11+$0xFFFFFF70];
	v63 =	vmul.f32 $8.000000000e+00, v39  }
0x57: {  	v54 =	vadd.s32 v4, v33;
	v46 =	vshll.u32 v41, v1;
	v43 =	vshll.u32 v61, v1;
	v49 =	vld [tilespmem:s11+$0xFFFFFFB0]  }
0x58: {  	s1 =	sshll.u32 s0, $0x2;
	s13 =	simm.s32 $0x10;
	s14 =	simm.s32 $0xF;
	v39 =	vmul.f32 $8.000000000e+00, v40;
	v40 =	vmul.f32 $8.000000000e+00, v60;
	v56 =	vld [tilespmem:s11+$0xFFFFFFF0];
	[tilespmem:v57+s18+$0x0] =	vst.idx.msk $0xffff, v63;
	v41 =	vadd.s32 v0, v2  }
.LBB2_3:
0x59: {  	_ =	sdelay $0x1  }
0x5a: {  	v57 =	vmov s14  }
0x5b: {  	v37 =	vadd.s32 v23, v37;
	v58 =	vld [tilespmem:s11+$0x30];
	v36 =	vadd.s32 v27, v36;
	[tilespmem:v54+s18+$0x0] =	vst.idx.msk $0xffff, v39;
	v61 =	vmul.f32 $8.000000000e+00, v55  }
0x5c: {  	v35 =	vadd.s32 v31, v35;
	v62 =	vshrl.u32 v57, $0x3;
	[tilespmem:v51+s18+$0x0] =	vst.idx.msk $0xffff, v40;
	v50 =	vmul.f32 $8.000000000e+00, v50;
	v55 =	vld [tilespmem:s11+$0x70]  }
0x5d: {  	v39 =	vmov v38;
	v38 =	vshll.u32 v62, v1;
	v63 =	vmul.f32 $8.000000000e+00, v52;
	v52 =	vld [tilespmem:s11+$0xB0];
	s11 =	sadd.s32 $0x200, s11;
	[tilespmem:v53+s18+$0x0] =	vst.idx.msk $0xffff, v61  }
0x5e: {  	v33 =	vadd.s32 v10, v33;
	v40 =	vbroadcast v38, $0x0;
	v57 =	vmul.f32 $8.000000000e+00, v49;
	[tilespmem:v48+s18+$0x0] =	vst.idx.msk $0xffff, v50;
	v53 =	vld [tilespmem:s11+$0xC0]  }
0x5f: {  	v34 =	vadd.s32 v14, v34;
	v59 =	vmul.f32 $8.000000000e+00, v56;
	[tilespmem:v41+s18+$0x0] =	vst.idx.msk $0xffff, v63;
	v48 =	vld [tilespmem:s11+$0xFFFFFF00]  }
0x60: {  	v41 =	vbroadcast v47, $0x0;
	v47 =	vadd.s32 v19, v40;
	[tilespmem:v37+s18+$0x0] =	vst.idx.msk $0xffff, v57;
	v61 =	vmul.f32 $8.000000000e+00, v58;
	v60 =	vld [tilespmem:s11+$0xFFFFFF40]  }
0x61: {  	v51 =	vadd.s32 v8, v39;
	[tilespmem:v36+s18+$0x0] =	vst.idx.msk $0xffff, v59;
	v62 =	vld [tilespmem:s11+$0xFFFFFF80];
	v63 =	vmul.f32 $8.000000000e+00, v55  }
0x62: {  	v36 =	vbroadcast v45, $0x0;
	v49 =	vadd.s32 v12, v41;
	[tilespmem:v35+s18+$0x0] =	vst.idx.msk $0xffff, v61;
	v55 =	vld [tilespmem:s11+$0xFFFFFFC0];
	v56 =	vmul.f32 $8.000000000e+00, v52  }
0x63: {  	v42 =	vshll.u32 v42, v1;
	v37 =	vbroadcast v44, $0x0;
	v57 =	vld [tilespmem:s11+$0x0];
	[tilespmem:v33+s18+$0x0] =	vst.idx.msk $0xffff, v63;
	v58 =	vmul.f32 $8.000000000e+00, v53  }
0x64: {  	v35 =	vbroadcast v46, $0x0;
	[tilespmem:v34+s18+$0x0] =	vst.idx.msk $0xffff, v56;
	v59 =	vmul.f32 $8.000000000e+00, v48;
	v48 =	vadd.s32 v24, v36;
	v53 =	vld [tilespmem:s11+$0x40]  }
0x65: {  	v45 =	vadd.s32 v16, v37;
	v33 =	vbroadcast v43, $0x0;
	v60 =	vmul.f32 $8.000000000e+00, v60;
	v50 =	vld [tilespmem:s11+$0x80];
	[tilespmem:v47+s18+$0x0] =	vst.idx.msk $0xffff, v58  }
0x66: {  	v43 =	vadd.s32 v28, v35;
	v34 =	vbroadcast v42, $0x0;
	[tilespmem:v51+s18+$0x0] =	vst.idx.msk $0xffff, v59;
	v47 =	vld [tilespmem:s11+$0xD0]  }
0x67: {  	v63 =	vadd.s32 v32, v33;
	[tilespmem:v49+s18+$0x0] =	vst.idx.msk $0xffff, v60;
	v60 =	vmul.f32 $8.000000000e+00, v55;
	v51 =	vld [tilespmem:s11+$0xFFFFFF10]  }
0x68: {  	v61 =	vmov s13;
	v62 =	vmul.f32 $8.000000000e+00, v62;
	v49 =	vadd.s32 v15, v34  }
0x69: {  	v42 =	vshrl.u32 v61, $0x3;
	v56 =	vadd.s32 v17, v39;
	v61 =	vmul.f32 $8.000000000e+00, v57;
	v55 =	vld [tilespmem:s11+$0xFFFFFF50];
	[tilespmem:v48+s18+$0x0] =	vst.idx.msk $0xffff, v60  }
0x6a: {  	[tilespmem:v45+s18+$0x0] =	vst.idx.msk $0xffff, v62;
	v45 =	vadd.s32 v3, v40;
	v62 =	vmul.f32 $8.000000000e+00, v53;
	v58 =	vld [tilespmem:s11+$0xFFFFFFD0]  }
0x6b: {  	v57 =	vld [tilespmem:s11+$0xFFFFFF90];
	[tilespmem:v43+s18+$0x0] =	vst.idx.msk $0xffff, v61;
	v53 =	vadd.s32 v18, v41;
	v43 =	vmul.f32 $8.000000000e+00, v50  }
0x6c: {  	v59 =	vld [tilespmem:s11+$0x10];
	[tilespmem:v63+s18+$0x0] =	vst.idx.msk $0xffff, v62;
	v38 =	vmul.f32 $8.000000000e+00, v47;
	v47 =	vmul.f32 $8.000000000e+00, v51;
	v51 =	vadd.s32 v21, v36  }
0x6d: {  	v50 =	vadd.s32 v22, v37;
	[tilespmem:v49+s18+$0x0] =	vst.idx.msk $0xffff, v43;
	v60 =	vld [tilespmem:s11+$0x50]  }
0x6e: {  	v49 =	vmul.f32 $8.000000000e+00, v55;
	v61 =	vld [tilespmem:s11+$0x90];
	[tilespmem:v56+s18+$0x0] =	vst.idx.msk $0xffff, v47  }
0x6f: {  	s14 =	sadd.s32 $0x4, s13;
	v55 =	vadd.s32 v25, v35;
	[tilespmem:v45+s18+$0x0] =	vst.idx.msk $0xffff, v38;
	v56 =	vld [tilespmem:s11+$0xFFFFFF20];
	v62 =	vmul.f32 $8.000000000e+00, v58  }
0x70: {  	s16 =	sadd.s32 $0x6, s13;
	v44 =	vmov s14;
	v63 =	vmul.f32 $8.000000000e+00, v57;
	v45 =	vadd.s32 v29, v33;
	[tilespmem:v53+s18+$0x0] =	vst.idx.msk $0xffff, v49  }
0x71: {  	v43 =	vmov s16;
	v38 =	vshll.u32 v42, v1;
	v53 =	vadd.s32 v7, v34;
	v47 =	vld [tilespmem:s11+$0xE0];
	[tilespmem:v51+s18+$0x0] =	vst.idx.msk $0xffff, v62  }
0x72: {  	[tilespmem:v50+s18+$0x0] =	vst.idx.msk $0xffff, v63;
	v42 =	vmul.f32 $8.000000000e+00, v59;
	v50 =	vadd.s32 v5, v40;
	v58 =	vadd.s32 v11, v39;
	v62 =	vld [tilespmem:s11+$0xFFFFFFE0]  }
0x73: {  	v57 =	vld [tilespmem:s11+$0xFFFFFF60];
	v49 =	vmul.f32 $8.000000000e+00, v60;
	v60 =	vshrl.u32 v44, $0x3;
	v44 =	vmul.f32 $8.000000000e+00, v61  }
0x74: {  	s5 =	sadd.s32 $0x1, s13;
	s15 =	sadd.s32 $0x5, s13;
	v59 =	vld [tilespmem:s11+$0xFFFFFFA0];
	[tilespmem:v55+s18+$0x0] =	vst.idx.msk $0xffff, v42;
	v42 =	vshrl.u32 v43, $0x3;
	v43 =	vmul.f32 $8.000000000e+00, v56;
	v56 =	vadd.s32 v26, v36  }
0x75: {  	s9 =	sadd.s32 $0x2, s13;
	v54 =	vmov s5;
	v46 =	vmov s15;
	v63 =	vld [tilespmem:s11+$0x20];
	[tilespmem:v45+s18+$0x0] =	vst.idx.msk $0xffff, v49  }
0x76: {  	v52 =	vmov s9;
	v51 =	vadd.s32 v13, v41;
	[tilespmem:v53+s18+$0x0] =	vst.idx.msk $0xffff, v44;
	v45 =	vmul.f32 $8.000000000e+00, v47;
	v0 =	vld [tilespmem:s11+$0x60]  }
0x77: {  	s12 =	sadd.s32 $0x3, s13;
	v61 =	vshrl.u32 v46, $0x3;
	v46 =	vadd.s32 v20, v37;
	v2 =	vld [tilespmem:s11+$0xA0];
	[tilespmem:v58+s18+$0x0] =	vst.idx.msk $0xffff, v43;
	v58 =	vmul.f32 $8.000000000e+00, v62  }
0x78: {  	v54 =	vshrl.u32 v54, $0x3;
	v52 =	vshrl.u32 v52, $0x3;
	v48 =	vmov s12;
	[tilespmem:v50+s18+$0x0] =	vst.idx.msk $0xffff, v45;
	v62 =	vld [tilespmem:$0x1FEB0]  }
0x79: {  	p1 =	slt.u32 s13, $0x78;
	v48 =	vshrl.u32 v48, $0x3;
	v49 =	vmul.f32 $8.000000000e+00, v57;
	v57 =	vadd.s32 v30, v35;
	[tilespmem:v56+s18+$0x0] =	vst.idx.msk $0xffff, v58;
	v58 =	vld [tilespmem:$0x1FE80]  }
.Ltmp0:
0x7a: {  	v44 =	vshll.u32 v52, v1;
	v53 =	vadd.s32 v6, v40;
	v43 =	vmul.f32 $8.000000000e+00, v59;
	v55 =	vld [tilespmem:s11+$0xF0];
	(pc) =	sbr.rel @p1 .LBB2_3-.Ltmp0, $4  }
0x7b: {  	v38 =	vbroadcast v38, $0x0;
	v47 =	vshll.u32 v54, v1;
	v54 =	vadd.s32 v4, v33;
	[tilespmem:v51+s18+$0x0] =	vst.idx.msk $0xffff, v49;
	v50 =	vld [tilespmem:s11+$0xFFFFFF30]  }
0x7c: {  	v45 =	vshll.u32 v48, v1;
	v48 =	vadd.s32 v9, v39;
	v52 =	vld [tilespmem:s11+$0xFFFFFF70];
	v63 =	vmul.f32 $8.000000000e+00, v63;
	[tilespmem:v46+s18+$0x0] =	vst.idx.msk $0xffff, v43  }
0x7d: {  	v46 =	vshll.u32 v60, v1;
	v43 =	vshll.u32 v61, v1;
	v49 =	vld [tilespmem:s11+$0xFFFFFFB0];
	v39 =	vmul.f32 $8.000000000e+00, v0  }
0x7e: {  	s14 =	sadd.s32 $0x7, s13;
	s13 =	sadd.s32 $0x8, s13;
	[tilespmem:v57+s18+$0x0] =	vst.idx.msk $0xffff, v63;
	v40 =	vmul.f32 $8.000000000e+00, v2;
	v56 =	vld [tilespmem:s11+$0xFFFFFFF0];
	v51 =	vadd.s32 v62, v34;
	v41 =	vadd.s32 v58, v41  }
0x7f: {  	_ =	sdelay $0x3  }
0x80: {  	v0 =	vmov s14;
	v2 =	vadd.s32 v23, v37;
	v63 =	vld [tilespmem:s11+$0x30];
	[tilespmem:v54+s18+$0x0] =	vst.idx.msk $0xffff, v39;
	v57 =	vmul.f32 $8.000000000e+00, v55  }
0x81: {  	v36 =	vadd.s32 v27, v36;
	v35 =	vadd.s32 v31, v35;
	s12 =	sadd.s32 $0x200, s11;
	v50 =	vmul.f32 $8.000000000e+00, v50;
	v54 =	vld [tilespmem:s11+$0x70];
	[tilespmem:v51+s18+$0x0] =	vst.idx.msk $0xffff, v40  }
0x82: {  	v33 =	vadd.s32 v10, v33;
	v0 =	vshrl.u32 v0, $0x3;
	v61 =	vld [tilespmem:s12+$0xFFFFFF00];
	v59 =	vmul.f32 $8.000000000e+00, v52;
	[tilespmem:v53+s18+$0x0] =	vst.idx.msk $0xffff, v57  }
0x83: {  	v42 =	vshll.u32 v42, v1;
	v0 =	vshll.u32 v0, v1;
	v51 =	vld [tilespmem:s11+$0xB0];
	[tilespmem:v48+s18+$0x0] =	vst.idx.msk $0xffff, v50;
	v60 =	vmul.f32 $8.000000000e+00, v49  }
0x84: {  	v39 =	vld [tilespmem:s12+$0xC0];
	v57 =	vadd.s32 v8, v38;
	v0 =	vbroadcast v0, $0x0;
	[tilespmem:v41+s18+$0x0] =	vst.idx.msk $0xffff, v59;
	v55 =	vmul.f32 $8.000000000e+00, v56  }
0x85: {  	v34 =	vadd.s32 v14, v34;
	v47 =	vbroadcast v47, $0x0;
	v41 =	vld [tilespmem:s12+$0xFFFFFF40];
	[tilespmem:v2+s18+$0x0] =	vst.idx.msk $0xffff, v60;
	v2 =	vmul.f32 $8.000000000e+00, v63  }
0x86: {  	v44 =	vbroadcast v44, $0x0;
	v59 =	vld [tilespmem:s12+$0xFFFFFF80];
	v56 =	vadd.s32 v19, v0;
	[tilespmem:v36+s18+$0x0] =	vst.idx.msk $0xffff, v55;
	v63 =	vmul.f32 $8.000000000e+00, v54  }
0x87: {  	v45 =	vbroadcast v45, $0x0;
	v40 =	vadd.s32 v12, v47;
	v52 =	vld [tilespmem:s12+$0xFFFFFFC0];
	v61 =	vmul.f32 $8.000000000e+00, v61;
	[tilespmem:v35+s18+$0x0] =	vst.idx.msk $0xffff, v2  }
0x88: {  	v46 =	vbroadcast v46, $0x0;
	v60 =	vld [tilespmem:s12+$0x0];
	v55 =	vadd.s32 v16, v44;
	v2 =	vmul.f32 $8.000000000e+00, v51;
	[tilespmem:v33+s18+$0x0] =	vst.idx.msk $0xffff, v63  }
0x89: {  	v43 =	vbroadcast v43, $0x0;
	v39 =	vmul.f32 $8.000000000e+00, v39;
	v36 =	vadd.s32 v24, v45;
	v63 =	vld [tilespmem:s12+$0x40];
	[tilespmem:v57+s18+$0x0] =	vst.idx.msk $0xffff, v61  }
0x8a: {  	v42 =	vbroadcast v42, $0x0;
	[tilespmem:v34+s18+$0x0] =	vst.idx.msk $0xffff, v2;
	v2 =	vmul.f32 $8.000000000e+00, v41;
	v34 =	vadd.s32 v28, v46;
	v41 =	vld [tilespmem:s12+$0x80]  }
0x8b: {  	v57 =	vadd.s32 v32, v43;
	[tilespmem:v56+s18+$0x0] =	vst.idx.msk $0xffff, v39;
	v56 =	vmul.f32 $8.000000000e+00, v59;
	v59 =	vld [tilespmem:s12+$0xFFFFFF10]  }
0x8c: {  	v39 =	vld [tilespmem:s12+$0xD0];
	[tilespmem:v40+s18+$0x0] =	vst.idx.msk $0xffff, v2;
	v2 =	vmul.f32 $8.000000000e+00, v52;
	v40 =	vadd.s32 v15, v42  }
0x8d: {  	v51 =	vadd.s32 v17, v38;
	v60 =	vmul.f32 $8.000000000e+00, v60;
	v50 =	vld [tilespmem:s12+$0xFFFFFF50];
	[tilespmem:v55+s18+$0x0] =	vst.idx.msk $0xffff, v56  }
0x8e: {  	v35 =	vadd.s32 v3, v0;
	v61 =	vld [tilespmem:s12+$0xFFFFFF90];
	[tilespmem:v36+s18+$0x0] =	vst.idx.msk $0xffff, v2;
	v2 =	vmul.f32 $8.000000000e+00, v63  }
0x8f: {  	v36 =	vadd.s32 v18, v47;
	v63 =	vld [tilespmem:s12+$0xFFFFFFD0];
	[tilespmem:v34+s18+$0x0] =	vst.idx.msk $0xffff, v60;
	v54 =	vmul.f32 $8.000000000e+00, v41  }
0x90: {  	v55 =	vadd.s32 v22, v44;
	v56 =	vld [tilespmem:s12+$0x10];
	[tilespmem:v57+s18+$0x0] =	vst.idx.msk $0xffff, v2;
	v57 =	vmul.f32 $8.000000000e+00, v59  }
0x91: {  	v2 =	vmul.f32 $8.000000000e+00, v39;
	v39 =	vadd.s32 v21, v45;
	v59 =	vld [tilespmem:s12+$0x50];
	[tilespmem:v40+s18+$0x0] =	vst.idx.msk $0xffff, v54  }
0x92: {  	v40 =	vadd.s32 v25, v46;
	v60 =	vmul.f32 $8.000000000e+00, v50;
	v50 =	vld [tilespmem:s12+$0x90];
	[tilespmem:v51+s18+$0x0] =	vst.idx.msk $0xffff, v57  }
0x93: {  	[tilespmem:v35+s18+$0x0] =	vst.idx.msk $0xffff, v2;
	v2 =	vmul.f32 $8.000000000e+00, v61;
	v35 =	vadd.s32 v29, v43;
	v51 =	vld [tilespmem:s12+$0xFFFFFF20]  }
0x94: {  	v61 =	vld [tilespmem:s12+$0xE0];
	[tilespmem:v36+s18+$0x0] =	vst.idx.msk $0xffff, v60;
	v63 =	vmul.f32 $8.000000000e+00, v63;
	v36 =	vadd.s32 v7, v42  }
0x95: {  	v49 =	vld [tilespmem:s12+$0xFFFFFF60];
	[tilespmem:v55+s18+$0x0] =	vst.idx.msk $0xffff, v2;
	v2 =	vmul.f32 $8.000000000e+00, v56;
	v56 =	vadd.s32 v11, v38  }
0x96: {  	v34 =	vadd.s32 v5, v0;
	v57 =	vld [tilespmem:s12+$0xFFFFFFA0];
	[tilespmem:v39+s18+$0x0] =	vst.idx.msk $0xffff, v63;
	v59 =	vmul.f32 $8.000000000e+00, v59  }
0x97: {  	v39 =	vadd.s32 v13, v47;
	v60 =	vld [tilespmem:s12+$0xFFFFFFE0];
	[tilespmem:v40+s18+$0x0] =	vst.idx.msk $0xffff, v2;
	v2 =	vmul.f32 $8.000000000e+00, v50  }
0x98: {  	v40 =	vadd.s32 v20, v44;
	v50 =	vld [tilespmem:s12+$0x20];
	[tilespmem:v35+s18+$0x0] =	vst.idx.msk $0xffff, v59;
	v63 =	vmul.f32 $8.000000000e+00, v51  }
0x99: {  	v37 =	vadd.s32 v26, v45;
	v61 =	vmul.f32 $8.000000000e+00, v61;
	v51 =	vld [tilespmem:s12+$0x60];
	[tilespmem:v36+s18+$0x0] =	vst.idx.msk $0xffff, v2  }
0x9a: {  	v54 =	vadd.s32 v30, v46;
	v2 =	vmul.f32 $8.000000000e+00, v49;
	v55 =	vld [tilespmem:s12+$0xA0];
	[tilespmem:v56+s18+$0x0] =	vst.idx.msk $0xffff, v63  }
0x9b: {  	[tilespmem:v34+s18+$0x0] =	vst.idx.msk $0xffff, v61;
	v56 =	vmul.f32 $8.000000000e+00, v57;
	v57 =	vadd.s32 v4, v43;
	v41 =	vld [tilespmem:s12+$0xFFFFFF30]  }
0x9c: {  	v59 =	vld [tilespmem:s12+$0xF0];
	[tilespmem:v39+s18+$0x0] =	vst.idx.msk $0xffff, v2;
	v2 =	vmul.f32 $8.000000000e+00, v60;
	v60 =	vadd.s32 v62, v42  }
0x9d: {  	v63 =	vadd.s32 v9, v38;
	v61 =	vld [tilespmem:s12+$0xFFFFFF70];
	[tilespmem:v40+s18+$0x0] =	vst.idx.msk $0xffff, v56;
	v62 =	vmul.f32 $8.000000000e+00, v50  }
0x9e: {  	v0 =	vadd.s32 v6, v0;
	v40 =	vld [tilespmem:s12+$0xFFFFFFB0];
	[tilespmem:v37+s18+$0x0] =	vst.idx.msk $0xffff, v2;
	v2 =	vmul.f32 $8.000000000e+00, v51  }
0x9f: {  	v50 =	vadd.s32 v58, v47;
	v51 =	vld [tilespmem:s12+$0xFFFFFFF0];
	[tilespmem:v54+s18+$0x0] =	vst.idx.msk $0xffff, v62;
	v52 =	vmul.f32 $8.000000000e+00, v55  }
0xa0: {  	v53 =	vadd.s32 v23, v44;
	v54 =	vld [tilespmem:s12+$0x30];
	[tilespmem:v57+s18+$0x0] =	vst.idx.msk $0xffff, v2;
	v55 =	vmul.f32 $8.000000000e+00, v41  }
0xa1: {  	v56 =	vadd.s32 v27, v45;
	v2 =	vmul.f32 $8.000000000e+00, v59;
	v57 =	vld [tilespmem:s12+$0x70];
	[tilespmem:v60+s18+$0x0] =	vst.idx.msk $0xffff, v52  }
0xa2: {  	v59 =	vadd.s32 v31, v46;
	v58 =	vmul.f32 $8.000000000e+00, v61;
	v60 =	vld [tilespmem:s12+$0xB0];
	[tilespmem:v63+s18+$0x0] =	vst.idx.msk $0xffff, v55  }
0xa3: {  	[tilespmem:v0+s18+$0x0] =	vst.idx.msk $0xffff, v2;
	v0 =	vmul.f32 $8.000000000e+00, v40;
	v2 =	vadd.s32 v10, v43  }
0xa4: {  	v62 =	vadd.s32 v14, v42;
	[tilespmem:v50+s18+$0x0] =	vst.idx.msk $0xffff, v58;
	v61 =	vmul.f32 $8.000000000e+00, v51  }
0xa5: {  	[tilespmem:v53+s18+$0x0] =	vst.idx.msk $0xffff, v0;
	v0 =	vmul.f32 $8.000000000e+00, v54  }
0xa6: {  	[tilespmem:v56+s18+$0x0] =	vst.idx.msk $0xffff, v61;
	v63 =	vmul.f32 $8.000000000e+00, v57  }
0xa7: {  	s1 =	sor.u32 $0x3, s1;
	[tilespmem:v59+s18+$0x0] =	vst.idx.msk $0xffff, v0;
	v0 =	vmul.f32 $8.000000000e+00, v60  }
0xa8: {  	s5 =	sshll.u32 s1, $0x7;
	[tilespmem:v2+s18+$0x0] =	vst.idx.msk $0xffff, v63  }
0xa9: {  	s13 =	sshll.u32 s0, $0x14;
	s5 =	sand.u32 $0x3FFFFF80, s5;
	[tilespmem:v62+s18+$0x0] =	vst.idx.msk $0xffff, v0  }
0xaa: {  	[tilespmem:s19], [sflag:$0x4] =	stream.indirect.gather [hbm4b:s4+s10], $0x40, s5, s10, $0xb8;
	[tilespmem:$0x16C00] =	vst v63  }
0xab: {  	s5 =	sor.u32 s6, s13  }
0xac: {  	s11 =	sshrl.u32 s5, $0x3  }
0xad: {  	s14 =	simm.s32 $0xE400;
	s9 =	sadd.s32 s2, s11  }
0xae: {  	[hbm4b:s9+s3] =	stream.linear.scatter [tilespmem:s14], [sflag:$0x5], $0x80, $0x38;
	[tilespmem:$0x16C00] =	vst v63  }
0xaf: {  	s15 =	simm.s32 $0xE488;
	s13 =	sadd.s32 $0x10, s9  }
0xb0: {  	[hbm4b:s13+s3] =	stream.linear.scatter [tilespmem:s15], [sflag:$0x5], $0x80, $0x38;
	[tilespmem:$0x16C00] =	vst v63  }
0xb1: {  	s16 =	simm.s32 $0xE510;
	s12 =	sadd.s32 $0x20, s9  }
0xb2: {  	[hbm4b:s12+s3] =	stream.linear.scatter [tilespmem:s16], [sflag:$0x5], $0x80, $0x38;
	[tilespmem:$0x16C00] =	vst v63  }
0xb3: {  	s14 =	simm.s32 $0xE598;
	s15 =	sadd.s32 $0x30, s9  }
0xb4: {  	[hbm4b:s15+s3] =	stream.linear.scatter [tilespmem:s14], [sflag:$0x5], $0x80, $0x38;
	[tilespmem:$0x16C00] =	vst v63  }
0xb5: {  	s16 =	simm.s32 $0xE620;
	s12 =	sadd.s32 $0x40, s9  }
0xb6: {  	[hbm4b:s12+s3] =	stream.linear.scatter [tilespmem:s16], [sflag:$0x5], $0x80, $0x38;
	[tilespmem:$0x16C00] =	vst v63  }
0xb7: {  	s5 =	sadd.s32 $0x70, s9;
	s13 =	simm.s32 $0xE6A8;
	s14 =	sadd.s32 $0x50, s9  }
0xb8: {  	[hbm4b:s14+s3] =	stream.linear.scatter [tilespmem:s13], [sflag:$0x5], $0x80, $0x38;
	[tilespmem:$0x16C00] =	vst v63  }
0xb9: {  	s15 =	simm.s32 $0xE730;
	s16 =	sadd.s32 $0x60, s9;
	s13 =	simm.s32 $0x440  }
0xba: {  	[hbm4b:s16+s3] =	stream.linear.scatter [tilespmem:s15], [sflag:$0x5], $0x80, $0x38;
	[tilespmem:$0x16C00] =	vst v63  }
0xbb: {  	v23 =	vmovc v27;
	v14 =	vmov v18;
	v40 =	vmov v26;
	v63 =	vmov v30;
	s14 =	sadd.s32 $0x1000, s9;
	s15 =	simm.s32 $0x2200;
	s16 =	simm.s32 $0xE7B8  }
.LBB2_5:
0xbc: {  	[hbm4b:s5+s3] =	stream.linear.scatter [tilespmem:s16], [sflag:$0x5], $0x80, $0x38;
	[tilespmem:$0x16C00] =	vst v63  }
0xbd: {  	s5 =	smov.u32 s13;
	s9 =	smov.u32 s15  }
0xbe: {  	s13 =	sshra.s32 s9, $0x2;
	s9 =	sadd.s32 $0x1100, s15;
	s16 =	sadd.s32 $0xE400, s5  }
0xbf: {  	[hbm4b:s14+s3] =	stream.linear.scatter [tilespmem:s16], [sflag:$0x5], $0x80, $0x38;
	[tilespmem:$0x16C00] =	vst v63  }
0xc0: {  	p1 =	sne.s32 s15, $0x7700;
	s15 =	sadd.s32 $0xE488, s5;
	s16 =	sadd.s32 $0x10, s14  }
0xc1: {  	[hbm4b:s16+s3] =	stream.linear.scatter [tilespmem:s15], [sflag:$0x5], $0x80, $0x38;
	[tilespmem:$0x16C00] =	vst v63  }
0xc2: {  	s15 =	sadd.s32 $0xE510, s5;
	s16 =	sadd.s32 $0x20, s14  }
0xc3: {  	[hbm4b:s16+s3] =	stream.linear.scatter [tilespmem:s15], [sflag:$0x5], $0x80, $0x38;
	[tilespmem:$0x16C00] =	vst v63  }
0xc4: {  	s15 =	sadd.s32 $0xE598, s5;
	s16 =	sadd.s32 $0x30, s14  }
0xc5: {  	[hbm4b:s16+s3] =	stream.linear.scatter [tilespmem:s15], [sflag:$0x5], $0x80, $0x38;
	[tilespmem:$0x16C00] =	vst v63  }
0xc6: {  	s15 =	sadd.s32 $0xE620, s5;
	s16 =	sadd.s32 $0x40, s14  }
0xc7: {  	[hbm4b:s16+s3] =	stream.linear.scatter [tilespmem:s15], [sflag:$0x5], $0x80, $0x38;
	[tilespmem:$0x16C00] =	vst v63  }
0xc8: {  	s15 =	sadd.s32 $0xE6A8, s5;
	s16 =	sadd.s32 $0x50, s14  }
0xc9: {  	[hbm4b:s16+s3] =	stream.linear.scatter [tilespmem:s15], [sflag:$0x5], $0x80, $0x38;
	[tilespmem:$0x16C00] =	vst v63  }
.Ltmp1:
0xca: {  	_ = 	snop;
	(pc) =	sbr.rel @p1 .LBB2_5-.Ltmp1, $4  }
0xcb: {  	s15 =	sadd.s32 $0xE730, s5;
	s16 =	sadd.s32 $0x60, s14  }
0xcc: {  	[hbm4b:s16+s3] =	stream.linear.scatter [tilespmem:s15], [sflag:$0x5], $0x80, $0x38;
	[tilespmem:$0x16C00] =	vst v63  }
0xcd: {  	s16 =	sadd.s32 $0xE7B8, s5  }
0xce: {  	s5 =	sadd.s32 $0x70, s14;
	s14 =	sadd.s32 $0x1000, s14;
	s15 =	smov.u32 s9  }
0xcf: {  	[hbm4b:s5+s3] =	stream.linear.scatter [tilespmem:s16], [sflag:$0x5], $0x80, $0x38;
	[tilespmem:$0x16C00] =	vst v63  }
0xd0: {  	s15 =	sadd.s32 $0xE400, s13  }
0xd1: {  	[hbm4b:s14+s3] =	stream.linear.scatter [tilespmem:s15], [sflag:$0x5], $0x80, $0x38;
	[tilespmem:$0x16C00] =	vst v63  }
0xd2: {  	s16 =	sadd.s32 $0xE488, s13;
	s9 =	sadd.s32 $0x10, s14  }
0xd3: {  	[hbm4b:s9+s3] =	stream.linear.scatter [tilespmem:s16], [sflag:$0x5], $0x80, $0x38;
	[tilespmem:$0x16C00] =	vst v63  }
0xd4: {  	s12 =	sadd.s32 $0x20, s14;
	s9 =	sadd.s32 $0xE510, s13  }
0xd5: {  	[hbm4b:s12+s3] =	stream.linear.scatter [tilespmem:s9], [sflag:$0x5], $0x80, $0x38;
	[tilespmem:$0x16C00] =	vst v63  }
0xd6: {  	s15 =	sadd.s32 $0xE598, s13;
	s16 =	sadd.s32 $0x30, s14  }
0xd7: {  	[hbm4b:s16+s3] =	stream.linear.scatter [tilespmem:s15], [sflag:$0x5], $0x80, $0x38;
	[tilespmem:$0x16C00] =	vst v63  }
0xd8: {  	s9 =	sadd.s32 $0xE620, s13;
	s12 =	sadd.s32 $0x40, s14  }
0xd9: {  	[hbm4b:s12+s3] =	stream.linear.scatter [tilespmem:s9], [sflag:$0x5], $0x80, $0x38;
	[tilespmem:$0x16C00] =	vst v63  }
0xda: {  	s15 =	sadd.s32 $0xE6A8, s13;
	s16 =	sadd.s32 $0x50, s14  }
0xdb: {  	[hbm4b:s16+s3] =	stream.linear.scatter [tilespmem:s15], [sflag:$0x5], $0x80, $0x38;
	[tilespmem:$0x16C00] =	vst v63  }
0xdc: {  	s9 =	sadd.s32 $0xE730, s13;
	s12 =	sadd.s32 $0x60, s14;
	s15 =	sadd.s32 $0xE7B8, s13  }
0xdd: {  	[hbm4b:s12+s3] =	stream.linear.scatter [tilespmem:s9], [sflag:$0x5], $0x80, $0x38;
	[tilespmem:$0x16C00] =	vst v63  }
0xde: {  	s16 =	sadd.s32 $0x70, s14;
	s13 =	simm.s32 $0x2;
	s14 =	simm.s32 $0x3  }
0xdf: {  	[hbm4b:s16+s3] =	stream.linear.scatter [tilespmem:s15], [sflag:$0x5], $0x80, $0x38;
	[tilespmem:$0x16C00] =	vst v63  }
0xe0: {  	v33 =	vmov s13;
	v34 =	vmov s14;
	s13 =	simm.s32 $0x7;
	_ =	swait.ge [sflag:s20], $0x2000  }
0xe1: {  	s9 =	simm.s32 $0x0;
	s12 =	simm.s32 $0x1;
	v38 =	vmov s13;
	v33 =	vshrl.u32 v33, $0x3;
	v34 =	vshrl.u32 v34, $0x3;
	[sflag:s20] =	ssyncset.done $0x0  }
0xe2: {  	s14 =	simm.s32 @!p0 $0x6;
	v0 =	vmov s9;
	v2 =	vmov s12;
	v38 =	vshrl.u32 v38, $0x3;
	[sflag:s20] =	ssyncadd.s32 $0xFFFFE000  }
0xe3: {  	s12 =	simm.s32 $0x6;
	v33 =	vshll.u32 v33, v1;
	v34 =	vshll.u32 v34, v1;
	v0 =	vshrl.u32 v0, $0x3;
	_ =	swait.ge @!p0 [sflag:s14], $0x2000  }
0xe4: {  	s15 =	simm.s32 $0x4;
	s16 =	simm.s32 $0x5;
	v37 =	vmov s12;
	v2 =	vshrl.u32 v2, $0x3;
	v38 =	vshll.u32 v38, v1;
	[sflag:s14] =	ssyncset.done @!p0 $0x0  }
0xe5: {  	s13 =	simm.s32 $0x85F0;
	v35 =	vmov s15;
	v36 =	vmov s16;
	v0 =	vshll.u32 v0, v1;
	[sflag:s14] =	ssyncadd.s32 @!p0 $0xFFFFE000  }
0xe6: {  	v42 =	vshrl.u32 v37, $0x3;
	v41 =	vbroadcast v38, $0x0;
	v39 =	vbroadcast v0, $0x0;
	v0 =	vld [tilespmem:s13+$0xFFFFFFD0]  }
0xe7: {  	v2 =	vshll.u32 v2, v1;
	v37 =	vbroadcast v33, $0x0;
	v35 =	vshrl.u32 v35, $0x3;
	v60 =	vld [tilespmem:s13+$0xFFFFFE10]  }
0xe8: {  	v36 =	vshrl.u32 v36, $0x3;
	v31 =	vbroadcast v2, $0x0;
	v2 =	vadd.s32 v19, v41;
	v43 =	vld [tilespmem:s13+$0xFFFFFE50]  }
0xe9: {  	v42 =	vshll.u32 v42, v1;
	v35 =	vshll.u32 v35, v1;
	v45 =	vadd.s32 v8, v39;
	v46 =	vld [tilespmem:s13+$0xFFFFFE90]  }
0xea: {  	v44 =	vshll.u32 v36, v1;
	v36 =	vbroadcast v34, $0x0;
	v47 =	vadd.s32 v12, v31;
	v48 =	vld [tilespmem:s13+$0xFFFFFED0]  }
0xeb: {  	v49 =	vadd.s32 v16, v37;
	v35 =	vbroadcast v35, $0x0;
	v50 =	vld [tilespmem:s13+$0xFFFFFF10];
	v0 =	vmul.f32 $8.000000000e+00, v0  }
0xec: {  	v33 =	vbroadcast v44, $0x0;
	v51 =	vadd.s32 v24, v36;
	v52 =	vld [tilespmem:s13+$0xFFFFFF50];
	v38 =	vmul.f32 $8.000000000e+00, v60  }
0xed: {  	v34 =	vbroadcast v42, $0x0;
	v44 =	vadd.s32 v28, v35;
	v53 =	vld [tilespmem:s13+$0xFFFFFF90];
	v43 =	vmul.f32 $8.000000000e+00, v43;
	[tilespmem:v2+s21+$0x0] =	vst.idx.msk $0xffff, v0  }
0xee: {  	v61 =	vadd.s32 v32, v33;
	[tilespmem:v45+s21+$0x0] =	vst.idx.msk $0xffff, v38;
	v2 =	vmul.f32 $8.000000000e+00, v46;
	v62 =	vld [tilespmem:s13+$0xFFFFFFE0]  }
0xef: {  	v59 =	vmul.f32 $8.000000000e+00, v48;
	[tilespmem:v47+s21+$0x0] =	vst.idx.msk $0xffff, v43;
	v46 =	vadd.s32 v15, v34;
	v45 =	vld [tilespmem:s13+$0xFFFFFE20]  }
0xf0: {  	v48 =	vld [tilespmem:s13+$0xFFFFFE60];
	[tilespmem:v49+s21+$0x0] =	vst.idx.msk $0xffff, v2;
	v2 =	vmul.f32 $8.000000000e+00, v50;
	v49 =	vadd.s32 v3, v41  }
0xf1: {  	v54 =	vadd.s32 v17, v39;
	v60 =	vmul.f32 $8.000000000e+00, v52;
	[tilespmem:v51+s21+$0x0] =	vst.idx.msk $0xffff, v59;
	v55 =	vld [tilespmem:s13+$0xFFFFFEA0]  }
0xf2: {  	v52 =	vadd.s32 v14, v31;
	v56 =	vld [tilespmem:s13+$0xFFFFFEE0];
	[tilespmem:v44+s21+$0x0] =	vst.idx.msk $0xffff, v2;
	v2 =	vmul.f32 $8.000000000e+00, v53  }
0xf3: {  	[tilespmem:v61+s21+$0x0] =	vst.idx.msk $0xffff, v60;
	v53 =	vadd.s32 v22, v37;
	v57 =	vld [tilespmem:s13+$0xFFFFFF20];
	v61 =	vmul.f32 $8.000000000e+00, v62  }
0xf4: {  	s15 =	simm.s32 $0x8;
	v58 =	vld [tilespmem:s13+$0xFFFFFF60];
	v62 =	vmul.f32 $8.000000000e+00, v45;
	v45 =	vadd.s32 v21, v36;
	[tilespmem:v46+s21+$0x0] =	vst.idx.msk $0xffff, v2  }
0xf5: {  	s16 =	simm.s32 $0x9;
	v0 =	vmov s15;
	v60 =	vmul.f32 $8.000000000e+00, v48;
	v48 =	vadd.s32 v25, v35;
	v59 =	vld [tilespmem:s13+$0xFFFFFFA0];
	[tilespmem:v49+s21+$0x0] =	vst.idx.msk $0xffff, v61  }
0xf6: {  	s12 =	simm.s32 $0xB;
	v47 =	vmov s16;
	v43 =	vadd.s32 v29, v33;
	[tilespmem:v54+s21+$0x0] =	vst.idx.msk $0xffff, v62;
	v61 =	vmul.f32 $8.000000000e+00, v55;
	v49 =	vld [tilespmem:s13+$0xFFFFFFF0]  }
0xf7: {  	v51 =	vmov s12;
	[tilespmem:v52+s21+$0x0] =	vst.idx.msk $0xffff, v60;
	v62 =	vmul.f32 $8.000000000e+00, v56;
	v52 =	vadd.s32 v7, v34;
	v54 =	vld [tilespmem:s13+$0xFFFFFE30]  }
0xf8: {  	v0 =	vshrl.u32 v0, $0x3;
	[tilespmem:v53+s21+$0x0] =	vst.idx.msk $0xffff, v61;
	v38 =	vmul.f32 $8.000000000e+00, v57;
	v53 =	vadd.s32 v5, v41  }
0xf9: {  	s15 =	simm.s32 $0xD;
	s16 =	simm.s32 $0xE;
	v55 =	vld [tilespmem:s13+$0xFFFFFE70];
	v57 =	vshrl.u32 v51, $0x3;
	v51 =	vadd.s32 v11, v39;
	[tilespmem:v45+s21+$0x0] =	vst.idx.msk $0xffff, v62;
	v45 =	vmul.f32 $8.000000000e+00, v58  }
0xfa: {  	v42 =	vmov s15;
	v2 =	vmov s16;
	v56 =	vld [tilespmem:s13+$0xFFFFFEB0];
	[tilespmem:v48+s21+$0x0] =	vst.idx.msk $0xffff, v38;
	v38 =	vmul.f32 $8.000000000e+00, v59  }
0xfb: {  	v58 =	vadd.s32 v13, v31;
	v60 =	vld [tilespmem:s13+$0xFFFFFEF0];
	v59 =	vshrl.u32 v42, $0x3;
	[tilespmem:v43+s21+$0x0] =	vst.idx.msk $0xffff, v45;
	v49 =	vmul.f32 $8.000000000e+00, v49  }
0xfc: {  	v48 =	vadd.s32 v20, v37;
	v42 =	vshrl.u32 v2, $0x3;
	v61 =	vld [tilespmem:s13+$0xFFFFFF30];
	v2 =	vmul.f32 $8.000000000e+00, v54;
	[tilespmem:v52+s21+$0x0] =	vst.idx.msk $0xffff, v38  }
0xfd: {  	v0 =	vshll.u32 v0, v1;
	v54 =	vadd.s32 v40, v36;
	v62 =	vld [tilespmem:s13+$0xFFFFFF70];
	[tilespmem:v53+s21+$0x0] =	vst.idx.msk $0xffff, v49  }
0xfe: {  	v18 =	vmovc v22;
	v22 =	vmovc v21;
	v21 =	vmov v40;
	v38 =	vbroadcast v0, $0x0;
	v0 =	vmul.f32 $8.000000000e+00, v55;
	v40 =	vld [tilespmem:s13+$0xFFFFFFB0];
	[tilespmem:v51+s21+$0x0] =	vst.idx.msk $0xffff, v2  }
0xff: {  	v30 =	vmov v29;
	s9 =	simm.s32 $0xA;
	v2 =	vmul.f32 $8.000000000e+00, v56;
	v29 =	vld [tilespmem:$0x1FFF0]  }
0x100: {  	v26 =	vmov v25;
	s14 =	simm.s32 $0xC;
	v50 =	vmov s9;
	v56 =	vld [tilespmem:s13+$0x0];
	[tilespmem:v58+s21+$0x0] =	vst.idx.msk $0xffff, v0;
	v0 =	vmul.f32 $8.000000000e+00, v60  }
0x101: {  	v4 =	vmovc v7;
	v50 =	vshrl.u32 v50, $0x3;
	v44 =	vmov s14;
	v25 =	vmovc v63;
	v63 =	vadd.s32 v63, v35;
	v7 =	vld [tilespmem:$0x1FEB0];
	[tilespmem:v48+s21+$0x0] =	vst.idx.msk $0xffff, v2  }
0x102: {  	v46 =	vshrl.u32 v44, $0x3;
	v44 =	vshll.u32 v50, v1;
	v50 =	vld [tilespmem:s13+$0xFFFFFE40];
	[tilespmem:v54+s21+$0x0] =	vst.idx.msk $0xffff, v0  }
0x103: {  	v0 =	vld [tilespmem:$0x1FE80]  }
0x104: {  	v52 =	vld [tilespmem:s13+$0xFFFFFE80];
	v2 =	vmul.f32 $8.000000000e+00, v61  }
0x105: {  	v49 =	vld [tilespmem:s13+$0xFFFFFEC0]  }
0x106: {  	v54 =	vld [tilespmem:s13+$0xFFFFFF00];
	[tilespmem:v63+s21+$0x0] =	vst.idx.msk $0xffff, v2  }
0x107: {  	v47 =	vshrl.u32 v47, $0x3;
	v48 =	vadd.s32 v9, v39;
	v9 =	vld [tilespmem:$0x1FF20];
	v55 =	vadd.s32 v29, v33  }
0x108: {  	v53 =	vadd.s32 v6, v41;
	v51 =	vadd.s32 v7, v34;
	v41 =	vadd.s32 v0, v31;
	v31 =	vld [tilespmem:$0x1FF60]  }
0x109: {  	v10 =	vmovc v17;
	v47 =	vshll.u32 v47, v1;
	v46 =	vshll.u32 v46, v1;
	v45 =	vshll.u32 v57, v1;
	v6 =	vld [tilespmem:$0x1FF80]  }
0x10a: {  	v17 =	vmovc v5;
	s15 =	simm.s32 $0xF;
	s14 =	simm.s32 $0x10;
	v5 =	vmovc v3;
	v43 =	vshll.u32 v59, v1;
	v39 =	vmul.f32 $8.000000000e+00, v62;
	v40 =	vmul.f32 $8.000000000e+00, v40;
	v27 =	vld [tilespmem:$0x1FFA0]  }
.LBB2_7:
0x10b: {  	v0 =	vmov s15  }
0x10c: {  	v2 =	vadd.s32 v9, v37;
	v59 =	vld [tilespmem:s13+$0xFFFFFF40];
	v36 =	vadd.s32 v23, v36;
	[tilespmem:v55+s21+$0x0] =	vst.idx.msk $0xffff, v39;
	v62 =	vmul.f32 $8.000000000e+00, v56  }
0x10d: {  	v35 =	vadd.s32 v31, v35;
	v0 =	vshrl.u32 v0, $0x3;
	[tilespmem:v51+s21+$0x0] =	vst.idx.msk $0xffff, v40;
	v63 =	vmul.f32 $8.000000000e+00, v50;
	v56 =	vld [tilespmem:s13+$0xFFFFFF80]  }
0x10e: {  	v33 =	vadd.s32 v6, v33;
	v0 =	vshll.u32 v0, v1;
	v58 =	vld [tilespmem:s13+$0xFFFFFFC0];
	v57 =	vmul.f32 $8.000000000e+00, v52;
	s13 =	sadd.s32 $0x200, s13;
	[tilespmem:v53+s21+$0x0] =	vst.idx.msk $0xffff, v62  }
0x10f: {  	v42 =	vshll.u32 v42, v1;
	v40 =	vbroadcast v0, $0x0;
	v0 =	vmul.f32 $8.000000000e+00, v49;
	[tilespmem:v48+s21+$0x0] =	vst.idx.msk $0xffff, v63;
	v53 =	vld [tilespmem:s13+$0xFFFFFFD0]  }
0x110: {  	v34 =	vadd.s32 v27, v34;
	v39 =	vmov v38;
	v60 =	vmul.f32 $8.000000000e+00, v54;
	[tilespmem:v41+s21+$0x0] =	vst.idx.msk $0xffff, v57;
	v38 =	vld [tilespmem:s13+$0xFFFFFE10]  }
0x111: {  	v61 =	vadd.s32 v19, v40;
	v41 =	vbroadcast v47, $0x0;
	[tilespmem:v2+s21+$0x0] =	vst.idx.msk $0xffff, v0;
	v0 =	vmul.f32 $8.000000000e+00, v59;
	v49 =	vld [tilespmem:s13+$0xFFFFFE50]  }
0x112: {  	v37 =	vbroadcast v44, $0x0;
	v2 =	vadd.s32 v8, v39;
	[tilespmem:v36+s21+$0x0] =	vst.idx.msk $0xffff, v60;
	v62 =	vld [tilespmem:s13+$0xFFFFFE90];
	v59 =	vmul.f32 $8.000000000e+00, v56  }
0x113: {  	v36 =	vbroadcast v45, $0x0;
	v63 =	vld [tilespmem:s13+$0xFFFFFED0];
	v60 =	vadd.s32 v12, v41;
	[tilespmem:v35+s21+$0x0] =	vst.idx.msk $0xffff, v0;
	v0 =	vmul.f32 $8.000000000e+00, v58  }
0x114: {  	v45 =	vadd.s32 v16, v37;
	v35 =	vbroadcast v46, $0x0;
	v56 =	vld [tilespmem:s13+$0xFFFFFF10];
	[tilespmem:v33+s21+$0x0] =	vst.idx.msk $0xffff, v59;
	v57 =	vmul.f32 $8.000000000e+00, v53  }
0x115: {  	v58 =	vadd.s32 v24, v36;
	[tilespmem:v34+s21+$0x0] =	vst.idx.msk $0xffff, v0;
	v33 =	vbroadcast v43, $0x0;
	v38 =	vmul.f32 $8.000000000e+00, v38;
	v59 =	vld [tilespmem:s13+$0xFFFFFF50]  }
0x116: {  	v34 =	vbroadcast v42, $0x0;
	v43 =	vadd.s32 v28, v35;
	v0 =	vmul.f32 $8.000000000e+00, v49;
	v49 =	vld [tilespmem:s13+$0xFFFFFF90];
	[tilespmem:v61+s21+$0x0] =	vst.idx.msk $0xffff, v57  }
0x117: {  	[tilespmem:v2+s21+$0x0] =	vst.idx.msk $0xffff, v38;
	v2 =	vmul.f32 $8.000000000e+00, v62;
	v38 =	vadd.s32 v32, v33;
	v46 =	vld [tilespmem:s13+$0xFFFFFFE0]  }
0x118: {  	[tilespmem:v60+s21+$0x0] =	vst.idx.msk $0xffff, v0;
	v0 =	vmul.f32 $8.000000000e+00, v63;
	v63 =	vadd.s32 v15, v34;
	v62 =	vld [tilespmem:s13+$0xFFFFFE20]  }
0x119: {  	v61 =	vmov s14;
	v60 =	vld [tilespmem:s13+$0xFFFFFE60];
	[tilespmem:v45+s21+$0x0] =	vst.idx.msk $0xffff, v2;
	v2 =	vmul.f32 $8.000000000e+00, v56;
	v45 =	vadd.s32 v5, v40  }
0x11a: {  	v54 =	vadd.s32 v10, v39;
	v42 =	vshrl.u32 v61, $0x3;
	[tilespmem:v58+s21+$0x0] =	vst.idx.msk $0xffff, v0;
	v61 =	vld [tilespmem:s13+$0xFFFFFEA0];
	v0 =	vmul.f32 $8.000000000e+00, v59  }
0x11b: {  	v53 =	vadd.s32 v14, v41;
	[tilespmem:v43+s21+$0x0] =	vst.idx.msk $0xffff, v2;
	v2 =	vmul.f32 $8.000000000e+00, v49  }
0x11c: {  	v56 =	vld [tilespmem:s13+$0xFFFFFEE0];
	v49 =	vadd.s32 v18, v37;
	[tilespmem:v38+s21+$0x0] =	vst.idx.msk $0xffff, v0;
	v0 =	vmul.f32 $8.000000000e+00, v46  }
0x11d: {  	v57 =	vld [tilespmem:s13+$0xFFFFFF20];
	v62 =	vmul.f32 $8.000000000e+00, v62;
	[tilespmem:v63+s21+$0x0] =	vst.idx.msk $0xffff, v2  }
0x11e: {  	s9 =	sadd.s32 $0x3, s14;
	v47 =	vadd.s32 v22, v36;
	v58 =	vld [tilespmem:s13+$0xFFFFFF60];
	v63 =	vmul.f32 $8.000000000e+00, v60;
	[tilespmem:v45+s21+$0x0] =	vst.idx.msk $0xffff, v0  }
0x11f: {  	s16 =	sadd.s32 $0x2, s14;
	v44 =	vmov s9;
	v60 =	vadd.s32 v26, v35;
	v59 =	vld [tilespmem:s13+$0xFFFFFFA0];
	[tilespmem:v54+s21+$0x0] =	vst.idx.msk $0xffff, v62;
	v61 =	vmul.f32 $8.000000000e+00, v61  }
0x120: {  	s15 =	sadd.s32 $0x5, s14;
	v52 =	vmov s16;
	v48 =	vadd.s32 v13, v41;
	v45 =	vadd.s32 v30, v33;
	[tilespmem:v53+s21+$0x0] =	vst.idx.msk $0xffff, v63;
	v54 =	vld [tilespmem:s13+$0xFFFFFE30]  }
0x121: {  	v38 =	vmov s15;
	v62 =	vmul.f32 $8.000000000e+00, v56;
	v53 =	vadd.s32 v4, v34;
	v55 =	vld [tilespmem:s13+$0xFFFFFE70];
	[tilespmem:v49+s21+$0x0] =	vst.idx.msk $0xffff, v61  }
0x122: {  	s16 =	sadd.s32 $0x6, s14;
	v63 =	vmul.f32 $8.000000000e+00, v57;
	v57 =	vshrl.u32 v44, $0x3;
	v44 =	vadd.s32 v11, v39;
	v56 =	vld [tilespmem:s13+$0xFFFFFEB0]  }
0x123: {  	v2 =	vmov s16;
	v0 =	vshll.u32 v42, v1;
	v46 =	vld [tilespmem:s13+$0xFFFFFFF0];
	[tilespmem:v47+s21+$0x0] =	vst.idx.msk $0xffff, v62;
	v47 =	vmul.f32 $8.000000000e+00, v58  }
0x124: {  	v42 =	vshrl.u32 v2, $0x3;
	v58 =	vld [tilespmem:s13+$0xFFFFFEF0];
	[tilespmem:v60+s21+$0x0] =	vst.idx.msk $0xffff, v63;
	v51 =	vmul.f32 $8.000000000e+00, v59;
	v60 =	vadd.s32 v20, v37  }
0x125: {  	v49 =	vadd.s32 v17, v40;
	v59 =	vshrl.u32 v38, $0x3;
	v61 =	vld [tilespmem:s13+$0xFFFFFF30];
	[tilespmem:v45+s21+$0x0] =	vst.idx.msk $0xffff, v47;
	v2 =	vmul.f32 $8.000000000e+00, v54  }
0x126: {  	v38 =	vbroadcast v0, $0x0;
	v54 =	vadd.s32 v21, v36;
	[tilespmem:v53+s21+$0x0] =	vst.idx.msk $0xffff, v51;
	v0 =	vmul.f32 $8.000000000e+00, v55  }
0x127: {  	v62 =	vld [tilespmem:s13+$0xFFFFFF70];
	[tilespmem:v44+s21+$0x0] =	vst.idx.msk $0xffff, v2;
	v2 =	vmul.f32 $8.000000000e+00, v56  }
0x128: {  	v45 =	vmul.f32 $8.000000000e+00, v46;
	v3 =	vld [tilespmem:s13+$0xFFFFFFB0];
	[tilespmem:v48+s21+$0x0] =	vst.idx.msk $0xffff, v0  }
0x129: {  	v0 =	vmul.f32 $8.000000000e+00, v58;
	[tilespmem:v60+s21+$0x0] =	vst.idx.msk $0xffff, v2;
	v60 =	vld [tilespmem:$0x1FFE0]  }
0x12a: {  	s5 =	sadd.s32 $0x1, s14;
	s12 =	sadd.s32 $0x4, s14;
	[tilespmem:v49+s21+$0x0] =	vst.idx.msk $0xffff, v45;
	v2 =	vmul.f32 $8.000000000e+00, v61;
	v61 =	vld [tilespmem:$0x1FED0]  }
0x12b: {  	p1 =	slt.u32 s14, $0x78;
	v50 =	vmov s5;
	v43 =	vmov s12;
	v63 =	vadd.s32 v25, v35;
	[tilespmem:v54+s21+$0x0] =	vst.idx.msk $0xffff, v0;
	v0 =	vld [tilespmem:$0x1FE80]  }
.Ltmp2:
0x12c: {  	v50 =	vshrl.u32 v50, $0x3;
	v52 =	vshrl.u32 v52, $0x3;
	v43 =	vshrl.u32 v43, $0x3;
	v56 =	vld [tilespmem:s13+$0x0];
	(pc) =	sbr.rel @p1 .LBB2_7-.Ltmp2, $4  }
0x12d: {  	v47 =	vshll.u32 v50, v1;
	v55 =	vadd.s32 v29, v33;
	v51 =	vadd.s32 v7, v34;
	v50 =	vld [tilespmem:s13+$0xFFFFFE40]  }
0x12e: {  	v46 =	vshll.u32 v43, v1;
	v43 =	vshll.u32 v59, v1;
	v44 =	vshll.u32 v52, v1;
	v52 =	vld [tilespmem:s13+$0xFFFFFE80]  }
0x12f: {  	v45 =	vshll.u32 v57, v1;
	v49 =	vld [tilespmem:s13+$0xFFFFFEC0];
	v53 =	vadd.s32 v60, v40;
	v48 =	vadd.s32 v61, v39  }
0x130: {  	s15 =	sadd.s32 $0x7, s14;
	s14 =	sadd.s32 $0x8, s14;
	v54 =	vld [tilespmem:s13+$0xFFFFFF00];
	[tilespmem:v63+s21+$0x0] =	vst.idx.msk $0xffff, v2;
	v39 =	vmul.f32 $8.000000000e+00, v62;
	v40 =	vmul.f32 $8.000000000e+00, v3;
	v41 =	vadd.s32 v0, v41  }
0x131: {  	_ =	sdelay $0x3  }
0x132: {  	v0 =	vmov s15;
	v2 =	vadd.s32 v9, v37;
	v3 =	vld [tilespmem:s13+$0xFFFFFF40];
	v57 =	vmul.f32 $8.000000000e+00, v56;
	[tilespmem:v55+s21+$0x0] =	vst.idx.msk $0xffff, v39  }
0x133: {  	v36 =	vadd.s32 v23, v36;
	v0 =	vshrl.u32 v0, $0x3;
	v58 =	vmul.f32 $8.000000000e+00, v50;
	[tilespmem:v51+s21+$0x0] =	vst.idx.msk $0xffff, v40;
	v59 =	vld [tilespmem:s13+$0xFFFFFF80]  }
0x134: {  	v35 =	vadd.s32 v31, v35;
	s15 =	sadd.s32 $0x200, s13;
	v0 =	vshll.u32 v0, v1;
	v55 =	vmul.f32 $8.000000000e+00, v52;
	v51 =	vld [tilespmem:s13+$0xFFFFFFC0];
	[tilespmem:v53+s21+$0x0] =	vst.idx.msk $0xffff, v57  }
0x135: {  	v33 =	vadd.s32 v6, v33;
	v37 =	vld [tilespmem:s15+$0xFFFFFFD0];
	v0 =	vbroadcast v0, $0x0;
	[tilespmem:v48+s21+$0x0] =	vst.idx.msk $0xffff, v58;
	v56 =	vmul.f32 $8.000000000e+00, v49  }
0x136: {  	v42 =	vshll.u32 v42, v1;
	v34 =	vadd.s32 v27, v34;
	v48 =	vld [tilespmem:s15+$0xFFFFFE10];
	[tilespmem:v41+s21+$0x0] =	vst.idx.msk $0xffff, v55;
	v57 =	vmul.f32 $8.000000000e+00, v54  }
0x137: {  	v47 =	vbroadcast v47, $0x0;
	v58 =	vld [tilespmem:s15+$0xFFFFFE50];
	v49 =	vadd.s32 v19, v0;
	[tilespmem:v2+s21+$0x0] =	vst.idx.msk $0xffff, v56;
	v2 =	vmul.f32 $8.000000000e+00, v3  }
0x138: {  	v44 =	vbroadcast v44, $0x0;
	v39 =	vld [tilespmem:s15+$0xFFFFFE90];
	v3 =	vadd.s32 v8, v38;
	[tilespmem:v36+s21+$0x0] =	vst.idx.msk $0xffff, v57;
	v59 =	vmul.f32 $8.000000000e+00, v59  }
0x139: {  	v45 =	vbroadcast v45, $0x0;
	v61 =	vld [tilespmem:s15+$0xFFFFFED0];
	v60 =	vadd.s32 v12, v47;
	[tilespmem:v35+s21+$0x0] =	vst.idx.msk $0xffff, v2;
	v2 =	vmul.f32 $8.000000000e+00, v51  }
0x13a: {  	v46 =	vbroadcast v46, $0x0;
	v37 =	vmul.f32 $8.000000000e+00, v37;
	v35 =	vadd.s32 v16, v44;
	v51 =	vld [tilespmem:s15+$0xFFFFFF10];
	[tilespmem:v33+s21+$0x0] =	vst.idx.msk $0xffff, v59  }
0x13b: {  	v43 =	vbroadcast v43, $0x0;
	v36 =	vadd.s32 v24, v45;
	v63 =	vmul.f32 $8.000000000e+00, v48;
	v48 =	vld [tilespmem:s15+$0xFFFFFF50];
	[tilespmem:v34+s21+$0x0] =	vst.idx.msk $0xffff, v2  }
0x13c: {  	v42 =	vbroadcast v42, $0x0;
	v41 =	vld [tilespmem:s15+$0xFFFFFF90];
	v2 =	vmul.f32 $8.000000000e+00, v58;
	v34 =	vadd.s32 v28, v46;
	[tilespmem:v49+s21+$0x0] =	vst.idx.msk $0xffff, v37  }
0x13d: {  	v56 =	vadd.s32 v32, v43;
	[tilespmem:v3+s21+$0x0] =	vst.idx.msk $0xffff, v63;
	v3 =	vmul.f32 $8.000000000e+00, v39;
	v37 =	vld [tilespmem:s15+$0xFFFFFFE0]  }
0x13e: {  	v40 =	vadd.s32 v15, v42;
	v57 =	vld [tilespmem:s15+$0xFFFFFE20];
	[tilespmem:v60+s21+$0x0] =	vst.idx.msk $0xffff, v2;
	v2 =	vmul.f32 $8.000000000e+00, v61  }
0x13f: {  	v49 =	vld [tilespmem:s15+$0xFFFFFE60];
	[tilespmem:v35+s21+$0x0] =	vst.idx.msk $0xffff, v3;
	v3 =	vmul.f32 $8.000000000e+00, v51;
	v35 =	vadd.s32 v5, v0  }
0x140: {  	v50 =	vadd.s32 v10, v38;
	v51 =	vld [tilespmem:s15+$0xFFFFFEA0];
	[tilespmem:v36+s21+$0x0] =	vst.idx.msk $0xffff, v2;
	v2 =	vmul.f32 $8.000000000e+00, v48  }
0x141: {  	v36 =	vadd.s32 v14, v47;
	v61 =	vld [tilespmem:s15+$0xFFFFFEE0];
	[tilespmem:v34+s21+$0x0] =	vst.idx.msk $0xffff, v3;
	v3 =	vmul.f32 $8.000000000e+00, v41  }
0x142: {  	v34 =	vadd.s32 v18, v44;
	v41 =	vld [tilespmem:s15+$0xFFFFFF20];
	[tilespmem:v56+s21+$0x0] =	vst.idx.msk $0xffff, v2;
	v2 =	vmul.f32 $8.000000000e+00, v37  }
0x143: {  	v63 =	vmul.f32 $8.000000000e+00, v57;
	v37 =	vadd.s32 v22, v45;
	v39 =	vld [tilespmem:s15+$0xFFFFFF60];
	[tilespmem:v40+s21+$0x0] =	vst.idx.msk $0xffff, v3  }
0x144: {  	v40 =	vadd.s32 v26, v46;
	v3 =	vmul.f32 $8.000000000e+00, v49;
	v49 =	vld [tilespmem:s15+$0xFFFFFFA0];
	[tilespmem:v35+s21+$0x0] =	vst.idx.msk $0xffff, v2  }
0x145: {  	v56 =	vadd.s32 v30, v43;
	[tilespmem:v50+s21+$0x0] =	vst.idx.msk $0xffff, v63;
	v2 =	vmul.f32 $8.000000000e+00, v51;
	v35 =	vld [tilespmem:s15+$0xFFFFFFF0]  }
0x146: {  	v50 =	vld [tilespmem:s15+$0xFFFFFE30];
	[tilespmem:v36+s21+$0x0] =	vst.idx.msk $0xffff, v3;
	v3 =	vmul.f32 $8.000000000e+00, v61;
	v36 =	vadd.s32 v4, v42  }
0x147: {  	v48 =	vld [tilespmem:s15+$0xFFFFFE70];
	[tilespmem:v34+s21+$0x0] =	vst.idx.msk $0xffff, v2;
	v2 =	vmul.f32 $8.000000000e+00, v41;
	v34 =	vadd.s32 v17, v0  }
0x148: {  	v41 =	vadd.s32 v11, v38;
	v51 =	vld [tilespmem:s15+$0xFFFFFEB0];
	[tilespmem:v37+s21+$0x0] =	vst.idx.msk $0xffff, v3;
	v3 =	vmul.f32 $8.000000000e+00, v39  }
0x149: {  	v37 =	vadd.s32 v13, v47;
	[tilespmem:v40+s21+$0x0] =	vst.idx.msk $0xffff, v2;
	v2 =	vmul.f32 $8.000000000e+00, v49  }
0x14a: {  	v40 =	vadd.s32 v20, v44;
	[tilespmem:v56+s21+$0x0] =	vst.idx.msk $0xffff, v3;
	v3 =	vmul.f32 $8.000000000e+00, v35  }
0x14b: {  	v56 =	vmul.f32 $8.000000000e+00, v50;
	[tilespmem:v36+s21+$0x0] =	vst.idx.msk $0xffff, v2  }
0x14c: {  	v2 =	vmul.f32 $8.000000000e+00, v48;
	[tilespmem:v34+s21+$0x0] =	vst.idx.msk $0xffff, v3  }
0x14d: {  	[tilespmem:v41+s21+$0x0] =	vst.idx.msk $0xffff, v56;
	v3 =	vmul.f32 $8.000000000e+00, v51  }
0x14e: {  	[tilespmem:v37+s21+$0x0] =	vst.idx.msk $0xffff, v2  }
0x14f: {  	[tilespmem:v40+s21+$0x0] =	vst.idx.msk $0xffff, v3  }
0x150: {  	v61 =	vmov v4;
	v4 =	vld [tilespmem:$0x1FFE0];
	_ =	sdelay $0x1  }
0x151: {  	v39 =	vld [tilespmem:s15+$0xFFFFFEF0];
	_ =	sdelay $0x1  }
0x152: {  	v35 =	vadd.s32 v21, v45  }
0x153: {  	v0 =	vadd.s32 v4, v0;
	v4 =	vld [tilespmem:$0x1FED0];
	_ =	sdelay $0x1  }
0x154: {  	v49 =	vld [tilespmem:s15+$0xFFFFFF30];
	v2 =	vmul.f32 $8.000000000e+00, v39  }
0x155: {  	v54 =	vmov v16;
	v16 =	vmov v20;
	v63 =	vld [tilespmem:s15+$0xFFFFFF70]  }
0x156: {  	v33 =	vadd.s32 v29, v43;
	v20 =	vmov v25;
	v36 =	vadd.s32 v25, v46;
	v48 =	vld [tilespmem:s15+$0xFFFFFFB0];
	[tilespmem:v35+s21+$0x0] =	vst.idx.msk $0xffff, v2  }
0x157: {  	v25 =	vmovc v29;
	v29 =	vmovc v7;
	v51 =	vadd.s32 v7, v42;
	v7 =	vmov v4;
	v38 =	vadd.s32 v4, v38;
	v4 =	vld [tilespmem:$0x1FE80]  }
0x158: {  	v34 =	vld [tilespmem:s15+$0x0]  }
0x159: {  	v41 =	vld [tilespmem:s15+$0xFFFFFE40]  }
0x15a: {  	v56 =	vld [tilespmem:s15+$0xFFFFFE80];
	v3 =	vmul.f32 $8.000000000e+00, v49  }
0x15b: {  	v40 =	vld [tilespmem:s15+$0xFFFFFEC0];
	v2 =	vmul.f32 $8.000000000e+00, v63  }
0x15c: {  	v63 =	vld [tilespmem:s15+$0xFFFFFF00];
	[tilespmem:v36+s21+$0x0] =	vst.idx.msk $0xffff, v3;
	v3 =	vmul.f32 $8.000000000e+00, v48;
	v35 =	vadd.s32 v4, v47  }
0x15d: {  	v36 =	vadd.s32 v9, v44;
	[tilespmem:v33+s21+$0x0] =	vst.idx.msk $0xffff, v2;
	v2 =	vmul.f32 $8.000000000e+00, v34;
	v44 =	vld [tilespmem:s15+$0xFFFFFF40]  }
0x15e: {  	v49 =	vadd.s32 v23, v45;
	v48 =	vmul.f32 $8.000000000e+00, v41;
	v50 =	vld [tilespmem:s15+$0xFFFFFF80];
	[tilespmem:v51+s21+$0x0] =	vst.idx.msk $0xffff, v3  }
0x15f: {  	v3 =	vmul.f32 $8.000000000e+00, v56;
	v51 =	vadd.s32 v31, v46;
	[tilespmem:v0+s21+$0x0] =	vst.idx.msk $0xffff, v2;
	v56 =	vld [tilespmem:s15+$0xFFFFFFC0]  }
0x160: {  	v0 =	vmul.f32 $8.000000000e+00, v40;
	v2 =	vadd.s32 v6, v43;
	[tilespmem:v38+s21+$0x0] =	vst.idx.msk $0xffff, v48  }
0x161: {  	[tilespmem:v35+s21+$0x0] =	vst.idx.msk $0xffff, v3;
	v3 =	vmul.f32 $8.000000000e+00, v63;
	v63 =	vadd.s32 v27, v42  }
0x162: {  	[tilespmem:v36+s21+$0x0] =	vst.idx.msk $0xffff, v0;
	v0 =	vmul.f32 $8.000000000e+00, v44  }
0x163: {  	p1 =	seq.s32 s0, $0x31;
	[tilespmem:v49+s21+$0x0] =	vst.idx.msk $0xffff, v3;
	v3 =	vmul.f32 $8.000000000e+00, v50  }
0x164: {  	s5 =	sshll.u32 @!p1 s0, $0x9;
	[tilespmem:v51+s21+$0x0] =	vst.idx.msk $0xffff, v0;
	v0 =	vmul.f32 $8.000000000e+00, v56  }
0x165: {  	s13 =	sand.u32 @!p1 $0x3FFFFE00, s5;
	[tilespmem:v2+s21+$0x0] =	vst.idx.msk $0xffff, v3  }
0x166: {  	s9 =	simm.s32 @!p1 $0x80;
	s14 =	simm.s32 @!p1 $0x6400;
	s5 =	sadd.s32 @!p1 $0x200, s13;
	[tilespmem:v63+s21+$0x0] =	vst.idx.msk $0xffff, v0  }
0x167: {  	[tilespmem:s14], [sflag:$0x1] =	stream.indirect.gather @!p1 [hbm4b:s4+s9], $0x40, s5, s9, $0xb8;
	[tilespmem:$0x16C00] =	vst v63  }
0x168: {  	s16 =	simm.s32 $0x10600;
	s15 =	sadd.s32 s11, s7  }
0x169: {  	[hbm4b:s15+s3] =	stream.linear.scatter [tilespmem:s16], [sflag:$0x6], $0x80, $0x38;
	[tilespmem:$0x16C00] =	vst v63  }
0x16a: {  	s12 =	sadd.s32 $0x10, s15;
	s9 =	simm.s32 $0x10688  }
0x16b: {  	[hbm4b:s12+s3] =	stream.linear.scatter [tilespmem:s9], [sflag:$0x6], $0x80, $0x38;
	[tilespmem:$0x16C00] =	vst v63  }
0x16c: {  	s14 =	simm.s32 $0x10710;
	s16 =	sadd.s32 $0x20, s15  }
0x16d: {  	[hbm4b:s16+s3] =	stream.linear.scatter [tilespmem:s14], [sflag:$0x6], $0x80, $0x38;
	[tilespmem:$0x16C00] =	vst v63  }
0x16e: {  	s9 =	simm.s32 $0x10798;
	s12 =	sadd.s32 $0x30, s15  }
0x16f: {  	[hbm4b:s12+s3] =	stream.linear.scatter [tilespmem:s9], [sflag:$0x6], $0x80, $0x38;
	[tilespmem:$0x16C00] =	vst v63  }
0x170: {  	s14 =	simm.s32 $0x10820;
	s16 =	sadd.s32 $0x40, s15  }
0x171: {  	[hbm4b:s16+s3] =	stream.linear.scatter [tilespmem:s14], [sflag:$0x6], $0x80, $0x38;
	[tilespmem:$0x16C00] =	vst v63  }
0x172: {  	s5 =	simm.s32 $0x109B8;
	s9 =	simm.s32 $0x108A8;
	s12 =	sadd.s32 $0x50, s15  }
0x173: {  	v62 =	vmov v19;
	v52 =	vmov v8;
	[hbm4b:s12+s3] =	stream.linear.scatter [tilespmem:s9], [sflag:$0x6], $0x80, $0x38;
	[tilespmem:$0x16C00] =	vst v63  }
0x174: {  	v53 =	vmovc v10;
	v10 =	vmovc v14;
	v8 =	vmov v12;
	v12 =	vmov v13;
	v55 =	vmov v24;
	s14 =	simm.s32 $0x10930;
	s16 =	sadd.s32 $0x60, s15;
	s9 =	sadd.s32 $0x70, s15  }
0x175: {  	v24 =	vmovc v26;
	v58 =	vmovc v28;
	v28 =	vmov v30;
	v59 =	vmov v32;
	v60 =	vmov v15;
	[hbm4b:s16+s3] =	stream.linear.scatter [tilespmem:s14], [sflag:$0x6], $0x80, $0x38;
	[tilespmem:$0x16C00] =	vst v63  }
0x176: {  	v15 =	vmovc v18;
	v5 =	vmovc v11;
	v18 =	vmov v21;
	v57 =	vmov v22;
	v9 =	vmov v17;
	s15 =	sadd.s32 $0x1000, s15;
	s14 =	simm.s32 $0x440;
	s16 =	simm.s32 $0x2200  }
.LBB2_9:
0x177: {  	[hbm4b:s9+s3] =	stream.linear.scatter [tilespmem:s5], [sflag:$0x6], $0x80, $0x38;
	[tilespmem:$0x16C00] =	vst v63  }
0x178: {  	s5 =	smov.u32 s14;
	s9 =	smov.u32 s16  }
0x179: {  	s12 =	sadd.s32 $0x1100, s16;
	s14 =	sshra.s32 s9, $0x2;
	s9 =	sadd.s32 $0x10600, s5  }
0x17a: {  	[hbm4b:s15+s3] =	stream.linear.scatter [tilespmem:s9], [sflag:$0x6], $0x80, $0x38;
	[tilespmem:$0x16C00] =	vst v63  }
0x17b: {  	p2 =	sne.s32 s16, $0x7700;
	s16 =	sadd.s32 $0x10, s15;
	s9 =	sadd.s32 $0x10688, s5  }
0x17c: {  	[hbm4b:s16+s3] =	stream.linear.scatter [tilespmem:s9], [sflag:$0x6], $0x80, $0x38;
	[tilespmem:$0x16C00] =	vst v63  }
0x17d: {  	s9 =	sadd.s32 $0x10710, s5;
	s16 =	sadd.s32 $0x20, s15  }
0x17e: {  	[hbm4b:s16+s3] =	stream.linear.scatter [tilespmem:s9], [sflag:$0x6], $0x80, $0x38;
	[tilespmem:$0x16C00] =	vst v63  }
0x17f: {  	s9 =	sadd.s32 $0x10798, s5;
	s16 =	sadd.s32 $0x30, s15  }
0x180: {  	[hbm4b:s16+s3] =	stream.linear.scatter [tilespmem:s9], [sflag:$0x6], $0x80, $0x38;
	[tilespmem:$0x16C00] =	vst v63  }
0x181: {  	s9 =	sadd.s32 $0x10820, s5;
	s16 =	sadd.s32 $0x40, s15  }
0x182: {  	[hbm4b:s16+s3] =	stream.linear.scatter [tilespmem:s9], [sflag:$0x6], $0x80, $0x38;
	[tilespmem:$0x16C00] =	vst v63  }
.Ltmp3:
0x183: {  	s9 =	sadd.s32 $0x108A8, s5;
	s16 =	sadd.s32 $0x50, s15;
	(pc) =	sbr.rel @p2 .LBB2_9-.Ltmp3, $4  }
0x184: {  	[hbm4b:s16+s3] =	stream.linear.scatter [tilespmem:s9], [sflag:$0x6], $0x80, $0x38;
	[tilespmem:$0x16C00] =	vst v63  }
0x185: {  	s9 =	sadd.s32 $0x10930, s5;
	s16 =	sadd.s32 $0x60, s15;
	s5 =	sadd.s32 $0x109B8, s5  }
0x186: {  	[hbm4b:s16+s3] =	stream.linear.scatter [tilespmem:s9], [sflag:$0x6], $0x80, $0x38;
	[tilespmem:$0x16C00] =	vst v63  }
0x187: {  	s9 =	sadd.s32 $0x70, s15;
	s15 =	sadd.s32 $0x1000, s15;
	s16 =	smov.u32 s12  }
0x188: {  	[hbm4b:s9+s3] =	stream.linear.scatter [tilespmem:s5], [sflag:$0x6], $0x80, $0x38;
	[tilespmem:$0x16C00] =	vst v63  }
0x189: {  	s9 =	sadd.s32 $0x10600, s14  }
0x18a: {  	[hbm4b:s15+s3] =	stream.linear.scatter [tilespmem:s9], [sflag:$0x6], $0x80, $0x38;
	[tilespmem:$0x16C00] =	vst v63  }
0x18b: {  	s12 =	sadd.s32 $0x10688, s14;
	s16 =	sadd.s32 $0x10, s15  }
0x18c: {  	[hbm4b:s16+s3] =	stream.linear.scatter [tilespmem:s12], [sflag:$0x6], $0x80, $0x38;
	[tilespmem:$0x16C00] =	vst v63  }
0x18d: {  	s12 =	sadd.s32 $0x10710, s14;
	s16 =	sadd.s32 $0x20, s15  }
0x18e: {  	[hbm4b:s16+s3] =	stream.linear.scatter [tilespmem:s12], [sflag:$0x6], $0x80, $0x38;
	[tilespmem:$0x16C00] =	vst v63  }
0x18f: {  	s12 =	sadd.s32 $0x10798, s14;
	s16 =	sadd.s32 $0x30, s15  }
0x190: {  	[hbm4b:s16+s3] =	stream.linear.scatter [tilespmem:s12], [sflag:$0x6], $0x80, $0x38;
	[tilespmem:$0x16C00] =	vst v63  }
0x191: {  	s12 =	sadd.s32 $0x10820, s14;
	s16 =	sadd.s32 $0x40, s15  }
0x192: {  	[hbm4b:s16+s3] =	stream.linear.scatter [tilespmem:s12], [sflag:$0x6], $0x80, $0x38;
	[tilespmem:$0x16C00] =	vst v63  }
0x193: {  	s12 =	sadd.s32 $0x108A8, s14;
	s16 =	sadd.s32 $0x50, s15  }
0x194: {  	[hbm4b:s16+s3] =	stream.linear.scatter [tilespmem:s12], [sflag:$0x6], $0x80, $0x38;
	[tilespmem:$0x16C00] =	vst v63  }
0x195: {  	s12 =	sadd.s32 $0x10930, s14;
	s16 =	sadd.s32 $0x60, s15  }
0x196: {  	[hbm4b:s16+s3] =	stream.linear.scatter [tilespmem:s12], [sflag:$0x6], $0x80, $0x38;
	[tilespmem:$0x16C00] =	vst v63  }
0x197: {  	s9 =	sadd.s32 $0x109B8, s14;
	s12 =	sadd.s32 $0x70, s15  }
0x198: {  	[hbm4b:s12+s3] =	stream.linear.scatter [tilespmem:s9], [sflag:$0x6], $0x80, $0x38;
	[tilespmem:$0x16C00] =	vst v63  }
0x199: {  	_ =	swait.ge [sflag:s22], $0x2000  }
0x19a: {  	s14 =	simm.s32 $0x0;
	[sflag:s22] =	ssyncset.done $0x0  }
0x19b: {  	v0 =	vmov s14;
	s14 =	simm.s32 @!p0 $0x7;
	s9 =	simm.s32 $0x7;
	[sflag:s22] =	ssyncadd.s32 $0xFFFFE000  }
0x19c: {  	s15 =	simm.s32 $0x1;
	v37 =	vmov s9;
	_ =	swait.ge @!p0 [sflag:s14], $0x2000  }
0x19d: {  	v0 =	vshrl.u32 v0, $0x3;
	s16 =	simm.s32 $0x2;
	v2 =	vmov s15;
	v37 =	vshrl.u32 v37, $0x3;
	[sflag:s14] =	ssyncset.done @!p0 $0x0  }
0x19e: {  	v3 =	vmov s16;
	v0 =	vshll.u32 v0, v1;
	v37 =	vshll.u32 v37, v1;
	[sflag:s14] =	ssyncadd.s32 @!p0 $0xFFFFE000;
	s14 =	simm.s32 $0xA5F0  }
0x19f: {  	s15 =	simm.s32 $0x5;
	v2 =	vshrl.u32 v2, $0x3;
	v39 =	vbroadcast v0, $0x0;
	v41 =	vbroadcast v37, $0x0;
	v0 =	vld [tilespmem:s14+$0xFFFFFFD0]  }
0x1a0: {  	v35 =	vmov s15;
	v3 =	vshrl.u32 v3, $0x3;
	v2 =	vshll.u32 v2, v1;
	v38 =	vld [tilespmem:s14+$0xFFFFFE10]  }
0x1a1: {  	s16 =	simm.s32 $0x6;
	v3 =	vshll.u32 v3, v1;
	v21 =	vbroadcast v2, $0x0;
	v2 =	vadd.s32 v62, v41;
	v42 =	vld [tilespmem:s14+$0xFFFFFE50]  }
0x1a2: {  	s12 =	simm.s32 $0x3;
	v36 =	vmov s16;
	v44 =	vadd.s32 v52, v39;
	v37 =	vbroadcast v3, $0x0;
	v45 =	vld [tilespmem:s14+$0xFFFFFE90]  }
0x1a3: {  	v33 =	vmov s12;
	s12 =	simm.s32 $0x4;
	v35 =	vshrl.u32 v35, $0x3;
	v46 =	vadd.s32 v8, v21  }
0x1a4: {  	v34 =	vmov s12;
	v48 =	vadd.s32 v54, v37;
	v0 =	vmul.f32 $8.000000000e+00, v0  }
0x1a5: {  	v36 =	vshrl.u32 v36, $0x3;
	v34 =	vshrl.u32 v34, $0x3;
	v38 =	vmul.f32 $8.000000000e+00, v38  }
0x1a6: {  	v33 =	vshrl.u32 v33, $0x3;
	v34 =	vshll.u32 v34, v1;
	v47 =	vld [tilespmem:s14+$0xFFFFFED0];
	v42 =	vmul.f32 $8.000000000e+00, v42;
	[tilespmem:v2+s23+$0x0] =	vst.idx.msk $0xffff, v0  }
0x1a7: {  	v43 =	vshll.u32 v35, v1;
	v35 =	vbroadcast v34, $0x0;
	v49 =	vld [tilespmem:s14+$0xFFFFFF10];
	[tilespmem:v44+s23+$0x0] =	vst.idx.msk $0xffff, v38;
	v2 =	vmul.f32 $8.000000000e+00, v45  }
0x1a8: {  	v33 =	vshll.u32 v33, v1;
	v3 =	vshll.u32 v36, v1;
	v51 =	vld [tilespmem:s14+$0xFFFFFF50];
	[tilespmem:v46+s23+$0x0] =	vst.idx.msk $0xffff, v42  }
0x1a9: {  	v22 =	vmovc v58;
	v36 =	vbroadcast v33, $0x0;
	v33 =	vbroadcast v43, $0x0;
	v43 =	vadd.s32 v58, v35;
	v58 =	vld [tilespmem:s14+$0xFFFFFF90];
	[tilespmem:v48+s23+$0x0] =	vst.idx.msk $0xffff, v2  }
0x1aa: {  	v34 =	vbroadcast v3, $0x0;
	v6 =	vld [tilespmem:$0x1FFC0]  }
0x1ab: {  	v50 =	vadd.s32 v55, v36  }
0x1ac: {  	v32 =	vmov v62;
	v30 =	vmov v60;
	v60 =	vadd.s32 v60, v34;
	v62 =	vld [tilespmem:s14+$0xFFFFFE60]  }
0x1ad: {  	v3 =	vadd.s32 v59, v33;
	v38 =	vld [tilespmem:s14+$0xFFFFFFE0];
	v2 =	vmul.f32 $8.000000000e+00, v49  }
0x1ae: {  	v26 =	vmovc v59;
	v59 =	vmul.f32 $8.000000000e+00, v47;
	v63 =	vmul.f32 $8.000000000e+00, v51;
	v51 =	vadd.s32 v10, v21;
	v44 =	vld [tilespmem:s14+$0xFFFFFE20]  }
0x1af: {  	[tilespmem:v43+s23+$0x0] =	vst.idx.msk $0xffff, v2;
	v2 =	vmul.f32 $8.000000000e+00, v58;
	v48 =	vadd.s32 v6, v41  }
0x1b0: {  	v14 =	vmov v54;
	v54 =	vld [tilespmem:s14+$0xFFFFFEA0];
	[tilespmem:v50+s23+$0x0] =	vst.idx.msk $0xffff, v59;
	v6 =	vmov v53;
	v53 =	vadd.s32 v53, v39  }
0x1b1: {  	v13 =	vmov v55;
	v55 =	vld [tilespmem:s14+$0xFFFFFEE0];
	[tilespmem:v60+s23+$0x0] =	vst.idx.msk $0xffff, v2;
	v60 =	vmul.f32 $8.000000000e+00, v62  }
0x1b2: {  	v4 =	vmov v52;
	s12 =	simm.s32 $0x8;
	v52 =	vadd.s32 v15, v37;
	[tilespmem:v3+s23+$0x0] =	vst.idx.msk $0xffff, v63;
	v56 =	vld [tilespmem:s14+$0xFFFFFF20];
	v3 =	vmul.f32 $8.000000000e+00, v38  }
0x1b3: {  	v19 =	vmovc v57;
	s15 =	simm.s32 $0x9;
	v0 =	vmov s12;
	v42 =	vmul.f32 $8.000000000e+00, v44;
	v44 =	vadd.s32 v57, v36;
	v57 =	vld [tilespmem:s14+$0xFFFFFF60];
	[tilespmem:v51+s23+$0x0] =	vst.idx.msk $0xffff, v60  }
0x1b4: {  	v46 =	vmov s15;
	v45 =	vadd.s32 v12, v21;
	v62 =	vadd.s32 v24, v35;
	v63 =	vld [tilespmem:s14+$0xFFFFFFA0];
	[tilespmem:v48+s23+$0x0] =	vst.idx.msk $0xffff, v3  }
0x1b5: {  	s16 =	simm.s32 $0xA;
	v0 =	vshrl.u32 v0, $0x3;
	[tilespmem:v53+s23+$0x0] =	vst.idx.msk $0xffff, v42;
	v3 =	vmul.f32 $8.000000000e+00, v54;
	v42 =	vadd.s32 v28, v33;
	v54 =	vld [tilespmem:s14+$0xFFFFFE70]  }
0x1b6: {  	s9 =	simm.s32 $0xB;
	v49 =	vmov s16;
	v51 =	vadd.s32 v61, v34;
	v40 =	vmul.f32 $8.000000000e+00, v55;
	v48 =	vld [tilespmem:s14+$0xFFFFFFF0]  }
0x1b7: {  	v0 =	vshll.u32 v0, v1;
	v50 =	vmov s9;
	v53 =	vld [tilespmem:s14+$0xFFFFFE30];
	[tilespmem:v52+s23+$0x0] =	vst.idx.msk $0xffff, v3;
	v3 =	vmul.f32 $8.000000000e+00, v56  }
0x1b8: {  	s15 =	simm.s32 $0xD;
	v59 =	vshrl.u32 v50, $0x3;
	[tilespmem:v44+s23+$0x0] =	vst.idx.msk $0xffff, v40;
	v44 =	vmul.f32 $8.000000000e+00, v57;
	v52 =	vadd.s32 v9, v41  }
0x1b9: {  	v50 =	vadd.s32 v5, v39;
	v38 =	vmov s15;
	v55 =	vld [tilespmem:s14+$0xFFFFFEB0];
	[tilespmem:v62+s23+$0x0] =	vst.idx.msk $0xffff, v3;
	v3 =	vmul.f32 $8.000000000e+00, v63  }
0x1ba: {  	s16 =	simm.s32 $0xE;
	v58 =	vshrl.u32 v38, $0x3;
	v38 =	vbroadcast v0, $0x0;
	v57 =	vld [tilespmem:s14+$0xFFFFFEF0];
	[tilespmem:v42+s23+$0x0] =	vst.idx.msk $0xffff, v44;
	v0 =	vmul.f32 $8.000000000e+00, v54  }
0x1bb: {  	v31 =	vmovc v61;
	v2 =	vmov s16;
	v60 =	vadd.s32 v16, v37;
	v61 =	vld [tilespmem:s14+$0xFFFFFF30];
	v56 =	vmul.f32 $8.000000000e+00, v48;
	[tilespmem:v51+s23+$0x0] =	vst.idx.msk $0xffff, v3  }
0x1bc: {  	v42 =	vshrl.u32 v2, $0x3;
	v2 =	vmul.f32 $8.000000000e+00, v53;
	v63 =	vld [tilespmem:s14+$0xFFFFFF70];
	[tilespmem:v45+s23+$0x0] =	vst.idx.msk $0xffff, v0  }
0x1bd: {  	v62 =	vadd.s32 v18, v36;
	v40 =	vld [tilespmem:s14+$0xFFFFFFB0];
	[tilespmem:v52+s23+$0x0] =	vst.idx.msk $0xffff, v56  }
0x1be: {  	[tilespmem:v50+s23+$0x0] =	vst.idx.msk $0xffff, v2;
	v2 =	vmul.f32 $8.000000000e+00, v55;
	v52 =	vld [tilespmem:s14+$0xFFFFFE80]  }
0x1bf: {  	v3 =	vadd.s32 v20, v35;
	v56 =	vld [tilespmem:s14+$0x0]  }
0x1c0: {  	v11 =	vmov v10;
	v0 =	vmul.f32 $8.000000000e+00, v57;
	v50 =	vld [tilespmem:s14+$0xFFFFFE40];
	[tilespmem:v60+s23+$0x0] =	vst.idx.msk $0xffff, v2  }
0x1c1: {  	v10 =	vmovc v18;
	v49 =	vshrl.u32 v49, $0x3;
	v18 =	vmovc v25;
	v55 =	vadd.s32 v25, v33;
	v25 =	vmov v9;
	v9 =	vld [tilespmem:$0x1FFE0]  }
0x1c2: {  	v44 =	vshll.u32 v49, v1;
	v2 =	vmul.f32 $8.000000000e+00, v61;
	v49 =	vld [tilespmem:s14+$0xFFFFFEC0];
	[tilespmem:v62+s23+$0x0] =	vst.idx.msk $0xffff, v0  }
0x1c3: {  	v17 =	vmov v20;
	s12 =	simm.s32 $0xC;
	v20 =	vld [tilespmem:$0x1FE80]  }
0x1c4: {  	v43 =	vmov s12;
	v54 =	vld [tilespmem:s14+$0xFFFFFF00];
	[tilespmem:v3+s23+$0x0] =	vst.idx.msk $0xffff, v2  }
0x1c5: {  	v46 =	vshrl.u32 v46, $0x3;
	v43 =	vshrl.u32 v43, $0x3;
	v51 =	vadd.s32 v29, v34;
	v29 =	vld [tilespmem:$0x1FF20]  }
0x1c6: {  	v23 =	vmovc v24;
	v27 =	vmovc v28;
	v47 =	vshll.u32 v46, v1;
	v46 =	vshll.u32 v43, v1;
	v24 =	vmov v17;
	v17 =	vld [tilespmem:$0x1FF60]  }
0x1c7: {  	v43 =	vshll.u32 v58, v1;
	v28 =	vmovc v18;
	v48 =	vadd.s32 v7, v39;
	v53 =	vadd.s32 v9, v41;
	v9 =	vld [tilespmem:$0x1FF40]  }
0x1c8: {  	v7 =	vmovc v6;
	v6 =	vmovc v4;
	v45 =	vshll.u32 v59, v1;
	v18 =	vmov v13;
	v39 =	vmul.f32 $8.000000000e+00, v63;
	v13 =	vld [tilespmem:$0x1FF80]  }
0x1c9: {  	s16 =	simm.s32 $0xF;
	s15 =	simm.s32 $0x10;
	v40 =	vmul.f32 $8.000000000e+00, v40;
	v41 =	vadd.s32 v20, v21;
	v20 =	vmovc v10;
	v10 =	vmovc v8;
	v8 =	vmov v5;
	v21 =	vld [tilespmem:$0x1FFA0]  }
.LBB2_11:
0x1ca: {  	_ = 	snop  }
0x1cb: {  	v0 =	vmov s16;
	v3 =	vld [tilespmem:s14+$0xFFFFFF40]  }
0x1cc: {  	v2 =	vadd.s32 v29, v37;
	v36 =	vadd.s32 v9, v36;
	v4 =	vld [tilespmem:$0x1FFC0];
	[tilespmem:v55+s23+$0x0] =	vst.idx.msk $0xffff, v39;
	v63 =	vmul.f32 $8.000000000e+00, v56  }
0x1cd: {  	v35 =	vadd.s32 v17, v35;
	v0 =	vshrl.u32 v0, $0x3;
	[tilespmem:v51+s23+$0x0] =	vst.idx.msk $0xffff, v40;
	v57 =	vld [tilespmem:s14+$0xFFFFFF80];
	v56 =	vmul.f32 $8.000000000e+00, v50  }
0x1ce: {  	v33 =	vadd.s32 v13, v33;
	v0 =	vshll.u32 v0, v1;
	v59 =	vld [tilespmem:s14+$0xFFFFFFC0];
	s14 =	sadd.s32 $0x200, s14;
	v58 =	vmul.f32 $8.000000000e+00, v52;
	[tilespmem:v53+s23+$0x0] =	vst.idx.msk $0xffff, v63  }
0x1cf: {  	v42 =	vshll.u32 v42, v1;
	v40 =	vbroadcast v0, $0x0;
	v0 =	vmul.f32 $8.000000000e+00, v49;
	[tilespmem:v48+s23+$0x0] =	vst.idx.msk $0xffff, v56;
	v53 =	vld [tilespmem:s14+$0xFFFFFFD0]  }
0x1d0: {  	v34 =	vadd.s32 v21, v34;
	v39 =	vmov v38;
	v61 =	vmul.f32 $8.000000000e+00, v54;
	[tilespmem:v41+s23+$0x0] =	vst.idx.msk $0xffff, v58;
	v38 =	vld [tilespmem:s14+$0xFFFFFE10]  }
0x1d1: {  	v41 =	vbroadcast v47, $0x0;
	v63 =	vadd.s32 v32, v40;
	[tilespmem:v2+s23+$0x0] =	vst.idx.msk $0xffff, v0;
	v0 =	vmul.f32 $8.000000000e+00, v3;
	v62 =	vld [tilespmem:s14+$0xFFFFFE50]  }
0x1d2: {  	v37 =	vbroadcast v44, $0x0;
	v2 =	vadd.s32 v6, v39;
	[tilespmem:v36+s23+$0x0] =	vst.idx.msk $0xffff, v61;
	v3 =	vld [tilespmem:s14+$0xFFFFFE90];
	v60 =	vmul.f32 $8.000000000e+00, v57  }
0x1d3: {  	v36 =	vbroadcast v45, $0x0;
	v61 =	vld [tilespmem:s14+$0xFFFFFED0];
	v48 =	vadd.s32 v10, v41;
	[tilespmem:v35+s23+$0x0] =	vst.idx.msk $0xffff, v0;
	v0 =	vmul.f32 $8.000000000e+00, v59  }
0x1d4: {  	v45 =	vadd.s32 v14, v37;
	v35 =	vbroadcast v46, $0x0;
	v51 =	vld [tilespmem:s14+$0xFFFFFF10];
	[tilespmem:v33+s23+$0x0] =	vst.idx.msk $0xffff, v60;
	v56 =	vmul.f32 $8.000000000e+00, v53  }
0x1d5: {  	v44 =	vadd.s32 v18, v36;
	v33 =	vbroadcast v43, $0x0;
	v57 =	vld [tilespmem:s14+$0xFFFFFF50];
	[tilespmem:v34+s23+$0x0] =	vst.idx.msk $0xffff, v0;
	v38 =	vmul.f32 $8.000000000e+00, v38  }
0x1d6: {  	v58 =	vadd.s32 v22, v35;
	v34 =	vbroadcast v42, $0x0;
	v59 =	vld [tilespmem:s14+$0xFFFFFF90];
	v0 =	vmul.f32 $8.000000000e+00, v62;
	[tilespmem:v63+s23+$0x0] =	vst.idx.msk $0xffff, v56  }
0x1d7: {  	[tilespmem:v2+s23+$0x0] =	vst.idx.msk $0xffff, v38;
	v2 =	vmul.f32 $8.000000000e+00, v3;
	v3 =	vadd.s32 v26, v33;
	v63 =	vld [tilespmem:s14+$0xFFFFFFE0]  }
0x1d8: {  	v47 =	vadd.s32 v30, v34;
	[tilespmem:v48+s23+$0x0] =	vst.idx.msk $0xffff, v0;
	v0 =	vmul.f32 $8.000000000e+00, v61;
	v60 =	vld [tilespmem:s14+$0xFFFFFE20]  }
0x1d9: {  	v61 =	vld [tilespmem:s14+$0xFFFFFE60];
	[tilespmem:v45+s23+$0x0] =	vst.idx.msk $0xffff, v2;
	v2 =	vmul.f32 $8.000000000e+00, v51;
	v45 =	vadd.s32 v4, v40  }
0x1da: {  	v62 =	vmov s15;
	v53 =	vadd.s32 v7, v39;
	[tilespmem:v44+s23+$0x0] =	vst.idx.msk $0xffff, v0;
	v0 =	vmul.f32 $8.000000000e+00, v57  }
0x1db: {  	v52 =	vadd.s32 v11, v41;
	v42 =	vshrl.u32 v62, $0x3;
	v62 =	vld [tilespmem:s14+$0xFFFFFEA0];
	[tilespmem:v58+s23+$0x0] =	vst.idx.msk $0xffff, v2;
	v2 =	vmul.f32 $8.000000000e+00, v59  }
0x1dc: {  	v55 =	vld [tilespmem:s14+$0xFFFFFEE0];
	[tilespmem:v3+s23+$0x0] =	vst.idx.msk $0xffff, v0;
	v0 =	vmul.f32 $8.000000000e+00, v63  }
0x1dd: {  	v49 =	vadd.s32 v15, v37;
	v56 =	vld [tilespmem:s14+$0xFFFFFF20];
	v63 =	vmul.f32 $8.000000000e+00, v60;
	[tilespmem:v47+s23+$0x0] =	vst.idx.msk $0xffff, v2  }
0x1de: {  	v60 =	vadd.s32 v19, v36;
	v57 =	vld [tilespmem:s14+$0xFFFFFF60];
	v61 =	vmul.f32 $8.000000000e+00, v61;
	[tilespmem:v45+s23+$0x0] =	vst.idx.msk $0xffff, v0  }
0x1df: {  	v50 =	vadd.s32 v23, v35;
	v58 =	vld [tilespmem:s14+$0xFFFFFFA0];
	[tilespmem:v53+s23+$0x0] =	vst.idx.msk $0xffff, v63  }
0x1e0: {  	s16 =	sadd.s32 $0x3, s15;
	v0 =	vshll.u32 v42, v1;
	v62 =	vmul.f32 $8.000000000e+00, v62;
	v42 =	vadd.s32 v27, v33;
	[tilespmem:v52+s23+$0x0] =	vst.idx.msk $0xffff, v61;
	v53 =	vld [tilespmem:s14+$0xFFFFFE30]  }
0x1e1: {  	v44 =	vmov s16;
	v63 =	vmul.f32 $8.000000000e+00, v55;
	v52 =	vadd.s32 v31, v34;
	v54 =	vld [tilespmem:s14+$0xFFFFFE70]  }
0x1e2: {  	v59 =	vshrl.u32 v44, $0x3;
	v44 =	vadd.s32 v8, v39;
	v45 =	vld [tilespmem:s14+$0xFFFFFFF0];
	[tilespmem:v49+s23+$0x0] =	vst.idx.msk $0xffff, v62;
	v38 =	vmul.f32 $8.000000000e+00, v56  }
0x1e3: {  	s16 =	sadd.s32 $0x6, s15;
	v55 =	vld [tilespmem:s14+$0xFFFFFEB0];
	[tilespmem:v60+s23+$0x0] =	vst.idx.msk $0xffff, v63;
	v46 =	vmul.f32 $8.000000000e+00, v57;
	v57 =	vadd.s32 v12, v41  }
0x1e4: {  	v2 =	vmov s16;
	v49 =	vadd.s32 v25, v40;
	v60 =	vld [tilespmem:s14+$0xFFFFFEF0];
	[tilespmem:v50+s23+$0x0] =	vst.idx.msk $0xffff, v38;
	v50 =	vmul.f32 $8.000000000e+00, v58  }
0x1e5: {  	v58 =	vadd.s32 v16, v37;
	v61 =	vld [tilespmem:s14+$0xFFFFFF30];
	[tilespmem:v42+s23+$0x0] =	vst.idx.msk $0xffff, v46;
	v42 =	vshrl.u32 v2, $0x3;
	v2 =	vmul.f32 $8.000000000e+00, v53  }
0x1e6: {  	v62 =	vadd.s32 v20, v36;
	v38 =	vbroadcast v0, $0x0;
	v63 =	vld [tilespmem:s14+$0xFFFFFF70];
	[tilespmem:v52+s23+$0x0] =	vst.idx.msk $0xffff, v50;
	v0 =	vmul.f32 $8.000000000e+00, v54  }
0x1e7: {  	v45 =	vmul.f32 $8.000000000e+00, v45;
	v5 =	vld [tilespmem:s14+$0xFFFFFFB0];
	[tilespmem:v44+s23+$0x0] =	vst.idx.msk $0xffff, v2  }
0x1e8: {  	s9 =	sadd.s32 $0x4, s15;
	v2 =	vmul.f32 $8.000000000e+00, v55;
	[tilespmem:v57+s23+$0x0] =	vst.idx.msk $0xffff, v0;
	v57 =	vld [tilespmem:$0x1FEB0]  }
0x1e9: {  	s12 =	sadd.s32 $0x2, s15;
	v43 =	vmov s9;
	[tilespmem:v49+s23+$0x0] =	vst.idx.msk $0xffff, v45;
	v0 =	vmul.f32 $8.000000000e+00, v60;
	v60 =	vld [tilespmem:$0x1FFE0]  }
0x1ea: {  	s5 =	sadd.s32 $0x1, s15;
	v43 =	vshrl.u32 v43, $0x3;
	v51 =	vmov s12;
	s12 =	sadd.s32 $0x5, s15;
	[tilespmem:v58+s23+$0x0] =	vst.idx.msk $0xffff, v2;
	v2 =	vmul.f32 $8.000000000e+00, v61;
	v61 =	vld [tilespmem:$0x1FED0]  }
0x1eb: {  	p2 =	slt.u32 s15, $0x78;
	v48 =	vmov s5;
	v4 =	vadd.s32 v24, v35;
	v3 =	vmov s12;
	[tilespmem:v62+s23+$0x0] =	vst.idx.msk $0xffff, v0;
	v0 =	vld [tilespmem:$0x1FE80]  }
.Ltmp4:
0x1ec: {  	v48 =	vshrl.u32 v48, $0x3;
	v51 =	vshrl.u32 v51, $0x3;
	v3 =	vshrl.u32 v3, $0x3;
	v56 =	vld [tilespmem:s14+$0x0];
	(pc) =	sbr.rel @p2 .LBB2_11-.Ltmp4, $4  }
0x1ed: {  	v47 =	vshll.u32 v48, v1;
	v46 =	vshll.u32 v43, v1;
	v43 =	vshll.u32 v3, v1;
	v50 =	vld [tilespmem:s14+$0xFFFFFE40]  }
0x1ee: {  	v55 =	vadd.s32 v28, v33;
	v44 =	vshll.u32 v51, v1;
	v45 =	vshll.u32 v59, v1;
	v52 =	vld [tilespmem:s14+$0xFFFFFE80]  }
0x1ef: {  	v49 =	vld [tilespmem:s14+$0xFFFFFEC0];
	v51 =	vadd.s32 v57, v34;
	v53 =	vadd.s32 v60, v40;
	v40 =	vmul.f32 $8.000000000e+00, v5  }
0x1f0: {  	s16 =	sadd.s32 $0x7, s15;
	s15 =	sadd.s32 $0x8, s15;
	v54 =	vld [tilespmem:s14+$0xFFFFFF00];
	[tilespmem:v4+s23+$0x0] =	vst.idx.msk $0xffff, v2;
	v48 =	vadd.s32 v61, v39;
	v39 =	vmul.f32 $8.000000000e+00, v63;
	v41 =	vadd.s32 v0, v41  }
0x1f1: {  	_ =	sdelay $0x3  }
0x1f2: {  	v0 =	vmov s16;
	v2 =	vadd.s32 v29, v37;
	v3 =	vld [tilespmem:s14+$0xFFFFFF40];
	v4 =	vmul.f32 $8.000000000e+00, v56;
	[tilespmem:v55+s23+$0x0] =	vst.idx.msk $0xffff, v39  }
0x1f3: {  	v36 =	vadd.s32 v9, v36;
	[tilespmem:v51+s23+$0x0] =	vst.idx.msk $0xffff, v40;
	v0 =	vshrl.u32 v0, $0x3;
	v5 =	vmul.f32 $8.000000000e+00, v50;
	v55 =	vld [tilespmem:s14+$0xFFFFFF80]  }
0x1f4: {  	v35 =	vadd.s32 v17, v35;
	s5 =	sadd.s32 $0x200, s14;
	v40 =	vld [tilespmem:s14+$0xFFFFFFC0];
	v0 =	vshll.u32 v0, v1;
	v56 =	vmul.f32 $8.000000000e+00, v52;
	[tilespmem:v53+s23+$0x0] =	vst.idx.msk $0xffff, v4  }
0x1f5: {  	v33 =	vadd.s32 v13, v33;
	v57 =	vld [tilespmem:s5+$0xFFFFFFD0];
	v0 =	vbroadcast v0, $0x0;
	[tilespmem:v48+s23+$0x0] =	vst.idx.msk $0xffff, v5;
	v58 =	vmul.f32 $8.000000000e+00, v49  }
0x1f6: {  	v34 =	vadd.s32 v21, v34;
	v59 =	vld [tilespmem:s5+$0xFFFFFE10];
	[tilespmem:v41+s23+$0x0] =	vst.idx.msk $0xffff, v56;
	v60 =	vmul.f32 $8.000000000e+00, v54  }
0x1f7: {  	v47 =	vbroadcast v47, $0x0;
	v61 =	vld [tilespmem:s5+$0xFFFFFE50];
	v62 =	vadd.s32 v32, v0;
	[tilespmem:v2+s23+$0x0] =	vst.idx.msk $0xffff, v58;
	v2 =	vmul.f32 $8.000000000e+00, v3  }
0x1f8: {  	v44 =	vbroadcast v44, $0x0;
	v63 =	vld [tilespmem:s5+$0xFFFFFE90];
	v3 =	vadd.s32 v6, v38;
	[tilespmem:v36+s23+$0x0] =	vst.idx.msk $0xffff, v60;
	v51 =	vmul.f32 $8.000000000e+00, v55  }
0x1f9: {  	v52 =	vadd.s32 v10, v47;
	[tilespmem:v35+s23+$0x0] =	vst.idx.msk $0xffff, v2;
	v2 =	vmul.f32 $8.000000000e+00, v40  }
0x1fa: {  	v54 =	vadd.s32 v14, v44;
	v4 =	vmul.f32 $8.000000000e+00, v57;
	[tilespmem:v33+s23+$0x0] =	vst.idx.msk $0xffff, v51  }
0x1fb: {  	v59 =	vmul.f32 $8.000000000e+00, v59;
	[tilespmem:v34+s23+$0x0] =	vst.idx.msk $0xffff, v2  }
0x1fc: {  	v45 =	vbroadcast v45, $0x0;
	v53 =	vld [tilespmem:s5+$0xFFFFFED0];
	v2 =	vmul.f32 $8.000000000e+00, v61;
	[tilespmem:v62+s23+$0x0] =	vst.idx.msk $0xffff, v4  }
0x1fd: {  	v56 =	vld [tilespmem:s5+$0xFFFFFF90];
	[tilespmem:v3+s23+$0x0] =	vst.idx.msk $0xffff, v59;
	v3 =	vmul.f32 $8.000000000e+00, v63  }
0x1fe: {  	v46 =	vbroadcast v46, $0x0;
	v60 =	vadd.s32 v18, v45;
	v55 =	vld [tilespmem:s5+$0xFFFFFF10];
	[tilespmem:v52+s23+$0x0] =	vst.idx.msk $0xffff, v2  }
0x1ff: {  	v42 =	vshll.u32 v42, v1;
	v43 =	vbroadcast v43, $0x0;
	v18 =	vld [tilespmem:s5+$0xFFFFFF50];
	[tilespmem:v54+s23+$0x0] =	vst.idx.msk $0xffff, v3  }
0x200: {  	v42 =	vbroadcast v42, $0x0;
	v22 =	vadd.s32 v22, v46;
	v62 =	vld [tilespmem:$0x1FFC0]  }
0x201: {  	v57 =	vadd.s32 v26, v43;
	v33 =	vld [tilespmem:s5+$0xFFFFFE20];
	v2 =	vmul.f32 $8.000000000e+00, v53  }
0x202: {  	v59 =	vadd.s32 v30, v42;
	v61 =	vld [tilespmem:s5+$0xFFFFFE60]  }
0x203: {  	v63 =	vadd.s32 v7, v38;
	v58 =	vld [tilespmem:s5+$0xFFFFFFE0];
	v3 =	vmul.f32 $8.000000000e+00, v55;
	[tilespmem:v60+s23+$0x0] =	vst.idx.msk $0xffff, v2  }
0x204: {  	v53 =	vmov v11;
	v11 =	vadd.s32 v11, v47;
	v2 =	vmul.f32 $8.000000000e+00, v18;
	v18 =	vld [tilespmem:s5+$0xFFFFFEE0]  }
0x205: {  	v10 =	vld [tilespmem:s5+$0xFFFFFEA0];
	[tilespmem:v22+s23+$0x0] =	vst.idx.msk $0xffff, v3;
	v3 =	vmul.f32 $8.000000000e+00, v56;
	v35 =	vadd.s32 v62, v0  }
0x206: {  	v52 =	vadd.s32 v19, v45;
	[tilespmem:v57+s23+$0x0] =	vst.idx.msk $0xffff, v2;
	v50 =	vmul.f32 $8.000000000e+00, v33  }
0x207: {  	v22 =	vadd.s32 v15, v44;
	v60 =	vld [tilespmem:s5+$0xFFFFFF60];
	[tilespmem:v59+s23+$0x0] =	vst.idx.msk $0xffff, v3;
	v3 =	vmul.f32 $8.000000000e+00, v61  }
0x208: {  	v30 =	vld [tilespmem:s5+$0xFFFFFF20];
	v2 =	vmul.f32 $8.000000000e+00, v58;
	[tilespmem:v63+s23+$0x0] =	vst.idx.msk $0xffff, v50  }
0x209: {  	v63 =	vadd.s32 v27, v43;
	v40 =	vld [tilespmem:s5+$0xFFFFFE30];
	[tilespmem:v11+s23+$0x0] =	vst.idx.msk $0xffff, v3;
	v3 =	vmul.f32 $8.000000000e+00, v18  }
0x20a: {  	v61 =	vadd.s32 v23, v46;
	v62 =	vld [tilespmem:s5+$0xFFFFFFA0];
	[tilespmem:v35+s23+$0x0] =	vst.idx.msk $0xffff, v2;
	v2 =	vmul.f32 $8.000000000e+00, v10  }
0x20b: {  	v57 =	vmov v8;
	v8 =	vadd.s32 v8, v38;
	[tilespmem:v52+s23+$0x0] =	vst.idx.msk $0xffff, v3;
	v35 =	vld [tilespmem:s5+$0xFFFFFFF0]  }
0x20c: {  	v55 =	vld [tilespmem:s5+$0xFFFFFE70];
	v3 =	vmul.f32 $8.000000000e+00, v60;
	v10 =	vadd.s32 v31, v42;
	[tilespmem:v22+s23+$0x0] =	vst.idx.msk $0xffff, v2  }
0x20d: {  	v34 =	vadd.s32 v25, v0;
	v2 =	vmul.f32 $8.000000000e+00, v30;
	v11 =	vld [tilespmem:s5+$0xFFFFFEB0]  }
0x20e: {  	v18 =	vadd.s32 v12, v47;
	[tilespmem:v63+s23+$0x0] =	vst.idx.msk $0xffff, v3;
	v30 =	vmul.f32 $8.000000000e+00, v40  }
0x20f: {  	v54 =	vmovc v15;
	v15 =	vmov v19;
	v19 =	vld [tilespmem:s5+$0xFFFFFEF0];
	v22 =	vadd.s32 v16, v44;
	[tilespmem:v61+s23+$0x0] =	vst.idx.msk $0xffff, v2;
	v2 =	vmul.f32 $8.000000000e+00, v62  }
0x210: {  	[tilespmem:v8+s23+$0x0] =	vst.idx.msk $0xffff, v30;
	v3 =	vmul.f32 $8.000000000e+00, v35  }
0x211: {  	v59 =	vmov v31;
	v31 =	vadd.s32 v20, v45;
	v52 =	vld [tilespmem:s5+$0xFFFFFF70];
	[tilespmem:v10+s23+$0x0] =	vst.idx.msk $0xffff, v2;
	v2 =	vmul.f32 $8.000000000e+00, v55  }
0x212: {  	v56 =	vmov v23;
	v23 =	vld [tilespmem:s5+$0xFFFFFF30];
	[tilespmem:v34+s23+$0x0] =	vst.idx.msk $0xffff, v3;
	v3 =	vmul.f32 $8.000000000e+00, v11  }
0x213: {  	v10 =	vld [tilespmem:s5+$0xFFFFFFB0];
	[tilespmem:v18+s23+$0x0] =	vst.idx.msk $0xffff, v2  }
0x214: {  	v2 =	vmul.f32 $8.000000000e+00, v19;
	v5 =	vld [tilespmem:$0x1FEB0];
	[tilespmem:v22+s23+$0x0] =	vst.idx.msk $0xffff, v3  }
0x215: {  	v19 =	vld [tilespmem:$0x1FFE0]  }
0x216: {  	v60 =	vmov v20;
	v20 =	vld [tilespmem:$0x1FED0];
	[tilespmem:v31+s23+$0x0] =	vst.idx.msk $0xffff, v2  }
0x217: {  	v63 =	vmov v28;
	v55 =	vadd.s32 v24, v46;
	v11 =	vadd.s32 v28, v43;
	v28 =	vld [tilespmem:$0x1FE80]  }
0x218: {  	v34 =	vld [tilespmem:s5+$0x0]  }
0x219: {  	v41 =	vld [tilespmem:s5+$0xFFFFFE40];
	v25 =	vmov v5;
	v5 =	vadd.s32 v5, v42  }
0x21a: {  	v18 =	vld [tilespmem:s5+$0xFFFFFE80];
	v3 =	vmul.f32 $8.000000000e+00, v23;
	v0 =	vadd.s32 v19, v0  }
0x21b: {  	v23 =	vld [tilespmem:s5+$0xFFFFFEC0];
	v2 =	vmul.f32 $8.000000000e+00, v52;
	v22 =	vadd.s32 v20, v38  }
0x21c: {  	v31 =	vld [tilespmem:s5+$0xFFFFFF00];
	[tilespmem:v55+s23+$0x0] =	vst.idx.msk $0xffff, v3;
	v3 =	vmul.f32 $8.000000000e+00, v10;
	v30 =	vadd.s32 v28, v47  }
0x21d: {  	v44 =	vadd.s32 v29, v44;
	[tilespmem:v11+s23+$0x0] =	vst.idx.msk $0xffff, v2;
	v2 =	vmul.f32 $8.000000000e+00, v34;
	v47 =	vld [tilespmem:s5+$0xFFFFFF40]  }
0x21e: {  	v49 =	vadd.s32 v9, v45;
	v48 =	vmul.f32 $8.000000000e+00, v41;
	v50 =	vld [tilespmem:s5+$0xFFFFFF80];
	[tilespmem:v5+s23+$0x0] =	vst.idx.msk $0xffff, v3  }
0x21f: {  	v52 =	vadd.s32 v17, v46;
	v3 =	vmul.f32 $8.000000000e+00, v18;
	v55 =	vld [tilespmem:s5+$0xFFFFFFC0];
	[tilespmem:v0+s23+$0x0] =	vst.idx.msk $0xffff, v2  }
0x220: {  	[tilespmem:v22+s23+$0x0] =	vst.idx.msk $0xffff, v48;
	v0 =	vmul.f32 $8.000000000e+00, v23;
	v2 =	vadd.s32 v13, v43  }
0x221: {  	v61 =	vadd.s32 v21, v42;
	[tilespmem:v30+s23+$0x0] =	vst.idx.msk $0xffff, v3;
	v3 =	vmul.f32 $8.000000000e+00, v31  }
0x222: {  	[tilespmem:v44+s23+$0x0] =	vst.idx.msk $0xffff, v0;
	v0 =	vmul.f32 $8.000000000e+00, v47  }
0x223: {  	[tilespmem:v49+s23+$0x0] =	vst.idx.msk $0xffff, v3;
	v3 =	vmul.f32 $8.000000000e+00, v50  }
0x224: {  	[tilespmem:v52+s23+$0x0] =	vst.idx.msk $0xffff, v0;
	v0 =	vmul.f32 $8.000000000e+00, v55  }
0x225: {  	[tilespmem:v2+s23+$0x0] =	vst.idx.msk $0xffff, v3  }
0x226: {  	s9 =	simm.s32 @!p1 $0x80;
	s12 =	simm.s32 @!p1 $0x8400;
	s5 =	sadd.s32 @!p1 $0x280, s13;
	[tilespmem:v61+s23+$0x0] =	vst.idx.msk $0xffff, v0  }
0x227: {  	[tilespmem:s12], [sflag:$0x2] =	stream.indirect.gather @!p1 [hbm4b:s4+s9], $0x40, s5, s9, $0xb8;
	[tilespmem:$0x16C00] =	vst v63  }
0x228: {  	s12 =	sadd.s32 s11, s8;
	s9 =	simm.s32 $0x12800  }
0x229: {  	[hbm4b:s12+s3] =	stream.linear.scatter [tilespmem:s9], [sflag:$0x7], $0x80, $0x38;
	[tilespmem:$0x16C00] =	vst v63  }
0x22a: {  	s11 =	simm.s32 $0x12888;
	s14 =	sadd.s32 $0x10, s12  }
0x22b: {  	[hbm4b:s14+s3] =	stream.linear.scatter [tilespmem:s11], [sflag:$0x7], $0x80, $0x38;
	[tilespmem:$0x16C00] =	vst v63  }
0x22c: {  	s15 =	simm.s32 $0x12910;
	s16 =	sadd.s32 $0x20, s12  }
0x22d: {  	[hbm4b:s16+s3] =	stream.linear.scatter [tilespmem:s15], [sflag:$0x7], $0x80, $0x38;
	[tilespmem:$0x16C00] =	vst v63  }
0x22e: {  	s11 =	simm.s32 $0x12998;
	s14 =	sadd.s32 $0x30, s12  }
0x22f: {  	[hbm4b:s14+s3] =	stream.linear.scatter [tilespmem:s11], [sflag:$0x7], $0x80, $0x38;
	[tilespmem:$0x16C00] =	vst v63  }
0x230: {  	s15 =	simm.s32 $0x12A20;
	s16 =	sadd.s32 $0x40, s12  }
0x231: {  	[hbm4b:s16+s3] =	stream.linear.scatter [tilespmem:s15], [sflag:$0x7], $0x80, $0x38;
	[tilespmem:$0x16C00] =	vst v63  }
0x232: {  	s5 =	simm.s32 $0x12BB8;
	s11 =	simm.s32 $0x12AA8;
	s14 =	sadd.s32 $0x50, s12  }
0x233: {  	[hbm4b:s14+s3] =	stream.linear.scatter [tilespmem:s11], [sflag:$0x7], $0x80, $0x38;
	[tilespmem:$0x16C00] =	vst v63  }
0x234: {  	s9 =	sadd.s32 $0x70, s12;
	s15 =	simm.s32 $0x12B30;
	s16 =	sadd.s32 $0x60, s12  }
0x235: {  	[hbm4b:s16+s3] =	stream.linear.scatter [tilespmem:s15], [sflag:$0x7], $0x80, $0x38;
	[tilespmem:$0x16C00] =	vst v63  }
0x236: {  	v51 =	vmov v7;
	v58 =	vmov v27;
	v62 =	vmov v24;
	s11 =	simm.s32 $0x440;
	s14 =	sadd.s32 $0x1000, s12;
	s15 =	simm.s32 $0x2200  }
.LBB2_13:
0x237: {  	[hbm4b:s9+s3] =	stream.linear.scatter [tilespmem:s5], [sflag:$0x7], $0x80, $0x38;
	[tilespmem:$0x16C00] =	vst v63  }
0x238: {  	s5 =	smov.u32 s11;
	s9 =	smov.u32 s15  }
0x239: {  	s12 =	sadd.s32 $0x1100, s15;
	s11 =	sshra.s32 s9, $0x2;
	s9 =	sadd.s32 $0x12800, s5  }
0x23a: {  	[hbm4b:s14+s3] =	stream.linear.scatter [tilespmem:s9], [sflag:$0x7], $0x80, $0x38;
	[tilespmem:$0x16C00] =	vst v63  }
0x23b: {  	p2 =	sne.s32 s15, $0x7700;
	s15 =	sadd.s32 $0x10, s14;
	s9 =	sadd.s32 $0x12888, s5  }
0x23c: {  	[hbm4b:s15+s3] =	stream.linear.scatter [tilespmem:s9], [sflag:$0x7], $0x80, $0x38;
	[tilespmem:$0x16C00] =	vst v63  }
0x23d: {  	s9 =	sadd.s32 $0x12910, s5;
	s15 =	sadd.s32 $0x20, s14  }
0x23e: {  	[hbm4b:s15+s3] =	stream.linear.scatter [tilespmem:s9], [sflag:$0x7], $0x80, $0x38;
	[tilespmem:$0x16C00] =	vst v63  }
0x23f: {  	s9 =	sadd.s32 $0x12998, s5;
	s15 =	sadd.s32 $0x30, s14  }
0x240: {  	[hbm4b:s15+s3] =	stream.linear.scatter [tilespmem:s9], [sflag:$0x7], $0x80, $0x38;
	[tilespmem:$0x16C00] =	vst v63  }
0x241: {  	s9 =	sadd.s32 $0x12A20, s5;
	s15 =	sadd.s32 $0x40, s14  }
0x242: {  	[hbm4b:s15+s3] =	stream.linear.scatter [tilespmem:s9], [sflag:$0x7], $0x80, $0x38;
	[tilespmem:$0x16C00] =	vst v63  }
.Ltmp5:
0x243: {  	s9 =	sadd.s32 $0x12AA8, s5;
	s15 =	sadd.s32 $0x50, s14;
	(pc) =	sbr.rel @p2 .LBB2_13-.Ltmp5, $4  }
0x244: {  	[hbm4b:s15+s3] =	stream.linear.scatter [tilespmem:s9], [sflag:$0x7], $0x80, $0x38;
	[tilespmem:$0x16C00] =	vst v63  }
0x245: {  	s9 =	sadd.s32 $0x12B30, s5;
	s15 =	sadd.s32 $0x60, s14;
	s5 =	sadd.s32 $0x12BB8, s5  }
0x246: {  	[hbm4b:s15+s3] =	stream.linear.scatter [tilespmem:s9], [sflag:$0x7], $0x80, $0x38;
	[tilespmem:$0x16C00] =	vst v63  }
0x247: {  	s9 =	sadd.s32 $0x70, s14;
	s14 =	sadd.s32 $0x1000, s14;
	s15 =	smov.u32 s12  }
0x248: {  	[hbm4b:s9+s3] =	stream.linear.scatter [tilespmem:s5], [sflag:$0x7], $0x80, $0x38;
	[tilespmem:$0x16C00] =	vst v63  }
0x249: {  	s16 =	sadd.s32 $0x12800, s11  }
0x24a: {  	[hbm4b:s14+s3] =	stream.linear.scatter [tilespmem:s16], [sflag:$0x7], $0x80, $0x38;
	[tilespmem:$0x16C00] =	vst v63  }
0x24b: {  	s9 =	sadd.s32 $0x12888, s11;
	s12 =	sadd.s32 $0x10, s14  }
0x24c: {  	[hbm4b:s12+s3] =	stream.linear.scatter [tilespmem:s9], [sflag:$0x7], $0x80, $0x38;
	[tilespmem:$0x16C00] =	vst v63  }
0x24d: {  	s15 =	sadd.s32 $0x12910, s11;
	s16 =	sadd.s32 $0x20, s14  }
0x24e: {  	[hbm4b:s16+s3] =	stream.linear.scatter [tilespmem:s15], [sflag:$0x7], $0x80, $0x38;
	[tilespmem:$0x16C00] =	vst v63  }
0x24f: {  	s9 =	sadd.s32 $0x12998, s11;
	s12 =	sadd.s32 $0x30, s14  }
0x250: {  	[hbm4b:s12+s3] =	stream.linear.scatter [tilespmem:s9], [sflag:$0x7], $0x80, $0x38;
	[tilespmem:$0x16C00] =	vst v63  }
0x251: {  	s15 =	sadd.s32 $0x12A20, s11;
	s16 =	sadd.s32 $0x40, s14  }
0x252: {  	[hbm4b:s16+s3] =	stream.linear.scatter [tilespmem:s15], [sflag:$0x7], $0x80, $0x38;
	[tilespmem:$0x16C00] =	vst v63  }
0x253: {  	s9 =	sadd.s32 $0x12AA8, s11;
	s12 =	sadd.s32 $0x50, s14  }
0x254: {  	[hbm4b:s12+s3] =	stream.linear.scatter [tilespmem:s9], [sflag:$0x7], $0x80, $0x38;
	[tilespmem:$0x16C00] =	vst v63  }
0x255: {  	s15 =	sadd.s32 $0x12B30, s11;
	s16 =	sadd.s32 $0x60, s14  }
0x256: {  	[hbm4b:s16+s3] =	stream.linear.scatter [tilespmem:s15], [sflag:$0x7], $0x80, $0x38;
	[tilespmem:$0x16C00] =	vst v63  }
0x257: {  	s12 =	sadd.s32 $0x12BB8, s11;
	s15 =	sadd.s32 $0x70, s14  }
0x258: {  	[hbm4b:s15+s3] =	stream.linear.scatter [tilespmem:s12], [sflag:$0x7], $0x80, $0x38;
	[tilespmem:$0x16C00] =	vst v63  }
0x259: {  	_ =	swait.ge [sflag:s24], $0x2000  }
0x25a: {  	s9 =	simm.s32 $0x1;
	s12 =	simm.s32 $0x3;
	[sflag:s24] =	ssyncset.done $0x0  }
0x25b: {  	s11 =	simm.s32 $0x2;
	v2 =	vmov s9;
	v4 =	vmov s12;
	s12 =	simm.s32 @!p0 $0x8;
	[sflag:s24] =	ssyncadd.s32 $0xFFFFE000  }
0x25c: {  	v3 =	vmov s11;
	s16 =	simm.s32 $0x0;
	s14 =	simm.s32 $0x4;
	v2 =	vshrl.u32 v2, $0x3;
	_ =	swait.ge @!p0 [sflag:s12], $0x2000  }
0x25d: {  	v0 =	vmov s16;
	v5 =	vmov s14;
	s14 =	simm.s32 $0x7;
	v2 =	vshll.u32 v2, v1;
	v23 =	vld [tilespmem:$0x1FFB0]  }
0x25e: {  	v0 =	vshrl.u32 v0, $0x3;
	v35 =	vmov s14;
	v4 =	vshrl.u32 v4, $0x3;
	v6 =	vld [tilespmem:$0x1FEE0]  }
0x25f: {  	v40 =	vbroadcast v2, $0x0;
	v35 =	vshrl.u32 v35, $0x3;
	v4 =	vshll.u32 v4, v1;
	[sflag:s12] =	ssyncset.done @!p0 $0x0;
	v27 =	vld [tilespmem:$0x1FEC0]  }
0x260: {  	s11 =	simm.s32 $0xC5F0;
	v0 =	vshll.u32 v0, v1;
	v35 =	vshll.u32 v35, v1;
	v36 =	vbroadcast v4, $0x0;
	v4 =	vld [tilespmem:$0x1FF00];
	[sflag:s12] =	ssyncadd.s32 @!p0 $0xFFFFE000  }
0x261: {  	v39 =	vbroadcast v0, $0x0;
	v41 =	vbroadcast v35, $0x0;
	v0 =	vld [tilespmem:s11+$0xFFFFFFD0]  }
0x262: {  	v38 =	vld [tilespmem:s11+$0xFFFFFE10]  }
0x263: {  	v3 =	vshrl.u32 v3, $0x3;
	v2 =	vadd.s32 v23, v41;
	v45 =	vadd.s32 v6, v40;
	v6 =	vld [tilespmem:$0x1FF30]  }
0x264: {  	v3 =	vshll.u32 v3, v1;
	v42 =	vld [tilespmem:s11+$0xFFFFFE50];
	v43 =	vadd.s32 v27, v39  }
0x265: {  	s16 =	simm.s32 $0x6;
	v5 =	vshrl.u32 v5, $0x3;
	v37 =	vbroadcast v3, $0x0;
	v44 =	vld [tilespmem:s11+$0xFFFFFE90]  }
0x266: {  	v34 =	vmov s16;
	v5 =	vshll.u32 v5, v1;
	v0 =	vmul.f32 $8.000000000e+00, v0  }
0x267: {  	v35 =	vbroadcast v5, $0x0;
	v46 =	vld [tilespmem:s11+$0xFFFFFED0];
	v4 =	vadd.s32 v4, v37;
	v5 =	vmul.f32 $8.000000000e+00, v38  }
0x268: {  	v34 =	vshrl.u32 v34, $0x3;
	v38 =	vadd.s32 v6, v36;
	v6 =	vld [tilespmem:$0x1FF50];
	[tilespmem:v2+s25+$0x0] =	vst.idx.msk $0xffff, v0  }
0x269: {  	v3 =	vshll.u32 v34, v1;
	v47 =	vld [tilespmem:s11+$0xFFFFFF10];
	v42 =	vmul.f32 $8.000000000e+00, v42;
	[tilespmem:v43+s25+$0x0] =	vst.idx.msk $0xffff, v5  }
0x26a: {  	s15 =	simm.s32 $0x5;
	v34 =	vbroadcast v3, $0x0;
	v2 =	vmul.f32 $8.000000000e+00, v44;
	v3 =	vld [tilespmem:$0x1FF70]  }
0x26b: {  	v33 =	vmov s15;
	v43 =	vld [tilespmem:s11+$0xFFFFFE20];
	[tilespmem:v45+s25+$0x0] =	vst.idx.msk $0xffff, v42  }
0x26c: {  	v33 =	vshrl.u32 v33, $0x3;
	v32 =	vld [tilespmem:$0x1FF90];
	[tilespmem:v4+s25+$0x0] =	vst.idx.msk $0xffff, v2  }
0x26d: {  	v33 =	vshll.u32 v33, v1;
	v19 =	vld [tilespmem:$0x1FFC0]  }
0x26e: {  	v33 =	vbroadcast v33, $0x0;
	v48 =	vld [tilespmem:s11+$0xFFFFFF50];
	v49 =	vadd.s32 v6, v35  }
0x26f: {  	v50 =	vld [tilespmem:s11+$0xFFFFFF90];
	v6 =	vmov v51;
	v51 =	vadd.s32 v51, v39  }
0x270: {  	v61 =	vmul.f32 $8.000000000e+00, v46;
	v5 =	vld [tilespmem:s11+$0xFFFFFFE0];
	v3 =	vadd.s32 v3, v33  }
0x271: {  	v46 =	vld [tilespmem:s11+$0xFFFFFE60];
	v2 =	vmul.f32 $8.000000000e+00, v47;
	v44 =	vadd.s32 v32, v34  }
0x272: {  	v52 =	vld [tilespmem:s11+$0xFFFFFEA0];
	[tilespmem:v38+s25+$0x0] =	vst.idx.msk $0xffff, v61;
	v38 =	vmul.f32 $8.000000000e+00, v43;
	v4 =	vadd.s32 v19, v41  }
0x273: {  	v18 =	vmov v53;
	v61 =	vmul.f32 $8.000000000e+00, v48;
	v48 =	vadd.s32 v53, v40;
	v53 =	vld [tilespmem:s11+$0xFFFFFEE0];
	[tilespmem:v49+s25+$0x0] =	vst.idx.msk $0xffff, v2  }
0x274: {  	v22 =	vmov v54;
	v2 =	vmul.f32 $8.000000000e+00, v50;
	v50 =	vadd.s32 v54, v37;
	[tilespmem:v51+s25+$0x0] =	vst.idx.msk $0xffff, v38;
	v54 =	vld [tilespmem:s11+$0xFFFFFF20]  }
0x275: {  	v43 =	vadd.s32 v15, v36;
	[tilespmem:v3+s25+$0x0] =	vst.idx.msk $0xffff, v61;
	v3 =	vmul.f32 $8.000000000e+00, v5  }
0x276: {  	v61 =	vmul.f32 $8.000000000e+00, v46;
	v46 =	vadd.s32 v56, v35;
	[tilespmem:v44+s25+$0x0] =	vst.idx.msk $0xffff, v2  }
0x277: {  	v51 =	vld [tilespmem:s11+$0xFFFFFE30];
	[tilespmem:v4+s25+$0x0] =	vst.idx.msk $0xffff, v3;
	v3 =	vmul.f32 $8.000000000e+00, v52  }
0x278: {  	v55 =	vld [tilespmem:s11+$0xFFFFFF60];
	[tilespmem:v48+s25+$0x0] =	vst.idx.msk $0xffff, v61;
	v61 =	vmul.f32 $8.000000000e+00, v53  }
0x279: {  	v10 =	vmov v56;
	s15 =	simm.s32 $0x8;
	v56 =	vld [tilespmem:s11+$0xFFFFFFA0];
	[tilespmem:v50+s25+$0x0] =	vst.idx.msk $0xffff, v3;
	v3 =	vmul.f32 $8.000000000e+00, v54  }
0x27a: {  	v0 =	vmov s15;
	v17 =	vld [tilespmem:$0x1FFD0];
	[tilespmem:v43+s25+$0x0] =	vst.idx.msk $0xffff, v61  }
0x27b: {  	s16 =	simm.s32 $0x9;
	s12 =	simm.s32 $0xB;
	v0 =	vshrl.u32 v0, $0x3;
	v8 =	vld [tilespmem:$0x1FEF0];
	[tilespmem:v46+s25+$0x0] =	vst.idx.msk $0xffff, v3  }
0x27c: {  	s9 =	simm.s32 $0xA;
	s14 =	simm.s32 $0xC;
	v45 =	vmov s16;
	v42 =	vmov s12;
	v4 =	vadd.s32 v58, v33;
	v16 =	vld [tilespmem:$0x1FF10]  }
0x27d: {  	s16 =	simm.s32 $0xE;
	v47 =	vmov s9;
	v49 =	vmov s14;
	v48 =	vadd.s32 v59, v34;
	v38 =	vld [tilespmem:s11+$0xFFFFFFF0]  }
0x27e: {  	v2 =	vmov s16;
	v52 =	vshrl.u32 v47, $0x3;
	v47 =	vld [tilespmem:s11+$0xFFFFFE70];
	v54 =	vadd.s32 v57, v39  }
0x27f: {  	v13 =	vmovc v57;
	v53 =	vshrl.u32 v42, $0x3;
	v57 =	vld [tilespmem:s11+$0xFFFFFEB0];
	v61 =	vmul.f32 $8.000000000e+00, v55;
	v50 =	vadd.s32 v17, v41  }
0x280: {  	v26 =	vmovc v58;
	v43 =	vshrl.u32 v49, $0x3;
	v58 =	vld [tilespmem:s11+$0xFFFFFEF0];
	v3 =	vmul.f32 $8.000000000e+00, v56;
	v49 =	vadd.s32 v8, v40  }
0x281: {  	v30 =	vmovc v59;
	v42 =	vshrl.u32 v2, $0x3;
	v2 =	vmul.f32 $8.000000000e+00, v51;
	v59 =	vld [tilespmem:s11+$0xFFFFFF30];
	[tilespmem:v4+s25+$0x0] =	vst.idx.msk $0xffff, v61;
	v46 =	vadd.s32 v16, v37  }
0x282: {  	v0 =	vshll.u32 v0, v1;
	v4 =	vmul.f32 $8.000000000e+00, v38;
	v61 =	vld [tilespmem:s11+$0xFFFFFF70];
	[tilespmem:v48+s25+$0x0] =	vst.idx.msk $0xffff, v3  }
0x283: {  	v20 =	vmovc v62;
	v38 =	vbroadcast v0, $0x0;
	v0 =	vmul.f32 $8.000000000e+00, v47;
	v3 =	vadd.s32 v62, v35;
	v62 =	vld [tilespmem:s11+$0xFFFFFFB0];
	[tilespmem:v54+s25+$0x0] =	vst.idx.msk $0xffff, v2  }
0x284: {  	v11 =	vmov v60;
	v60 =	vadd.s32 v60, v36;
	v2 =	vmul.f32 $8.000000000e+00, v57;
	[tilespmem:v50+s25+$0x0] =	vst.idx.msk $0xffff, v4;
	v50 =	vld [tilespmem:s11+$0xFFFFFE40]  }
0x285: {  	v56 =	vld [tilespmem:s11+$0x0];
	[tilespmem:v49+s25+$0x0] =	vst.idx.msk $0xffff, v0  }
0x286: {  	v44 =	vshll.u32 v52, v1;
	v52 =	vld [tilespmem:s11+$0xFFFFFE80];
	[tilespmem:v46+s25+$0x0] =	vst.idx.msk $0xffff, v2  }
0x287: {  	v0 =	vmul.f32 $8.000000000e+00, v58;
	v4 =	vld [tilespmem:$0x1FFE0]  }
0x288: {  	v9 =	vld [tilespmem:$0x1FED0]  }
0x289: {  	v2 =	vmul.f32 $8.000000000e+00, v59;
	v49 =	vld [tilespmem:s11+$0xFFFFFEC0];
	[tilespmem:v60+s25+$0x0] =	vst.idx.msk $0xffff, v0  }
0x28a: {  	v0 =	vld [tilespmem:$0x1FE80]  }
0x28b: {  	s15 =	simm.s32 $0xD;
	v54 =	vld [tilespmem:s11+$0xFFFFFF00];
	[tilespmem:v3+s25+$0x0] =	vst.idx.msk $0xffff, v2  }
0x28c: {  	v45 =	vshrl.u32 v45, $0x3;
	v5 =	vmov s15;
	v24 =	vld [tilespmem:$0x1FF20]  }
0x28d: {  	v5 =	vshrl.u32 v5, $0x3;
	v51 =	vadd.s32 v25, v34;
	v55 =	vadd.s32 v63, v33;
	v21 =	vld [tilespmem:$0x1FF40]  }
0x28e: {  	v47 =	vshll.u32 v45, v1;
	v45 =	vshll.u32 v53, v1;
	v46 =	vshll.u32 v43, v1;
	v31 =	vld [tilespmem:$0x1FF60]  }
0x28f: {  	v12 =	vmovc v63;
	v43 =	vshll.u32 v5, v1;
	v29 =	vld [tilespmem:$0x1FF80];
	v53 =	vadd.s32 v4, v41;
	v48 =	vadd.s32 v9, v39  }
0x290: {  	s14 =	simm.s32 $0x10;
	s15 =	simm.s32 $0xF;
	v7 =	vld [tilespmem:$0x1FFA0];
	v14 =	vmovc v4;
	v39 =	vmul.f32 $8.000000000e+00, v61;
	v28 =	vmovc v0;
	v41 =	vadd.s32 v0, v40;
	v40 =	vmul.f32 $8.000000000e+00, v62  }
.LBB2_15:
0x291: {  	_ = 	snop  }
0x292: {  	v0 =	vmov s15;
	v2 =	vadd.s32 v24, v37;
	v3 =	vld [tilespmem:s11+$0xFFFFFF40]  }
0x293: {  	v62 =	vld [tilespmem:$0x1FF30];
	[tilespmem:v55+s25+$0x0] =	vst.idx.msk $0xffff, v39;
	v0 =	vshrl.u32 v0, $0x3;
	v5 =	vmul.f32 $8.000000000e+00, v50  }
0x294: {  	[tilespmem:v51+s25+$0x0] =	vst.idx.msk $0xffff, v40;
	v55 =	vld [tilespmem:s11+$0xFFFFFF80];
	v0 =	vshll.u32 v0, v1  }
0x295: {  	v36 =	vadd.s32 v21, v36;
	v57 =	vld [tilespmem:s11+$0xFFFFFFC0];
	s11 =	sadd.s32 $0x200, s11;
	v40 =	vbroadcast v0, $0x0;
	v0 =	vmul.f32 $8.000000000e+00, v49;
	[tilespmem:v48+s25+$0x0] =	vst.idx.msk $0xffff, v5  }
0x296: {  	v4 =	vmul.f32 $8.000000000e+00, v56;
	v5 =	vadd.s32 v29, v33;
	v58 =	vld [tilespmem:s11+$0xFFFFFE10]  }
0x297: {  	v35 =	vadd.s32 v31, v35;
	v39 =	vmov v38;
	v51 =	vld [tilespmem:$0x1FEE0];
	v56 =	vmul.f32 $8.000000000e+00, v52;
	[tilespmem:v2+s25+$0x0] =	vst.idx.msk $0xffff, v0  }
0x298: {  	v59 =	vmul.f32 $8.000000000e+00, v54;
	[tilespmem:v53+s25+$0x0] =	vst.idx.msk $0xffff, v4;
	v0 =	vmul.f32 $8.000000000e+00, v3;
	v2 =	vadd.s32 v27, v39;
	v3 =	vld [tilespmem:s11+$0xFFFFFE90]  }
0x299: {  	[tilespmem:v41+s25+$0x0] =	vst.idx.msk $0xffff, v56;
	v53 =	vld [tilespmem:$0x1FF00];
	v38 =	vmul.f32 $8.000000000e+00, v55  }
0x29a: {  	[tilespmem:v36+s25+$0x0] =	vst.idx.msk $0xffff, v59;
	v4 =	vld [tilespmem:s11+$0xFFFFFFD0]  }
0x29b: {  	v34 =	vadd.s32 v7, v34;
	v60 =	vld [tilespmem:s11+$0xFFFFFE50];
	[tilespmem:v5+s25+$0x0] =	vst.idx.msk $0xffff, v38;
	v5 =	vmul.f32 $8.000000000e+00, v58  }
0x29c: {  	v61 =	vadd.s32 v23, v40;
	v41 =	vbroadcast v47, $0x0;
	[tilespmem:v35+s25+$0x0] =	vst.idx.msk $0xffff, v0;
	v0 =	vmul.f32 $8.000000000e+00, v57;
	v57 =	vld [tilespmem:$0x1FF50]  }
0x29d: {  	v37 =	vbroadcast v44, $0x0;
	[tilespmem:v2+s25+$0x0] =	vst.idx.msk $0xffff, v5;
	v2 =	vmul.f32 $8.000000000e+00, v3;
	v3 =	vld [tilespmem:$0x1FF70]  }
0x29e: {  	v36 =	vbroadcast v45, $0x0;
	v48 =	vld [tilespmem:s11+$0xFFFFFED0];
	v52 =	vadd.s32 v51, v41  }
0x29f: {  	v35 =	vbroadcast v46, $0x0;
	v55 =	vld [tilespmem:s11+$0xFFFFFF10];
	v54 =	vadd.s32 v53, v37;
	v4 =	vmul.f32 $8.000000000e+00, v4  }
0x2a0: {  	v42 =	vshll.u32 v42, v1;
	v33 =	vbroadcast v43, $0x0;
	v63 =	vadd.s32 v62, v36;
	[tilespmem:v34+s25+$0x0] =	vst.idx.msk $0xffff, v0;
	v56 =	vld [tilespmem:s11+$0xFFFFFF50]  }
0x2a1: {  	s16 =	sadd.s32 $0x2, s14;
	v34 =	vbroadcast v42, $0x0;
	v59 =	vld [tilespmem:s11+$0xFFFFFF90];
	v0 =	vmul.f32 $8.000000000e+00, v60;
	v58 =	vadd.s32 v57, v35;
	[tilespmem:v61+s25+$0x0] =	vst.idx.msk $0xffff, v4  }
0x2a2: {  	v50 =	vmov s16;
	v49 =	vadd.s32 v22, v37;
	v5 =	vld [tilespmem:s11+$0xFFFFFFE0];
	v3 =	vadd.s32 v3, v33  }
0x2a3: {  	s5 =	sadd.s32 $0x1, s14;
	v50 =	vshrl.u32 v50, $0x3;
	[tilespmem:v52+s25+$0x0] =	vst.idx.msk $0xffff, v0;
	v0 =	vmul.f32 $8.000000000e+00, v48;
	v61 =	vadd.s32 v32, v34;
	v60 =	vld [tilespmem:s11+$0xFFFFFE20]  }
0x2a4: {  	s12 =	sadd.s32 $0x4, s14;
	v47 =	vmov s5;
	v45 =	vadd.s32 v19, v40;
	v62 =	vld [tilespmem:s11+$0xFFFFFE60];
	[tilespmem:v54+s25+$0x0] =	vst.idx.msk $0xffff, v2;
	v2 =	vmul.f32 $8.000000000e+00, v55  }
0x2a5: {  	v43 =	vmov s12;
	v51 =	vadd.s32 v6, v39;
	[tilespmem:v63+s25+$0x0] =	vst.idx.msk $0xffff, v0;
	v52 =	vld [tilespmem:s11+$0xFFFFFEA0];
	v0 =	vmul.f32 $8.000000000e+00, v56  }
0x2a6: {  	v44 =	vshll.u32 v50, v1;
	v46 =	vadd.s32 v18, v41;
	v63 =	vld [tilespmem:s11+$0xFFFFFEE0];
	[tilespmem:v58+s25+$0x0] =	vst.idx.msk $0xffff, v2;
	v2 =	vmul.f32 $8.000000000e+00, v59  }
0x2a7: {  	v47 =	vshrl.u32 v47, $0x3;
	v43 =	vshrl.u32 v43, $0x3;
	v54 =	vld [tilespmem:s11+$0xFFFFFF20];
	[tilespmem:v3+s25+$0x0] =	vst.idx.msk $0xffff, v0;
	v0 =	vmul.f32 $8.000000000e+00, v5  }
0x2a8: {  	v42 =	vadd.s32 v15, v36;
	v4 =	vmov s14;
	[tilespmem:v61+s25+$0x0] =	vst.idx.msk $0xffff, v2;
	v5 =	vmul.f32 $8.000000000e+00, v60;
	v55 =	vld [tilespmem:s11+$0xFFFFFF60]  }
0x2a9: {  	v4 =	vshrl.u32 v4, $0x3;
	v61 =	vadd.s32 v10, v35;
	v60 =	vmul.f32 $8.000000000e+00, v62;
	v62 =	vld [tilespmem:s11+$0xFFFFFFA0];
	[tilespmem:v45+s25+$0x0] =	vst.idx.msk $0xffff, v0  }
0x2aa: {  	v0 =	vshll.u32 v4, v1;
	[tilespmem:v51+s25+$0x0] =	vst.idx.msk $0xffff, v5;
	v4 =	vmul.f32 $8.000000000e+00, v52;
	v5 =	vadd.s32 v26, v33;
	v45 =	vld [tilespmem:s11+$0xFFFFFFF0]  }
0x2ab: {  	s9 =	sadd.s32 $0x3, s14;
	v47 =	vshll.u32 v47, v1;
	v63 =	vmul.f32 $8.000000000e+00, v63;
	[tilespmem:v46+s25+$0x0] =	vst.idx.msk $0xffff, v60;
	v46 =	vadd.s32 v30, v34;
	v51 =	vld [tilespmem:s11+$0xFFFFFE30]  }
0x2ac: {  	v38 =	vmov s9;
	v52 =	vld [tilespmem:s11+$0xFFFFFE70];
	[tilespmem:v49+s25+$0x0] =	vst.idx.msk $0xffff, v4;
	v4 =	vmul.f32 $8.000000000e+00, v54;
	v49 =	vadd.s32 v17, v40  }
0x2ad: {  	v53 =	vshrl.u32 v38, $0x3;
	[tilespmem:v42+s25+$0x0] =	vst.idx.msk $0xffff, v63;
	v54 =	vadd.s32 v13, v39;
	v57 =	vld [tilespmem:s11+$0xFFFFFEB0];
	v55 =	vmul.f32 $8.000000000e+00, v55  }
0x2ae: {  	s15 =	sadd.s32 $0x5, s14;
	s16 =	sadd.s32 $0x6, s14;
	v48 =	vadd.s32 v16, v37;
	v58 =	vadd.s32 v8, v41;
	v59 =	vld [tilespmem:s11+$0xFFFFFEF0];
	[tilespmem:v61+s25+$0x0] =	vst.idx.msk $0xffff, v4;
	v4 =	vmul.f32 $8.000000000e+00, v62  }
0x2af: {  	v2 =	vmov s16;
	v3 =	vmov s15;
	v60 =	vld [tilespmem:s11+$0xFFFFFF30];
	[tilespmem:v5+s25+$0x0] =	vst.idx.msk $0xffff, v55;
	v5 =	vmul.f32 $8.000000000e+00, v45  }
0x2b0: {  	v42 =	vshrl.u32 v2, $0x3;
	v61 =	vadd.s32 v11, v36;
	v2 =	vmul.f32 $8.000000000e+00, v51;
	[tilespmem:v46+s25+$0x0] =	vst.idx.msk $0xffff, v4;
	v62 =	vld [tilespmem:s11+$0xFFFFFF70]  }
0x2b1: {  	p0 =	slt.u32 s14, $0x78;
	v38 =	vbroadcast v0, $0x0;
	v0 =	vmul.f32 $8.000000000e+00, v52;
	v4 =	vadd.s32 v20, v35;
	v63 =	vld [tilespmem:s11+$0xFFFFFFB0];
	[tilespmem:v49+s25+$0x0] =	vst.idx.msk $0xffff, v5  }
.Ltmp6:
0x2b2: {  	v41 =	vadd.s32 v28, v41;
	v3 =	vshrl.u32 v3, $0x3;
	[tilespmem:v54+s25+$0x0] =	vst.idx.msk $0xffff, v2;
	v2 =	vmul.f32 $8.000000000e+00, v57;
	v56 =	vld [tilespmem:s11+$0x0];
	(pc) =	sbr.rel @p0 .LBB2_15-.Ltmp6, $4  }
0x2b3: {  	v55 =	vadd.s32 v12, v33;
	v51 =	vadd.s32 v25, v34;
	[tilespmem:v58+s25+$0x0] =	vst.idx.msk $0xffff, v0;
	v0 =	vmul.f32 $8.000000000e+00, v59;
	v50 =	vld [tilespmem:s11+$0xFFFFFE40]  }
0x2b4: {  	v45 =	vshll.u32 v53, v1;
	v53 =	vadd.s32 v14, v40;
	v52 =	vld [tilespmem:s11+$0xFFFFFE80];
	[tilespmem:v48+s25+$0x0] =	vst.idx.msk $0xffff, v2;
	v2 =	vmul.f32 $8.000000000e+00, v60  }
0x2b5: {  	v46 =	vshll.u32 v43, v1;
	v43 =	vshll.u32 v3, v1;
	[tilespmem:v61+s25+$0x0] =	vst.idx.msk $0xffff, v0;
	v49 =	vld [tilespmem:s11+$0xFFFFFEC0]  }
0x2b6: {  	s15 =	sadd.s32 $0x7, s14;
	s14 =	sadd.s32 $0x8, s14;
	v48 =	vadd.s32 v9, v39;
	v54 =	vld [tilespmem:s11+$0xFFFFFF00];
	v39 =	vmul.f32 $8.000000000e+00, v62;
	[tilespmem:v4+s25+$0x0] =	vst.idx.msk $0xffff, v2;
	v40 =	vmul.f32 $8.000000000e+00, v63  }
0x2b7: {  	_ =	sdelay $0x3  }
0x2b8: {  	v2 =	vadd.s32 v24, v37;
	v4 =	vmul.f32 $8.000000000e+00, v56;
	[tilespmem:v55+s25+$0x0] =	vst.idx.msk $0xffff, v39  }
0x2b9: {  	v36 =	vadd.s32 v21, v36;
	v5 =	vmul.f32 $8.000000000e+00, v50;
	[tilespmem:v51+s25+$0x0] =	vst.idx.msk $0xffff, v40  }
0x2ba: {  	v0 =	vmov s15;
	v52 =	vmul.f32 $8.000000000e+00, v52;
	[tilespmem:v53+s25+$0x0] =	vst.idx.msk $0xffff, v4  }
0x2bb: {  	v0 =	vshrl.u32 v0, $0x3;
	[tilespmem:v48+s25+$0x0] =	vst.idx.msk $0xffff, v5;
	v5 =	vmul.f32 $8.000000000e+00, v49  }
0x2bc: {  	v3 =	vld [tilespmem:s11+$0xFFFFFF40];
	v0 =	vshll.u32 v0, v1;
	[tilespmem:v41+s25+$0x0] =	vst.idx.msk $0xffff, v52;
	v54 =	vmul.f32 $8.000000000e+00, v54  }
0x2bd: {  	v0 =	vbroadcast v0, $0x0;
	[tilespmem:v2+s25+$0x0] =	vst.idx.msk $0xffff, v5  }
0x2be: {  	v35 =	vadd.s32 v31, v35;
	[tilespmem:v36+s25+$0x0] =	vst.idx.msk $0xffff, v54  }
0x2bf: {  	v56 =	vadd.s32 v23, v0;
	v23 =	vld [tilespmem:$0x1FEE0];
	_ =	sdelay $0x1  }
0x2c0: {  	v63 =	vld [tilespmem:s11+$0xFFFFFF80];
	v2 =	vmul.f32 $8.000000000e+00, v3  }
0x2c1: {  	v47 =	vbroadcast v47, $0x0  }
0x2c2: {  	v33 =	vadd.s32 v29, v33;
	[tilespmem:v35+s25+$0x0] =	vst.idx.msk $0xffff, v2  }
0x2c3: {  	v58 =	vadd.s32 v23, v47;
	v23 =	vld [tilespmem:$0x1FF00];
	_ =	sdelay $0x1  }
0x2c4: {  	s16 =	sadd.s32 $0x200, s11;
	v40 =	vld [tilespmem:s11+$0xFFFFFFC0];
	v57 =	vmul.f32 $8.000000000e+00, v63  }
0x2c5: {  	v44 =	vbroadcast v44, $0x0;
	v4 =	vld [tilespmem:s16+$0xFFFFFFD0]  }
0x2c6: {  	v34 =	vadd.s32 v7, v34;
	v53 =	vld [tilespmem:s16+$0xFFFFFE10];
	[tilespmem:v33+s25+$0x0] =	vst.idx.msk $0xffff, v57  }
0x2c7: {  	v60 =	vadd.s32 v23, v44;
	v23 =	vld [tilespmem:$0x1FF30]  }
0x2c8: {  	v3 =	vadd.s32 v27, v38  }
0x2c9: {  	v2 =	vmul.f32 $8.000000000e+00, v40  }
0x2ca: {  	v45 =	vbroadcast v45, $0x0;
	v4 =	vmul.f32 $8.000000000e+00, v4  }
0x2cb: {  	v55 =	vld [tilespmem:s16+$0xFFFFFE50];
	v62 =	vmul.f32 $8.000000000e+00, v53;
	[tilespmem:v34+s25+$0x0] =	vst.idx.msk $0xffff, v2  }
0x2cc: {  	v63 =	vadd.s32 v23, v45;
	v23 =	vld [tilespmem:$0x1FF50];
	[tilespmem:v56+s25+$0x0] =	vst.idx.msk $0xffff, v4  }
0x2cd: {  	v5 =	vld [tilespmem:s16+$0xFFFFFE90];
	[tilespmem:v3+s25+$0x0] =	vst.idx.msk $0xffff, v62  }
0x2ce: {  	v4 =	vld [tilespmem:$0x1FF70]  }
0x2cf: {  	v59 =	vld [tilespmem:s16+$0xFFFFFED0]  }
0x2d0: {  	v46 =	vbroadcast v46, $0x0;
	v61 =	vld [tilespmem:s16+$0xFFFFFF10]  }
0x2d1: {  	v42 =	vshll.u32 v42, v1;
	v43 =	vbroadcast v43, $0x0;
	v52 =	vld [tilespmem:s16+$0xFFFFFF50]  }
0x2d2: {  	v42 =	vbroadcast v42, $0x0;
	v54 =	vld [tilespmem:s16+$0xFFFFFF90];
	v2 =	vmul.f32 $8.000000000e+00, v55;
	v53 =	vadd.s32 v23, v46  }
0x2d3: {  	v3 =	vmul.f32 $8.000000000e+00, v5;
	v5 =	vld [tilespmem:s16+$0xFFFFFFE0];
	v4 =	vadd.s32 v4, v43  }
0x2d4: {  	v55 =	vadd.s32 v32, v42;
	v33 =	vld [tilespmem:s16+$0xFFFFFE20];
	[tilespmem:v58+s25+$0x0] =	vst.idx.msk $0xffff, v2;
	v2 =	vmul.f32 $8.000000000e+00, v59  }
0x2d5: {  	v57 =	vadd.s32 v19, v0;
	v56 =	vld [tilespmem:s16+$0xFFFFFE60];
	[tilespmem:v60+s25+$0x0] =	vst.idx.msk $0xffff, v3;
	v3 =	vmul.f32 $8.000000000e+00, v61  }
0x2d6: {  	v58 =	vadd.s32 v6, v38;
	v59 =	vld [tilespmem:s16+$0xFFFFFEA0];
	[tilespmem:v63+s25+$0x0] =	vst.idx.msk $0xffff, v2;
	v2 =	vmul.f32 $8.000000000e+00, v52  }
0x2d7: {  	v60 =	vadd.s32 v18, v47;
	v61 =	vld [tilespmem:s16+$0xFFFFFEE0];
	[tilespmem:v53+s25+$0x0] =	vst.idx.msk $0xffff, v3;
	v3 =	vmul.f32 $8.000000000e+00, v54  }
0x2d8: {  	v62 =	vadd.s32 v22, v44;
	v63 =	vld [tilespmem:s16+$0xFFFFFF20];
	[tilespmem:v4+s25+$0x0] =	vst.idx.msk $0xffff, v2;
	v2 =	vmul.f32 $8.000000000e+00, v5  }
0x2d9: {  	v4 =	vmul.f32 $8.000000000e+00, v33;
	v5 =	vadd.s32 v15, v45;
	v52 =	vld [tilespmem:s16+$0xFFFFFF60];
	[tilespmem:v55+s25+$0x0] =	vst.idx.msk $0xffff, v3  }
0x2da: {  	v53 =	vadd.s32 v10, v46;
	v3 =	vmul.f32 $8.000000000e+00, v56;
	v54 =	vld [tilespmem:s16+$0xFFFFFFA0];
	[tilespmem:v57+s25+$0x0] =	vst.idx.msk $0xffff, v2  }
0x2db: {  	[tilespmem:v58+s25+$0x0] =	vst.idx.msk $0xffff, v4;
	v2 =	vmul.f32 $8.000000000e+00, v59;
	v4 =	vadd.s32 v26, v43;
	v35 =	vld [tilespmem:s16+$0xFFFFFFF0]  }
0x2dc: {  	v55 =	vadd.s32 v30, v42;
	v40 =	vld [tilespmem:s16+$0xFFFFFE30];
	[tilespmem:v60+s25+$0x0] =	vst.idx.msk $0xffff, v3;
	v3 =	vmul.f32 $8.000000000e+00, v61  }
0x2dd: {  	v57 =	vadd.s32 v17, v0;
	v56 =	vld [tilespmem:s16+$0xFFFFFE70];
	[tilespmem:v62+s25+$0x0] =	vst.idx.msk $0xffff, v2;
	v2 =	vmul.f32 $8.000000000e+00, v63  }
0x2de: {  	v58 =	vadd.s32 v13, v38;
	v59 =	vld [tilespmem:s16+$0xFFFFFEB0];
	[tilespmem:v5+s25+$0x0] =	vst.idx.msk $0xffff, v3;
	v3 =	vmul.f32 $8.000000000e+00, v52  }
0x2df: {  	v5 =	vadd.s32 v8, v47;
	v60 =	vld [tilespmem:s16+$0xFFFFFEF0];
	[tilespmem:v53+s25+$0x0] =	vst.idx.msk $0xffff, v2;
	v2 =	vmul.f32 $8.000000000e+00, v54  }
0x2e0: {  	v61 =	vadd.s32 v16, v44;
	v62 =	vld [tilespmem:s16+$0xFFFFFF30];
	[tilespmem:v4+s25+$0x0] =	vst.idx.msk $0xffff, v3;
	v3 =	vmul.f32 $8.000000000e+00, v35  }
0x2e1: {  	v63 =	vadd.s32 v11, v45;
	v4 =	vmul.f32 $8.000000000e+00, v40;
	v11 =	vld [tilespmem:s16+$0xFFFFFF70];
	[tilespmem:v55+s25+$0x0] =	vst.idx.msk $0xffff, v2  }
0x2e2: {  	v52 =	vadd.s32 v20, v46;
	v2 =	vmul.f32 $8.000000000e+00, v56;
	v53 =	vld [tilespmem:s16+$0xFFFFFFB0];
	[tilespmem:v57+s25+$0x0] =	vst.idx.msk $0xffff, v3  }
0x2e3: {  	[tilespmem:v58+s25+$0x0] =	vst.idx.msk $0xffff, v4;
	v3 =	vmul.f32 $8.000000000e+00, v59;
	v4 =	vadd.s32 v12, v43;
	v34 =	vld [tilespmem:s16+$0x0]  }
0x2e4: {  	v41 =	vld [tilespmem:s16+$0xFFFFFE40];
	[tilespmem:v5+s25+$0x0] =	vst.idx.msk $0xffff, v2;
	v2 =	vmul.f32 $8.000000000e+00, v60;
	v5 =	vadd.s32 v25, v42  }
0x2e5: {  	v0 =	vadd.s32 v14, v0;
	v54 =	vld [tilespmem:s16+$0xFFFFFE80];
	[tilespmem:v61+s25+$0x0] =	vst.idx.msk $0xffff, v3;
	v3 =	vmul.f32 $8.000000000e+00, v62  }
0x2e6: {  	v55 =	vadd.s32 v9, v38;
	v56 =	vld [tilespmem:s16+$0xFFFFFEC0];
	[tilespmem:v63+s25+$0x0] =	vst.idx.msk $0xffff, v2;
	v2 =	vmul.f32 $8.000000000e+00, v11  }
0x2e7: {  	v57 =	vadd.s32 v28, v47;
	v58 =	vld [tilespmem:s16+$0xFFFFFF00];
	[tilespmem:v52+s25+$0x0] =	vst.idx.msk $0xffff, v3;
	v3 =	vmul.f32 $8.000000000e+00, v53  }
0x2e8: {  	v59 =	vadd.s32 v24, v44;
	v60 =	vld [tilespmem:s16+$0xFFFFFF40];
	[tilespmem:v4+s25+$0x0] =	vst.idx.msk $0xffff, v2;
	v2 =	vmul.f32 $8.000000000e+00, v34  }
0x2e9: {  	v61 =	vadd.s32 v21, v45;
	v4 =	vmul.f32 $8.000000000e+00, v41;
	v62 =	vld [tilespmem:s16+$0xFFFFFF80];
	[tilespmem:v5+s25+$0x0] =	vst.idx.msk $0xffff, v3  }
0x2ea: {  	v3 =	vmul.f32 $8.000000000e+00, v54;
	v5 =	vadd.s32 v31, v46;
	v63 =	vld [tilespmem:s16+$0xFFFFFFC0];
	[tilespmem:v0+s25+$0x0] =	vst.idx.msk $0xffff, v2  }
0x2eb: {  	[tilespmem:v55+s25+$0x0] =	vst.idx.msk $0xffff, v4;
	v0 =	vmul.f32 $8.000000000e+00, v56;
	v2 =	vadd.s32 v29, v43  }
0x2ec: {  	v4 =	vadd.s32 v7, v42;
	[tilespmem:v57+s25+$0x0] =	vst.idx.msk $0xffff, v3;
	v3 =	vmul.f32 $8.000000000e+00, v58  }
0x2ed: {  	[tilespmem:v59+s25+$0x0] =	vst.idx.msk $0xffff, v0;
	v0 =	vmul.f32 $8.000000000e+00, v60  }
0x2ee: {  	[tilespmem:v61+s25+$0x0] =	vst.idx.msk $0xffff, v3;
	v3 =	vmul.f32 $8.000000000e+00, v62  }
0x2ef: {  	s1 =	sshll.u32 s1, $0x12;
	[tilespmem:v5+s25+$0x0] =	vst.idx.msk $0xffff, v0;
	v0 =	vmul.f32 $8.000000000e+00, v63  }
0x2f0: {  	s5 =	sadd.s32 @!p1 $0x300, s13;
	s1 =	sor.u32 s6, s1;
	[tilespmem:v2+s25+$0x0] =	vst.idx.msk $0xffff, v3  }
0x2f1: {  	s9 =	simm.s32 @!p1 $0x80;
	s11 =	simm.s32 @!p1 $0xA400;
	s1 =	sshrl.u32 s1, $0x3;
	[tilespmem:v4+s25+$0x0] =	vst.idx.msk $0xffff, v0  }
0x2f2: {  	[tilespmem:s11], [sflag:$0x3] =	stream.indirect.gather @!p1 [hbm4b:s4+s9], $0x40, s5, s9, $0xb8;
	[tilespmem:$0x16C00] =	vst v63  }
0x2f3: {  	s11 =	sadd.s32 s2, s1;
	s5 =	simm.s32 $0x14A00  }
0x2f4: {  	[hbm4b:s11+s3] =	stream.linear.scatter [tilespmem:s5], [sflag:$0x8], $0x80, $0x38;
	[tilespmem:$0x16C00] =	vst v63  }
0x2f5: {  	s9 =	simm.s32 $0x14A88;
	s12 =	sadd.s32 $0x10, s11  }
0x2f6: {  	[hbm4b:s12+s3] =	stream.linear.scatter [tilespmem:s9], [sflag:$0x8], $0x80, $0x38;
	[tilespmem:$0x16C00] =	vst v63  }
0x2f7: {  	s13 =	simm.s32 $0x14B10;
	s15 =	simm.s32 $0x14B98;
	s14 =	sadd.s32 $0x20, s11  }
0x2f8: {  	[hbm4b:s14+s3] =	stream.linear.scatter [tilespmem:s13], [sflag:$0x8], $0x80, $0x38;
	[tilespmem:$0x16C00] =	vst v63  }
0x2f9: {  	s1 =	simm.s32 $0x440;
	s16 =	sadd.s32 $0x30, s11;
	s5 =	simm.s32 $0x14DB8  }
0x2fa: {  	[hbm4b:s16+s3] =	stream.linear.scatter [tilespmem:s15], [sflag:$0x8], $0x80, $0x38;
	[tilespmem:$0x16C00] =	vst v63  }
0x2fb: {  	s9 =	simm.s32 $0x14C20;
	s12 =	sadd.s32 $0x40, s11;
	s13 =	simm.s32 $0x14CA8  }
0x2fc: {  	[hbm4b:s12+s3] =	stream.linear.scatter [tilespmem:s9], [sflag:$0x8], $0x80, $0x38;
	[tilespmem:$0x16C00] =	vst v63  }
0x2fd: {  	s14 =	sadd.s32 $0x50, s11;
	s15 =	simm.s32 $0x14D30;
	s16 =	sadd.s32 $0x60, s11  }
0x2fe: {  	[hbm4b:s14+s3] =	stream.linear.scatter [tilespmem:s13], [sflag:$0x8], $0x80, $0x38;
	[tilespmem:$0x16C00] =	vst v63  }
0x2ff: {  	v17 =	vmov v6;
	v6 =	vmov v14;
	s9 =	sadd.s32 $0x70, s11;
	s11 =	sadd.s32 $0x1000, s11;
	s13 =	simm.s32 $0x2200  }
0x300: {  	v25 =	vmovc v10;
	v21 =	vmovc v15;
	v29 =	vmov v12;
	v2 =	vmov v24;
	v0 =	vmov v13;
	[hbm4b:s16+s3] =	stream.linear.scatter [tilespmem:s15], [sflag:$0x8], $0x80, $0x38;
	[tilespmem:$0x16C00] =	vst v63  }
.LBB2_17:
0x301: {  	[hbm4b:s9+s3] =	stream.linear.scatter [tilespmem:s5], [sflag:$0x8], $0x80, $0x38;
	[tilespmem:$0x16C00] =	vst v63  }
0x302: {  	s5 =	smov.u32 s1;
	s1 =	smov.u32 s13  }
0x303: {  	s12 =	sadd.s32 $0x1100, s13;
	s1 =	sshra.s32 s1, $0x2;
	s9 =	sadd.s32 $0x14A00, s5  }
0x304: {  	[hbm4b:s11+s3] =	stream.linear.scatter [tilespmem:s9], [sflag:$0x8], $0x80, $0x38;
	[tilespmem:$0x16C00] =	vst v63  }
0x305: {  	p0 =	sne.s32 s13, $0x7700;
	s13 =	sadd.s32 $0x10, s11;
	s9 =	sadd.s32 $0x14A88, s5  }
0x306: {  	[hbm4b:s13+s3] =	stream.linear.scatter [tilespmem:s9], [sflag:$0x8], $0x80, $0x38;
	[tilespmem:$0x16C00] =	vst v63  }
0x307: {  	s9 =	sadd.s32 $0x14B10, s5;
	s13 =	sadd.s32 $0x20, s11  }
0x308: {  	[hbm4b:s13+s3] =	stream.linear.scatter [tilespmem:s9], [sflag:$0x8], $0x80, $0x38;
	[tilespmem:$0x16C00] =	vst v63  }
0x309: {  	s9 =	sadd.s32 $0x14B98, s5;
	s13 =	sadd.s32 $0x30, s11  }
0x30a: {  	[hbm4b:s13+s3] =	stream.linear.scatter [tilespmem:s9], [sflag:$0x8], $0x80, $0x38;
	[tilespmem:$0x16C00] =	vst v63  }
0x30b: {  	s9 =	sadd.s32 $0x14C20, s5;
	s13 =	sadd.s32 $0x40, s11  }
0x30c: {  	[hbm4b:s13+s3] =	stream.linear.scatter [tilespmem:s9], [sflag:$0x8], $0x80, $0x38;
	[tilespmem:$0x16C00] =	vst v63  }
.Ltmp7:
0x30d: {  	s9 =	sadd.s32 $0x14CA8, s5;
	s13 =	sadd.s32 $0x50, s11;
	(pc) =	sbr.rel @p0 .LBB2_17-.Ltmp7, $4  }
0x30e: {  	[hbm4b:s13+s3] =	stream.linear.scatter [tilespmem:s9], [sflag:$0x8], $0x80, $0x38;
	[tilespmem:$0x16C00] =	vst v63  }
0x30f: {  	s9 =	sadd.s32 $0x14D30, s5;
	s13 =	sadd.s32 $0x60, s11;
	s5 =	sadd.s32 $0x14DB8, s5  }
0x310: {  	[hbm4b:s13+s3] =	stream.linear.scatter [tilespmem:s9], [sflag:$0x8], $0x80, $0x38;
	[tilespmem:$0x16C00] =	vst v63  }
0x311: {  	s9 =	sadd.s32 $0x70, s11;
	s11 =	sadd.s32 $0x1000, s11;
	s13 =	smov.u32 s12  }
0x312: {  	[hbm4b:s9+s3] =	stream.linear.scatter [tilespmem:s5], [sflag:$0x8], $0x80, $0x38;
	[tilespmem:$0x16C00] =	vst v63  }
0x313: {  	s14 =	sadd.s32 $0x14A00, s1;
	v8 =	vld [tilespmem:$0x1FEC0]  }
0x314: {  	v9 =	vld [tilespmem:$0x1FED0];
	[hbm4b:s11+s3] =	stream.linear.scatter [tilespmem:s14], [sflag:$0x8], $0x80, $0x38  }
0x315: {  	s15 =	sadd.s32 $0x14A88, s1;
	s16 =	sadd.s32 $0x10, s11;
	v12 =	vld [tilespmem:$0x1FEE0]  }
0x316: {  	v13 =	vld [tilespmem:$0x1FEF0];
	[hbm4b:s16+s3] =	stream.linear.scatter [tilespmem:s15], [sflag:$0x8], $0x80, $0x38  }
0x317: {  	s9 =	sadd.s32 $0x14B10, s1;
	s12 =	sadd.s32 $0x20, s11;
	v16 =	vld [tilespmem:$0x1FF00]  }
0x318: {  	v20 =	vld [tilespmem:$0x1FF10];
	[hbm4b:s12+s3] =	stream.linear.scatter [tilespmem:s9], [sflag:$0x8], $0x80, $0x38  }
0x319: {  	s13 =	sadd.s32 $0x14B98, s1;
	v24 =	vld [tilespmem:$0x1FF30];
	s14 =	sadd.s32 $0x30, s11  }
0x31a: {  	v27 =	vld [tilespmem:$0x1FF40];
	[hbm4b:s14+s3] =	stream.linear.scatter [tilespmem:s13], [sflag:$0x8], $0x80, $0x38  }
0x31b: {  	s0 =	sadd.s32 $0x1, s0;
	v28 =	vld [tilespmem:$0x1FF50];
	s15 =	sadd.s32 $0x14C20, s1;
	s16 =	sadd.s32 $0x40, s11  }
0x31c: {  	v31 =	vld [tilespmem:$0x1FF60];
	[hbm4b:s16+s3] =	stream.linear.scatter [tilespmem:s15], [sflag:$0x8], $0x80, $0x38  }
0x31d: {  	v32 =	vld [tilespmem:$0x1FF70];
	p0 =	sne.s32 s0, $0x32;
	s9 =	sadd.s32 $0x14CA8, s1;
	s12 =	sadd.s32 $0x50, s11  }
0x31e: {  	v10 =	vld [tilespmem:$0x1FF80];
	[hbm4b:s12+s3] =	stream.linear.scatter [tilespmem:s9], [sflag:$0x8], $0x80, $0x38  }
.Ltmp8:
0x31f: {  	v15 =	vld [tilespmem:$0x1FF90];
	(pc) =	sbr.rel @p0 .LBB2_2-.Ltmp8, $4  }
0x320: {  	v14 =	vld [tilespmem:$0x1FFA0];
	s13 =	sadd.s32 $0x14D30, s1;
	s14 =	sadd.s32 $0x60, s11  }
0x321: {  	v19 =	vld [tilespmem:$0x1FFB0];
	[hbm4b:s14+s3] =	stream.linear.scatter [tilespmem:s13], [sflag:$0x8], $0x80, $0x38  }
0x322: {  	v3 =	vld [tilespmem:$0x1FFC0];
	s15 =	sadd.s32 $0x14DB8, s1;
	s16 =	sadd.s32 $0x70, s11  }
0x323: {  	v5 =	vld [tilespmem:$0x1FFD0];
	v11 =	vmov v0;
	v23 =	vmov v2;
	[hbm4b:s16+s3] =	stream.linear.scatter [tilespmem:s15], [sflag:$0x8], $0x80, $0x38  }
0x324: {  	_ =	swait.ge [sflag:s26], $0x2000  }
0x325: {  	[sflag:s26] =	ssyncset.done $0x0  }
0x326: {  	[sflag:s26] =	ssyncadd.s32 $0xFFFFE000  }
0x327: {  	_ =	swait.ge [sflag:s28], $0x2000  }
0x328: {  	[sflag:s28] =	ssyncset.done $0x0  }
0x329: {  	[sflag:s28] =	ssyncadd.s32 $0xFFFFE000  }
0x32a: {  	_ =	swait.ge [sflag:s29], $0x2000  }
0x32b: {  	[sflag:s29] =	ssyncset.done $0x0  }
0x32c: {  	[sflag:s29] =	ssyncadd.s32 $0xFFFFE000  }
0x32d: {  	_ =	swait.ge [sflag:s30], $0x2000  }
0x32e: {  	s31 =	sadd.s32 $0x1, s31;
	s0 =	rddreg [dreg:$0x4]  }
0x32f: {  	p0 =	sne.s32 s31, s0  }
.Ltmp9:
0x330: {  	_ = 	snop;
	(pc) =	sbr.rel @p0 .LBB2_1-.Ltmp9, $3  }
0x331: {  	_ =	sdelay $0x1  }
0x332: {  	[sflag:s30] =	ssyncset.done $0x0  }
0x333: {  	[sflag:s30] =	ssyncadd.s32 $0xFFFFE000  }
0x334: {  	_ =	sfence.sel $0x180000  }
0x335: {  	[bflag:$0x0] =	sbarrier.arrive $0xFFFF  }
0x336: {  	_ =	strace $0x90000047  }
0x337: {  	s0 =	stileid.u32;
	[bflag:$0x2] =	sbarrier.arrive $0xFFFF  }
0x338: {  	p0 =	sne.s32 s0, $0x0;
	s0 =	rddreg [dreg:$0x2]  }
0x339: {  	s0 =	sadd.s32 @!p0 $0x100000, s0  }
0x33a: {  	[sflag:s0] =	ssyncadd.tile.s32 @!p0 $0x1;
	_ =	shalt  }
.Lfunc_end2:
_tile_overlayer_lowered:
.L_overlay_start_2:
0x33b: {  	(tag) =	ssettag $0x2  }
0x33c: {  	s0 =	rddreg [dreg:$0x0];
	s2 =	stileid.u32  }
0x33d: {  	s1 =	rddreg [dreg:$0x1];
	p0 =	sne.s32 s2, $0x0  }
0x33e: {  	s3 =	rddreg [dreg:$0x2];
	[bflag:$0x3] =	sbarrier.arrive $0xFFFF;
	s2 =	simm.s32 @!p0 $0x1C09  }
0x33f: {  	[timem:s3], [sflag:s2] =	dma.local @!p0 [hbm:s0], s1  }
0x340: {  	s0 =	simm.s32 @!p0 $0x9  }
0x341: {  	_ =	swait.ge @!p0 [sflag:s0], s1  }
0x342: {  	s1 =	ssub.s32 @!p0 $0x0, s1;
	[sflag:s0] =	ssyncset.done @!p0 $0x0  }
0x343: {  	[sflag:s0] =	ssyncadd.s32 @!p0 s1  }
0x344: {  	[bflag:$0x3] =	sbarrier.arrive $0xFFFF  }
0x345: {  	_ =	shalt  }

</sc_bundles>
